<compile_context>
chip_gen: v7x
topology: tpu7x:2x2x1
jax: 0.10.2.dev20260603
libtpu: 0.0.44.dev20260713+nightly
codegen_flags: <defaults>
</compile_context>

<pallas_src>
import functools

import jax
import jax.numpy as jnp
from jax import lax
from jax.experimental import pallas as pl
from jax.experimental.pallas import tpu as pltpu
from jax.experimental.pallas import tpu_sc as plsc

N = 320000
D = 128
L = 16
NC = 2
NS = 16
NW = NC * NS

SC_ROWS = 64000
ROWS_PER_W = SC_ROWS // NW
CHUNK = 200
NCHUNK = ROWS_PER_W // CHUNK

TCM_CHUNK = 1600
TCM_NBUF = 10
TCM_NCHUNK = (N - SC_ROWS) // TCM_CHUNK

_mesh = plsc.VectorSubcoreMesh(core_axis_name="c", subcore_axis_name="s")


@functools.partial(
    pl.kernel,
    mesh=_mesh,
    out_type=jax.ShapeDtypeStruct((NW * D,), jnp.float32),
    scratch_types=[
        pltpu.VMEM((2, CHUNK, D), jnp.float32),
        pltpu.VMEM((D,), jnp.float32),
        pltpu.SemaphoreType.DMA,
        pltpu.SemaphoreType.DMA,
    ],
)
def _sc_partial_sums(data_hbm, out_hbm, buf, accv, sem0, sem1):
    wid = lax.axis_index("s") * NC + lax.axis_index("c")
    base = wid * ROWS_PER_W
    sems = (sem0, sem1)
    UR = 8

    def issue(ci, b):
        start = pl.multiple_of(base + ci * CHUNK, 8)
        pltpu.async_copy(data_hbm.at[pl.ds(start, CHUNK)], buf.at[b], sems[b])

    issue(0, 0)
    issue(1, 1)

    def pair_body(pi, accs):
        for b in range(2):
            ci = pi * 2 + b
            pltpu.make_async_copy(
                data_hbm.at[pl.ds(0, CHUNK)], buf.at[b], sems[b]
            ).wait()

            def row_body(r, a):
                for u in range(UR):
                    a = tuple(
                        a[j] + buf[b, r * UR + u, pl.ds(j * L, L)]
                        for j in range(D // L)
                    )
                return a

            accs = lax.fori_loop(0, CHUNK // UR, row_body, accs)

            @pl.when(ci + 2 < NCHUNK)
            def _():
                issue(ci + 2, b)
        return accs

    zero = jnp.zeros((L,), jnp.float32)
    accs = lax.fori_loop(0, NCHUNK // 2, pair_body, (zero,) * (D // L))
    for j in range(D // L):
        accv[pl.ds(j * L, L)] = accs[j]
    pltpu.sync_copy(accv, out_hbm.at[pl.ds(pl.multiple_of(wid * D, 8), D)])


def _tcm_body(hbm_ref, o_ref, buf, *sems):
    def copy(ci, b):
        start = pl.multiple_of(SC_ROWS + ci * TCM_CHUNK, 8)
        return pltpu.make_async_copy(
            hbm_ref.at[pl.ds(start, TCM_CHUNK)], buf.at[b], sems[b]
        )

    for b in range(TCM_NBUF):
        copy(b, b).start()

    def ring_pass(qi, acc):
        for b in range(TCM_NBUF):
            ci = qi * TCM_NBUF + b
            copy(ci, b).wait()

            for r in range(TCM_CHUNK // 64):
                acc = acc + buf[b, pl.ds(r * 64, 64), :]

            @pl.when(ci + TCM_NBUF < TCM_NCHUNK)
            def _():
                copy(ci + TCM_NBUF, b).start()
        return acc

    acc = lax.fori_loop(
        0, TCM_NCHUNK // TCM_NBUF, ring_pass, jnp.zeros((64, D), jnp.float32)
    )
    o_ref[...] = jnp.sum(acc, axis=0, keepdims=True)


def _tcm_partial(data):
    return pl.pallas_call(
        _tcm_body,
        in_specs=[pl.BlockSpec(memory_space=pltpu.MemorySpace.HBM)],
        out_shape=jax.ShapeDtypeStruct((1, D), jnp.float32),
        scratch_shapes=[
            pltpu.VMEM((TCM_NBUF, TCM_CHUNK, D), jnp.float32),
        ] + [pltpu.SemaphoreType.DMA] * TCM_NBUF,
    )(data)


def _combine_body(parts_ref, tcpart_ref, o_ref):
    total = jnp.sum(parts_ref[...], axis=0, keepdims=True) + tcpart_ref[...]
    o_ref[...] = total * jnp.float32(1.0 / N)


def _combine(sc_parts, tc_part):
    return pl.pallas_call(
        _combine_body,
        out_shape=jax.ShapeDtypeStruct((1, D), jnp.float32),
    )(sc_parts.reshape(NW, D), tc_part)


def kernel(data):
    sc_parts = _sc_partial_sums(data)
    tc_part = _tcm_partial(data)
    return _combine(sc_parts, tc_part)

# --- scband reference (transcript-rebuilt; emitter-appended) ---
"""Pipeline reference for scband-mean-message-aggregator-42125039239195 (READ-ONLY COPY).

The authoritative reference and input builder live on the scoring server;
editing this copy changes nothing except your own understanding.
"""

import jax, jax.numpy as jnp
import numpy as np


def setup_inputs(seed: int = 0) -> dict:
    key = jax.random.key(seed)
    data = jax.random.normal(key, (320000, 128), dtype=jnp.float32)
    return {"data": data}


def reference(data):
    # Original module receives a List[Tensor] and does torch.cat(data).
    # Here the list has a single element, so concatenation is the identity;
    # we keep the concatenate for faithfulness.
    data_cat = jnp.concatenate([data], axis=0)
    mean = jnp.mean(data_cat, axis=0)
    return mean.reshape((1, -1))

if __name__ == "__main__":
    import jax
    _d = setup_inputs()
    print(jax.jit(kernel)(*tuple(_d.values())))

</pallas_src>

<mosaic_0001>
#map = affine_map<(d0, d1) -> (0, 0)>
#map1 = affine_map<(d0, d1) -> (0)>
module attributes {stable_mosaic.version = 14 : i64} {
  func.func @_sc_partial_sums(%arg0: i32, %arg1: i32, %arg2: memref<320000x128xf32, #tpu.memory_space<hbm>>, %arg3: memref<4096xf32, #tpu.memory_space<hbm>>, %arg4: memref<2x200x128xf32, #tpu.memory_space<vmem>>, %arg5: memref<128xf32, #tpu.memory_space<vmem>>, %arg6: memref<!tpu.dma_semaphore, #tpu.memory_space<semaphore_mem>>, %arg7: memref<!tpu.dma_semaphore, #tpu.memory_space<semaphore_mem>>) attributes {dimension_semantics = [#tpu.dimension_semantics<core_parallel>, #tpu.dimension_semantics<subcore_parallel>], iteration_bounds = array<i64: 2, 16>, scalar_prefetch = 0 : i64, scratch_operands = 4 : i64, tpu.core_type = #tpu.core_type<sc_vector_subcore>, window_params = [{transform_indices = #map}, {transform_indices = #map1}]} {
    %mul3A = arith.constant 2 : i32
    %mul3A_0 = arith.muli %arg1, %mul3A : i32
    %add3A = arith.addi %mul3A_0, %arg0 : i32
    %mul3A_1 = arith.constant 2000 : i32
    %mul3A_2 = arith.muli %add3A, %mul3A_1 : i32
    %add3A_3 = arith.constant 0 : i32
    %add3A_4 = arith.addi %mul3A_2, %add3A_3 : i32
    %multiple_of3A = tpu.assume_multiple %add3A_4, 8 : i32
    %dma_start3A = arith.constant 0 : i32
    %dma_start3A_5 = arith.constant 0 : i32
    %dma_start3A_6 = arith.constant 0 : i32
    %dma_start3A_7 = tpu.memref_slice %arg4[%dma_start3A, %dma_start3A_5, %dma_start3A_6] : memref<2x200x128xf32, #tpu.memory_space<vmem>> -> memref<1x200x128xf32, #tpu.memory_space<vmem>>
    %dma_start3A_8 = tpu.memref_squeeze %dma_start3A_7 : memref<1x200x128xf32, #tpu.memory_space<vmem>> -> memref<200x128xf32, #tpu.memory_space<vmem>>
    %dma_start3A_9 = arith.constant 0 : i32
    %dma_start3A_10 = tpu.memref_slice %arg2[%multiple_of3A, %dma_start3A_9] : memref<320000x128xf32, #tpu.memory_space<hbm>> -> memref<200x128xf32, #tpu.memory_space<hbm>>
    %dma_start3A_11 = arith.constant 0 : i32
    %dma_start3A_12 = arith.constant 0 : i32
    %dma_start3A_13 = tpu.memref_slice %arg4[%dma_start3A, %dma_start3A_11, %dma_start3A_12] : memref<2x200x128xf32, #tpu.memory_space<vmem>> -> memref<1x200x128xf32, #tpu.memory_space<vmem>>
    %dma_start3A_14 = tpu.memref_squeeze %dma_start3A_13 : memref<1x200x128xf32, #tpu.memory_space<vmem>> -> memref<200x128xf32, #tpu.memory_space<vmem>>
    %dma_start3A_15 = arith.constant 0 : i32
    %dma_start3A_16 = tpu.memref_slice %arg2[%multiple_of3A, %dma_start3A_15] : memref<320000x128xf32, #tpu.memory_space<hbm>> -> memref<200x128xf32, #tpu.memory_space<hbm>>
    tpu.enqueue_dma source(%dma_start3A_16 : memref<200x128xf32, #tpu.memory_space<hbm>>) target(%dma_start3A_14 : memref<200x128xf32, #tpu.memory_space<vmem>>) target_semaphore(%arg6 : memref<!tpu.dma_semaphore, #tpu.memory_space<semaphore_mem>>)
    %add3A_17 = arith.constant 200 : i32
    %add3A_18 = arith.addi %mul3A_2, %add3A_17 : i32
    %multiple_of3A_19 = tpu.assume_multiple %add3A_18, 8 : i32
    %dma_start3A_20 = arith.constant 1 : i32
    %dma_start3A_21 = arith.constant 0 : i32
    %dma_start3A_22 = arith.constant 0 : i32
    %dma_start3A_23 = tpu.memref_slice %arg4[%dma_start3A_20, %dma_start3A_21, %dma_start3A_22] : memref<2x200x128xf32, #tpu.memory_space<vmem>> -> memref<1x200x128xf32, #tpu.memory_space<vmem>>
    %dma_start3A_24 = tpu.memref_squeeze %dma_start3A_23 : memref<1x200x128xf32, #tpu.memory_space<vmem>> -> memref<200x128xf32, #tpu.memory_space<vmem>>
    %dma_start3A_25 = arith.constant 0 : i32
    %dma_start3A_26 = tpu.memref_slice %arg2[%multiple_of3A_19, %dma_start3A_25] : memref<320000x128xf32, #tpu.memory_space<hbm>> -> memref<200x128xf32, #tpu.memory_space<hbm>>
    %dma_start3A_27 = arith.constant 0 : i32
    %dma_start3A_28 = arith.constant 0 : i32
    %dma_start3A_29 = tpu.memref_slice %arg4[%dma_start3A_20, %dma_start3A_27, %dma_start3A_28] : memref<2x200x128xf32, #tpu.memory_space<vmem>> -> memref<1x200x128xf32, #tpu.memory_space<vmem>>
    %dma_start3A_30 = tpu.memref_squeeze %dma_start3A_29 : memref<1x200x128xf32, #tpu.memory_space<vmem>> -> memref<200x128xf32, #tpu.memory_space<vmem>>
    %dma_start3A_31 = arith.constant 0 : i32
    %dma_start3A_32 = tpu.memref_slice %arg2[%multiple_of3A_19, %dma_start3A_31] : memref<320000x128xf32, #tpu.memory_space<hbm>> -> memref<200x128xf32, #tpu.memory_space<hbm>>
    tpu.enqueue_dma source(%dma_start3A_32 : memref<200x128xf32, #tpu.memory_space<hbm>>) target(%dma_start3A_30 : memref<200x128xf32, #tpu.memory_space<vmem>>) target_semaphore(%arg7 : memref<!tpu.dma_semaphore, #tpu.memory_space<semaphore_mem>>)
    %broadcast_in_dim3A = arith.constant 0.000000e+00 : f32
    %broadcast_in_dim3A_33 = vector.broadcast %broadcast_in_dim3A : f32 to vector<16xf32>
    %scan3A = arith.constant 0 : i32
    %scan3A_34 = arith.constant 5 : i32
    %scan3A_35 = arith.addi %scan3A, %scan3A_34 : i32
    %scan3A_36 = arith.constant 1 : i32
    %scan3A_37:8 = scf.for %scan3A_73 = %scan3A to %scan3A_35 step %scan3A_36 iter_args(%scan3A_74 = %broadcast_in_dim3A_33, %scan3A_75 = %broadcast_in_dim3A_33, %scan3A_76 = %broadcast_in_dim3A_33, %scan3A_77 = %broadcast_in_dim3A_33, %scan3A_78 = %broadcast_in_dim3A_33, %scan3A_79 = %broadcast_in_dim3A_33, %scan3A_80 = %broadcast_in_dim3A_33, %scan3A_81 = %broadcast_in_dim3A_33) -> (vector<16xf32>, vector<16xf32>, vector<16xf32>, vector<16xf32>, vector<16xf32>, vector<16xf32>, vector<16xf32>, vector<16xf32>)  : i32 {
      %mul3A_82 = arith.constant 2 : i32
      %mul3A_83 = arith.muli %scan3A_73, %mul3A_82 : i32
      %add3A_84 = arith.constant 0 : i32
      %add3A_85 = arith.addi %mul3A_83, %add3A_84 : i32
      %dma_wait3A = arith.constant 0 : i32
      %dma_wait3A_86 = arith.constant 0 : i32
      %dma_wait3A_87 = arith.constant 0 : i32
      %dma_wait3A_88 = tpu.memref_slice %arg4[%dma_wait3A, %dma_wait3A_86, %dma_wait3A_87] : memref<2x200x128xf32, #tpu.memory_space<vmem>> -> memref<1x200x128xf32, #tpu.memory_space<vmem>>
      %dma_wait3A_89 = tpu.memref_squeeze %dma_wait3A_88 : memref<1x200x128xf32, #tpu.memory_space<vmem>> -> memref<200x128xf32, #tpu.memory_space<vmem>>
      %dma_wait3A_90 = arith.constant 0 : i32
      %dma_wait3A_91 = arith.constant 0 : i32
      %dma_wait3A_92 = tpu.memref_slice %arg2[%dma_wait3A_90, %dma_wait3A_91] : memref<320000x128xf32, #tpu.memory_space<hbm>> -> memref<200x128xf32, #tpu.memory_space<hbm>>
      %dma_wait3A_93 = arith.constant 0 : i32
      %dma_wait3A_94 = arith.constant 0 : i32
      %dma_wait3A_95 = tpu.memref_slice %arg4[%dma_wait3A, %dma_wait3A_93, %dma_wait3A_94] : memref<2x200x128xf32, #tpu.memory_space<vmem>> -> memref<1x200x128xf32, #tpu.memory_space<vmem>>
      %dma_wait3A_96 = tpu.memref_squeeze %dma_wait3A_95 : memref<1x200x128xf32, #tpu.memory_space<vmem>> -> memref<200x128xf32, #tpu.memory_space<vmem>>
      %dma_wait3A_97 = arith.constant 0 : i32
      %dma_wait3A_98 = arith.constant 0 : i32
      %dma_wait3A_99 = tpu.memref_slice %arg2[%dma_wait3A_97, %dma_wait3A_98] : memref<320000x128xf32, #tpu.memory_space<hbm>> -> memref<200x128xf32, #tpu.memory_space<hbm>>
      tpu.wait_dma2 semaphore(%arg6 : memref<!tpu.dma_semaphore, #tpu.memory_space<semaphore_mem>>) src(%dma_wait3A_99 : memref<200x128xf32, #tpu.memory_space<hbm>>) dst(%dma_wait3A_96 : memref<200x128xf32, #tpu.memory_space<vmem>>)
      %scan3A_100 = arith.constant 0 : i32
      %scan3A_101 = arith.constant 25 : i32
      %scan3A_102 = arith.addi %scan3A_100, %scan3A_101 : i32
      %scan3A_103 = arith.constant 1 : i32
      %scan3A_104:8 = scf.for %scan3A_142 = %scan3A_100 to %scan3A_102 step %scan3A_103 iter_args(%scan3A_143 = %scan3A_74, %scan3A_144 = %scan3A_75, %scan3A_145 = %scan3A_76, %scan3A_146 = %scan3A_77, %scan3A_147 = %scan3A_78, %scan3A_148 = %scan3A_79, %scan3A_149 = %scan3A_80, %scan3A_150 = %scan3A_81) -> (vector<16xf32>, vector<16xf32>, vector<16xf32>, vector<16xf32>, vector<16xf32>, vector<16xf32>, vector<16xf32>, vector<16xf32>)  : i32 {
        %mul3A_151 = arith.constant 8 : i32
        %mul3A_152 = arith.muli %scan3A_142, %mul3A_151 : i32
        %add3A_153 = arith.constant 0 : i32
        %add3A_154 = arith.addi %mul3A_152, %add3A_153 : i32
        %get3A = arith.constant 0 : i32
        %get3A_155 = arith.index_cast %get3A : i32 to index
        %get3A_156 = arith.index_cast %add3A_154 : i32 to index
        %get3A_157 = arith.constant 0 : index
        %get3A_158 = tpu.vector_load %arg4[%get3A_155, %get3A_156, %get3A_157] {strides = array<i32>} : memref<2x200x128xf32, #tpu.memory_space<vmem>>, vector<1x1x16xf32>,
        %get3A_159 = vector.shape_cast %get3A_158 : vector<1x1x16xf32> to vector<16xf32>
        %add3A_160 = arith.addf %scan3A_143, %get3A_159 : vector<16xf32>
        %mul3A_161 = arith.constant 8 : i32
        %mul3A_162 = arith.muli %scan3A_142, %mul3A_161 : i32
        %add3A_163 = arith.constant 0 : i32
        %add3A_164 = arith.addi %mul3A_162, %add3A_163 : i32
        %get3A_165 = arith.constant 0 : i32
        %get3A_166 = arith.index_cast %get3A_165 : i32 to index
        %get3A_167 = arith.index_cast %add3A_164 : i32 to index
        %get3A_168 = arith.constant 16 : index
        %get3A_169 = tpu.vector_load %arg4[%get3A_166, %get3A_167, %get3A_168] {strides = array<i32>} : memref<2x200x128xf32, #tpu.memory_space<vmem>>, vector<1x1x16xf32>,
        %get3A_170 = vector.shape_cast %get3A_169 : vector<1x1x16xf32> to vector<16xf32>
        %add3A_171 = arith.addf %scan3A_144, %get3A_170 : vector<16xf32>
        %mul3A_172 = arith.constant 8 : i32
        %mul3A_173 = arith.muli %scan3A_142, %mul3A_172 : i32
        %add3A_174 = arith.constant 0 : i32
        %add3A_175 = arith.addi %mul3A_173, %add3A_174 : i32
        %get3A_176 = arith.constant 0 : i32
        %get3A_177 = arith.index_cast %get3A_176 : i32 to index
        %get3A_178 = arith.index_cast %add3A_175 : i32 to index
        %get3A_179 = arith.constant 32 : index
        %get3A_180 = tpu.vector_load %arg4[%get3A_177, %get3A_178, %get3A_179] {strides = array<i32>} : memref<2x200x128xf32, #tpu.memory_space<vmem>>, vector<1x1x16xf32>,
        %get3A_181 = vector.shape_cast %get3A_180 : vector<1x1x16xf32> to vector<16xf32>
        %add3A_182 = arith.addf %scan3A_145, %get3A_181 : vector<16xf32>
        %mul3A_183 = arith.constant 8 : i32
        %mul3A_184 = arith.muli %scan3A_142, %mul3A_183 : i32
        %add3A_185 = arith.constant 0 : i32
        %add3A_186 = arith.addi %mul3A_184, %add3A_185 : i32
        %get3A_187 = arith.constant 0 : i32
        %get3A_188 = arith.index_cast %get3A_187 : i32 to index
        %get3A_189 = arith.index_cast %add3A_186 : i32 to index
        %get3A_190 = arith.constant 48 : index
        %get3A_191 = tpu.vector_load %arg4[%get3A_188, %get3A_189, %get3A_190] {strides = array<i32>} : memref<2x200x128xf32, #tpu.memory_space<vmem>>, vector<1x1x16xf32>,
        %get3A_192 = vector.shape_cast %get3A_191 : vector<1x1x16xf32> to vector<16xf32>
        %add3A_193 = arith.addf %scan3A_146, %get3A_192 : vector<16xf32>
        %mul3A_194 = arith.constant 8 : i32
        %mul3A_195 = arith.muli %scan3A_142, %mul3A_194 : i32
        %add3A_196 = arith.constant 0 : i32
        %add3A_197 = arith.addi %mul3A_195, %add3A_196 : i32
        %get3A_198 = arith.constant 0 : i32
        %get3A_199 = arith.index_cast %get3A_198 : i32 to index
        %get3A_200 = arith.index_cast %add3A_197 : i32 to index
        %get3A_201 = arith.constant 64 : index
        %get3A_202 = tpu.vector_load %arg4[%get3A_199, %get3A_200, %get3A_201] {strides = array<i32>} : memref<2x200x128xf32, #tpu.memory_space<vmem>>, vector<1x1x16xf32>,
        %get3A_203 = vector.shape_cast %get3A_202 : vector<1x1x16xf32> to vector<16xf32>
        %add3A_204 = arith.addf %scan3A_147, %get3A_203 : vector<16xf32>
        %mul3A_205 = arith.constant 8 : i32
        %mul3A_206 = arith.muli %scan3A_142, %mul3A_205 : i32
        %add3A_207 = arith.constant 0 : i32
        %add3A_208 = arith.addi %mul3A_206, %add3A_207 : i32
        %get3A_209 = arith.constant 0 : i32
        %get3A_210 = arith.index_cast %get3A_209 : i32 to index
        %get3A_211 = arith.index_cast %add3A_208 : i32 to index
        %get3A_212 = arith.constant 80 : index
        %get3A_213 = tpu.vector_load %arg4[%get3A_210, %get3A_211, %get3A_212] {strides = array<i32>} : memref<2x200x128xf32, #tpu.memory_space<vmem>>, vector<1x1x16xf32>,
        %get3A_214 = vector.shape_cast %get3A_213 : vector<1x1x16xf32> to vector<16xf32>
        %add3A_215 = arith.addf %scan3A_148, %get3A_214 : vector<16xf32>
        %mul3A_216 = arith.constant 8 : i32
        %mul3A_217 = arith.muli %scan3A_142, %mul3A_216 : i32
        %add3A_218 = arith.constant 0 : i32
        %add3A_219 = arith.addi %mul3A_217, %add3A_218 : i32
        %get3A_220 = arith.constant 0 : i32
        %get3A_221 = arith.index_cast %get3A_220 : i32 to index
        %get3A_222 = arith.index_cast %add3A_219 : i32 to index
        %get3A_223 = arith.constant 96 : index
        %get3A_224 = tpu.vector_load %arg4[%get3A_221, %get3A_222, %get3A_223] {strides = array<i32>} : memref<2x200x128xf32, #tpu.memory_space<vmem>>, vector<1x1x16xf32>,
        %get3A_225 = vector.shape_cast %get3A_224 : vector<1x1x16xf32> to vector<16xf32>
        %add3A_226 = arith.addf %scan3A_149, %get3A_225 : vector<16xf32>
        %mul3A_227 = arith.constant 8 : i32
        %mul3A_228 = arith.muli %scan3A_142, %mul3A_227 : i32
        %add3A_229 = arith.constant 0 : i32
        %add3A_230 = arith.addi %mul3A_228, %add3A_229 : i32
        %get3A_231 = arith.constant 0 : i32
        %get3A_232 = arith.index_cast %get3A_231 : i32 to index
        %get3A_233 = arith.index_cast %add3A_230 : i32 to index
        %get3A_234 = arith.constant 112 : index
        %get3A_235 = tpu.vector_load %arg4[%get3A_232, %get3A_233, %get3A_234] {strides = array<i32>} : memref<2x200x128xf32, #tpu.memory_space<vmem>>, vector<1x1x16xf32>,
        %get3A_236 = vector.shape_cast %get3A_235 : vector<1x1x16xf32> to vector<16xf32>
        %add3A_237 = arith.addf %scan3A_150, %get3A_236 : vector<16xf32>
        %mul3A_238 = arith.constant 8 : i32
        %mul3A_239 = arith.muli %scan3A_142, %mul3A_238 : i32
        %add3A_240 = arith.constant 1 : i32
        %add3A_241 = arith.addi %mul3A_239, %add3A_240 : i32
        %get3A_242 = arith.constant 0 : i32
        %get3A_243 = arith.index_cast %get3A_242 : i32 to index
        %get3A_244 = arith.index_cast %add3A_241 : i32 to index
        %get3A_245 = arith.constant 0 : index
        %get3A_246 = tpu.vector_load %arg4[%get3A_243, %get3A_244, %get3A_245] {strides = array<i32>} : memref<2x200x128xf32, #tpu.memory_space<vmem>>, vector<1x1x16xf32>,
        %get3A_247 = vector.shape_cast %get3A_246 : vector<1x1x16xf32> to vector<16xf32>
        %add3A_248 = arith.addf %add3A_160, %get3A_247 : vector<16xf32>
        %mul3A_249 = arith.constant 8 : i32
        %mul3A_250 = arith.muli %scan3A_142, %mul3A_249 : i32
        %add3A_251 = arith.constant 1 : i32
        %add3A_252 = arith.addi %mul3A_250, %add3A_251 : i32
        %get3A_253 = arith.constant 0 : i32
        %get3A_254 = arith.index_cast %get3A_253 : i32 to index
        %get3A_255 = arith.index_cast %add3A_252 : i32 to index
        %get3A_256 = arith.constant 16 : index
        %get3A_257 = tpu.vector_load %arg4[%get3A_254, %get3A_255, %get3A_256] {strides = array<i32>} : memref<2x200x128xf32, #tpu.memory_space<vmem>>, vector<1x1x16xf32>,
        %get3A_258 = vector.shape_cast %get3A_257 : vector<1x1x16xf32> to vector<16xf32>
        %add3A_259 = arith.addf %add3A_171, %get3A_258 : vector<16xf32>
        %mul3A_260 = arith.constant 8 : i32
        %mul3A_261 = arith.muli %scan3A_142, %mul3A_260 : i32
        %add3A_262 = arith.constant 1 : i32
        %add3A_263 = arith.addi %mul3A_261, %add3A_262 : i32
        %get3A_264 = arith.constant 0 : i32
        %get3A_265 = arith.index_cast %get3A_264 : i32 to index
        %get3A_266 = arith.index_cast %add3A_263 : i32 to index
        %get3A_267 = arith.constant 32 : index
        %get3A_268 = tpu.vector_load %arg4[%get3A_265, %get3A_266, %get3A_267] {strides = array<i32>} : memref<2x200x128xf32, #tpu.memory_space<vmem>>, vector<1x1x16xf32>,
        %get3A_269 = vector.shape_cast %get3A_268 : vector<1x1x16xf32> to vector<16xf32>
        %add3A_270 = arith.addf %add3A_182, %get3A_269 : vector<16xf32>
        %mul3A_271 = arith.constant 8 : i32
        %mul3A_272 = arith.muli %scan3A_142, %mul3A_271 : i32
        %add3A_273 = arith.constant 1 : i32
        %add3A_274 = arith.addi %mul3A_272, %add3A_273 : i32
        %get3A_275 = arith.constant 0 : i32
        %get3A_276 = arith.index_cast %get3A_275 : i32 to index
        %get3A_277 = arith.index_cast %add3A_274 : i32 to index
        %get3A_278 = arith.constant 48 : index
        %get3A_279 = tpu.vector_load %arg4[%get3A_276, %get3A_277, %get3A_278] {strides = array<i32>} : memref<2x200x128xf32, #tpu.memory_space<vmem>>, vector<1x1x16xf32>,
        %get3A_280 = vector.shape_cast %get3A_279 : vector<1x1x16xf32> to vector<16xf32>
        %add3A_281 = arith.addf %add3A_193, %get3A_280 : vector<16xf32>
        %mul3A_282 = arith.constant 8 : i32
        %mul3A_283 = arith.muli %scan3A_142, %mul3A_282 : i32
        %add3A_284 = arith.constant 1 : i32
        %add3A_285 = arith.addi %mul3A_283, %add3A_284 : i32
        %get3A_286 = arith.constant 0 : i32
        %get3A_287 = arith.index_cast %get3A_286 : i32 to index
        %get3A_288 = arith.index_cast %add3A_285 : i32 to index
        %get3A_289 = arith.constant 64 : index
        %get3A_290 = tpu.vector_load %arg4[%get3A_287, %get3A_288, %get3A_289] {strides = array<i32>} : memref<2x200x128xf32, #tpu.memory_space<vmem>>, vector<1x1x16xf32>,
        %get3A_291 = vector.shape_cast %get3A_290 : vector<1x1x16xf32> to vector<16xf32>
        %add3A_292 = arith.addf %add3A_204, %get3A_291 : vector<16xf32>
        %mul3A_293 = arith.constant 8 : i32
        %mul3A_294 = arith.muli %scan3A_142, %mul3A_293 : i32
        %add3A_295 = arith.constant 1 : i32
        %add3A_296 = arith.addi %mul3A_294, %add3A_295 : i32
        %get3A_297 = arith.constant 0 : i32
        %get3A_298 = arith.index_cast %get3A_297 : i32 to index
        %get3A_299 = arith.index_cast %add3A_296 : i32 to index
        %get3A_300 = arith.constant 80 : index
        %get3A_301 = tpu.vector_load %arg4[%get3A_298, %get3A_299, %get3A_300] {strides = array<i32>} : memref<2x200x128xf32, #tpu.memory_space<vmem>>, vector<1x1x16xf32>,
        %get3A_302 = vector.shape_cast %get3A_301 : vector<1x1x16xf32> to vector<16xf32>
        %add3A_303 = arith.addf %add3A_215, %get3A_302 : vector<16xf32>
        %mul3A_304 = arith.constant 8 : i32
        %mul3A_305 = arith.muli %scan3A_142, %mul3A_304 : i32
        %add3A_306 = arith.constant 1 : i32
        %add3A_307 = arith.addi %mul3A_305, %add3A_306 : i32
        %get3A_308 = arith.constant 0 : i32
        %get3A_309 = arith.index_cast %get3A_308 : i32 to index
        %get3A_310 = arith.index_cast %add3A_307 : i32 to index
        %get3A_311 = arith.constant 96 : index
        %get3A_312 = tpu.vector_load %arg4[%get3A_309, %get3A_310, %get3A_311] {strides = array<i32>} : memref<2x200x128xf32, #tpu.memory_space<vmem>>, vector<1x1x16xf32>,
        %get3A_313 = vector.shape_cast %get3A_312 : vector<1x1x16xf32> to vector<16xf32>
        %add3A_314 = arith.addf %add3A_226, %get3A_313 : vector<16xf32>
        %mul3A_315 = arith.constant 8 : i32
        %mul3A_316 = arith.muli %scan3A_142, %mul3A_315 : i32
        %add3A_317 = arith.constant 1 : i32
        %add3A_318 = arith.addi %mul3A_316, %add3A_317 : i32
        %get3A_319 = arith.constant 0 : i32
        %get3A_320 = arith.index_cast %get3A_319 : i32 to index
        %get3A_321 = arith.index_cast %add3A_318 : i32 to index
        %get3A_322 = arith.constant 112 : index
        %get3A_323 = tpu.vector_load %arg4[%get3A_320, %get3A_321, %get3A_322] {strides = array<i32>} : memref<2x200x128xf32, #tpu.memory_space<vmem>>, vector<1x1x16xf32>,
        %get3A_324 = vector.shape_cast %get3A_323 : vector<1x1x16xf32> to vector<16xf32>
        %add3A_325 = arith.addf %add3A_237, %get3A_324 : vector<16xf32>
        %mul3A_326 = arith.constant 8 : i32
        %mul3A_327 = arith.muli %scan3A_142, %mul3A_326 : i32
        %add3A_328 = arith.constant 2 : i32
        %add3A_329 = arith.addi %mul3A_327, %add3A_328 : i32
        %get3A_330 = arith.constant 0 : i32
        %get3A_331 = arith.index_cast %get3A_330 : i32 to index
        %get3A_332 = arith.index_cast %add3A_329 : i32 to index
        %get3A_333 = arith.constant 0 : index
        %get3A_334 = tpu.vector_load %arg4[%get3A_331, %get3A_332, %get3A_333] {strides = array<i32>} : memref<2x200x128xf32, #tpu.memory_space<vmem>>, vector<1x1x16xf32>,
        %get3A_335 = vector.shape_cast %get3A_334 : vector<1x1x16xf32> to vector<16xf32>
        %add3A_336 = arith.addf %add3A_248, %get3A_335 : vector<16xf32>
        %mul3A_337 = arith.constant 8 : i32
        %mul3A_338 = arith.muli %scan3A_142, %mul3A_337 : i32
        %add3A_339 = arith.constant 2 : i32
        %add3A_340 = arith.addi %mul3A_338, %add3A_339 : i32
        %get3A_341 = arith.constant 0 : i32
        %get3A_342 = arith.index_cast %get3A_341 : i32 to index
        %get3A_343 = arith.index_cast %add3A_340 : i32 to index
        %get3A_344 = arith.constant 16 : index
        %get3A_345 = tpu.vector_load %arg4[%get3A_342, %get3A_343, %get3A_344] {strides = array<i32>} : memref<2x200x128xf32, #tpu.memory_space<vmem>>, vector<1x1x16xf32>,
        %get3A_346 = vector.shape_cast %get3A_345 : vector<1x1x16xf32> to vector<16xf32>
        %add3A_347 = arith.addf %add3A_259, %get3A_346 : vector<16xf32>
        %mul3A_348 = arith.constant 8 : i32
        %mul3A_349 = arith.muli %scan3A_142, %mul3A_348 : i32
        %add3A_350 = arith.constant 2 : i32
        %add3A_351 = arith.addi %mul3A_349, %add3A_350 : i32
        %get3A_352 = arith.constant 0 : i32
        %get3A_353 = arith.index_cast %get3A_352 : i32 to index
        %get3A_354 = arith.index_cast %add3A_351 : i32 to index
        %get3A_355 = arith.constant 32 : index
        %get3A_356 = tpu.vector_load %arg4[%get3A_353, %get3A_354, %get3A_355] {strides = array<i32>} : memref<2x200x128xf32, #tpu.memory_space<vmem>>, vector<1x1x16xf32>,
        %get3A_357 = vector.shape_cast %get3A_356 : vector<1x1x16xf32> to vector<16xf32>
        %add3A_358 = arith.addf %add3A_270, %get3A_357 : vector<16xf32>
        %mul3A_359 = arith.constant 8 : i32
        %mul3A_360 = arith.muli %scan3A_142, %mul3A_359 : i32
        %add3A_361 = arith.constant 2 : i32
        %add3A_362 = arith.addi %mul3A_360, %add3A_361 : i32
        %get3A_363 = arith.constant 0 : i32
        %get3A_364 = arith.index_cast %get3A_363 : i32 to index
        %get3A_365 = arith.index_cast %add3A_362 : i32 to index
        %get3A_366 = arith.constant 48 : index
        %get3A_367 = tpu.vector_load %arg4[%get3A_364, %get3A_365, %get3A_366] {strides = array<i32>} : memref<2x200x128xf32, #tpu.memory_space<vmem>>, vector<1x1x16xf32>,
        %get3A_368 = vector.shape_cast %get3A_367 : vector<1x1x16xf32> to vector<16xf32>
        %add3A_369 = arith.addf %add3A_281, %get3A_368 : vector<16xf32>
        %mul3A_370 = arith.constant 8 : i32
        %mul3A_371 = arith.muli %scan3A_142, %mul3A_370 : i32
        %add3A_372 = arith.constant 2 : i32
        %add3A_373 = arith.addi %mul3A_371, %add3A_372 : i32
        %get3A_374 = arith.constant 0 : i32
        %get3A_375 = arith.index_cast %get3A_374 : i32 to index
        %get3A_376 = arith.index_cast %add3A_373 : i32 to index
        %get3A_377 = arith.constant 64 : index
        %get3A_378 = tpu.vector_load %arg4[%get3A_375, %get3A_376, %get3A_377] {strides = array<i32>} : memref<2x200x128xf32, #tpu.memory_space<vmem>>, vector<1x1x16xf32>,
        %get3A_379 = vector.shape_cast %get3A_378 : vector<1x1x16xf32> to vector<16xf32>
        %add3A_380 = arith.addf %add3A_292, %get3A_379 : vector<16xf32>
        %mul3A_381 = arith.constant 8 : i32
        %mul3A_382 = arith.muli %scan3A_142, %mul3A_381 : i32
        %add3A_383 = arith.constant 2 : i32
        %add3A_384 = arith.addi %mul3A_382, %add3A_383 : i32
        %get3A_385 = arith.constant 0 : i32
        %get3A_386 = arith.index_cast %get3A_385 : i32 to index
        %get3A_387 = arith.index_cast %add3A_384 : i32 to index
        %get3A_388 = arith.constant 80 : index
        %get3A_389 = tpu.vector_load %arg4[%get3A_386, %get3A_387, %get3A_388] {strides = array<i32>} : memref<2x200x128xf32, #tpu.memory_space<vmem>>, vector<1x1x16xf32>,
        %get3A_390 = vector.shape_cast %get3A_389 : vector<1x1x16xf32> to vector<16xf32>
        %add3A_391 = arith.addf %add3A_303, %get3A_390 : vector<16xf32>
        %mul3A_392 = arith.constant 8 : i32
        %mul3A_393 = arith.muli %scan3A_142, %mul3A_392 : i32
        %add3A_394 = arith.constant 2 : i32
        %add3A_395 = arith.addi %mul3A_393, %add3A_394 : i32
        %get3A_396 = arith.constant 0 : i32
        %get3A_397 = arith.index_cast %get3A_396 : i32 to index
        %get3A_398 = arith.index_cast %add3A_395 : i32 to index
        %get3A_399 = arith.constant 96 : index
        %get3A_400 = tpu.vector_load %arg4[%get3A_397, %get3A_398, %get3A_399] {strides = array<i32>} : memref<2x200x128xf32, #tpu.memory_space<vmem>>, vector<1x1x16xf32>,
        %get3A_401 = vector.shape_cast %get3A_400 : vector<1x1x16xf32> to vector<16xf32>
        %add3A_402 = arith.addf %add3A_314, %get3A_401 : vector<16xf32>
        %mul3A_403 = arith.constant 8 : i32
        %mul3A_404 = arith.muli %scan3A_142, %mul3A_403 : i32
        %add3A_405 = arith.constant 2 : i32
        %add3A_406 = arith.addi %mul3A_404, %add3A_405 : i32
        %get3A_407 = arith.constant 0 : i32
        %get3A_408 = arith.index_cast %get3A_407 : i32 to index
        %get3A_409 = arith.index_cast %add3A_406 : i32 to index
        %get3A_410 = arith.constant 112 : index
        %get3A_411 = tpu.vector_load %arg4[%get3A_408, %get3A_409, %get3A_410] {strides = array<i32>} : memref<2x200x128xf32, #tpu.memory_space<vmem>>, vector<1x1x16xf32>,
        %get3A_412 = vector.shape_cast %get3A_411 : vector<1x1x16xf32> to vector<16xf32>
        %add3A_413 = arith.addf %add3A_325, %get3A_412 : vector<16xf32>
        %mul3A_414 = arith.constant 8 : i32
        %mul3A_415 = arith.muli %scan3A_142, %mul3A_414 : i32
        %add3A_416 = arith.constant 3 : i32
        %add3A_417 = arith.addi %mul3A_415, %add3A_416 : i32
        %get3A_418 = arith.constant 0 : i32
        %get3A_419 = arith.index_cast %get3A_418 : i32 to index
        %get3A_420 = arith.index_cast %add3A_417 : i32 to index
        %get3A_421 = arith.constant 0 : index
        %get3A_422 = tpu.vector_load %arg4[%get3A_419, %get3A_420, %get3A_421] {strides = array<i32>} : memref<2x200x128xf32, #tpu.memory_space<vmem>>, vector<1x1x16xf32>,
        %get3A_423 = vector.shape_cast %get3A_422 : vector<1x1x16xf32> to vector<16xf32>
        %add3A_424 = arith.addf %add3A_336, %get3A_423 : vector<16xf32>
        %mul3A_425 = arith.constant 8 : i32
        %mul3A_426 = arith.muli %scan3A_142, %mul3A_425 : i32
        %add3A_427 = arith.constant 3 : i32
        %add3A_428 = arith.addi %mul3A_426, %add3A_427 : i32
        %get3A_429 = arith.constant 0 : i32
        %get3A_430 = arith.index_cast %get3A_429 : i32 to index
        %get3A_431 = arith.index_cast %add3A_428 : i32 to index
        %get3A_432 = arith.constant 16 : index
        %get3A_433 = tpu.vector_load %arg4[%get3A_430, %get3A_431, %get3A_432] {strides = array<i32>} : memref<2x200x128xf32, #tpu.memory_space<vmem>>, vector<1x1x16xf32>,
        %get3A_434 = vector.shape_cast %get3A_433 : vector<1x1x16xf32> to vector<16xf32>
        %add3A_435 = arith.addf %add3A_347, %get3A_434 : vector<16xf32>
        %mul3A_436 = arith.constant 8 : i32
        %mul3A_437 = arith.muli %scan3A_142, %mul3A_436 : i32
        %add3A_438 = arith.constant 3 : i32
        %add3A_439 = arith.addi %mul3A_437, %add3A_438 : i32
        %get3A_440 = arith.constant 0 : i32
        %get3A_441 = arith.index_cast %get3A_440 : i32 to index
        %get3A_442 = arith.index_cast %add3A_439 : i32 to index
        %get3A_443 = arith.constant 32 : index
        %get3A_444 = tpu.vector_load %arg4[%get3A_441, %get3A_442, %get3A_443] {strides = array<i32>} : memref<2x200x128xf32, #tpu.memory_space<vmem>>, vector<1x1x16xf32>,
        %get3A_445 = vector.shape_cast %get3A_444 : vector<1x1x16xf32> to vector<16xf32>
        %add3A_446 = arith.addf %add3A_358, %get3A_445 : vector<16xf32>
        %mul3A_447 = arith.constant 8 : i32
        %mul3A_448 = arith.muli %scan3A_142, %mul3A_447 : i32
        %add3A_449 = arith.constant 3 : i32
        %add3A_450 = arith.addi %mul3A_448, %add3A_449 : i32
        %get3A_451 = arith.constant 0 : i32
        %get3A_452 = arith.index_cast %get3A_451 : i32 to index
        %get3A_453 = arith.index_cast %add3A_450 : i32 to index
        %get3A_454 = arith.constant 48 : index
        %get3A_455 = tpu.vector_load %arg4[%get3A_452, %get3A_453, %get3A_454] {strides = array<i32>} : memref<2x200x128xf32, #tpu.memory_space<vmem>>, vector<1x1x16xf32>,
        %get3A_456 = vector.shape_cast %get3A_455 : vector<1x1x16xf32> to vector<16xf32>
        %add3A_457 = arith.addf %add3A_369, %get3A_456 : vector<16xf32>
        %mul3A_458 = arith.constant 8 : i32
        %mul3A_459 = arith.muli %scan3A_142, %mul3A_458 : i32
        %add3A_460 = arith.constant 3 : i32
        %add3A_461 = arith.addi %mul3A_459, %add3A_460 : i32
        %get3A_462 = arith.constant 0 : i32
        %get3A_463 = arith.index_cast %get3A_462 : i32 to index
        %get3A_464 = arith.index_cast %add3A_461 : i32 to index
        %get3A_465 = arith.constant 64 : index
        %get3A_466 = tpu.vector_load %arg4[%get3A_463, %get3A_464, %get3A_465] {strides = array<i32>} : memref<2x200x128xf32, #tpu.memory_space<vmem>>, vector<1x1x16xf32>,
        %get3A_467 = vector.shape_cast %get3A_466 : vector<1x1x16xf32> to vector<16xf32>
        %add3A_468 = arith.addf %add3A_380, %get3A_467 : vector<16xf32>
        %mul3A_469 = arith.constant 8 : i32
        %mul3A_470 = arith.muli %scan3A_142, %mul3A_469 : i32
        %add3A_471 = arith.constant 3 : i32
        %add3A_472 = arith.addi %mul3A_470, %add3A_471 : i32
        %get3A_473 = arith.constant 0 : i32
        %get3A_474 = arith.index_cast %get3A_473 : i32 to index
        %get3A_475 = arith.index_cast %add3A_472 : i32 to index
        %get3A_476 = arith.constant 80 : index
        %get3A_477 = tpu.vector_load %arg4[%get3A_474, %get3A_475, %get3A_476] {strides = array<i32>} : memref<2x200x128xf32, #tpu.memory_space<vmem>>, vector<1x1x16xf32>,
        %get3A_478 = vector.shape_cast %get3A_477 : vector<1x1x16xf32> to vector<16xf32>
        %add3A_479 = arith.addf %add3A_391, %get3A_478 : vector<16xf32>
        %mul3A_480 = arith.constant 8 : i32
        %mul3A_481 = arith.muli %scan3A_142, %mul3A_480 : i32
        %add3A_482 = arith.constant 3 : i32
        %add3A_483 = arith.addi %mul3A_481, %add3A_482 : i32
        %get3A_484 = arith.constant 0 : i32
        %get3A_485 = arith.index_cast %get3A_484 : i32 to index
        %get3A_486 = arith.index_cast %add3A_483 : i32 to index
        %get3A_487 = arith.constant 96 : index
        %get3A_488 = tpu.vector_load %arg4[%get3A_485, %get3A_486, %get3A_487] {strides = array<i32>} : memref<2x200x128xf32, #tpu.memory_space<vmem>>, vector<1x1x16xf32>,
        %get3A_489 = vector.shape_cast %get3A_488 : vector<1x1x16xf32> to vector<16xf32>
        %add3A_490 = arith.addf %add3A_402, %get3A_489 : vector<16xf32>
        %mul3A_491 = arith.constant 8 : i32
        %mul3A_492 = arith.muli %scan3A_142, %mul3A_491 : i32
        %add3A_493 = arith.constant 3 : i32
        %add3A_494 = arith.addi %mul3A_492, %add3A_493 : i32
        %get3A_495 = arith.constant 0 : i32
        %get3A_496 = arith.index_cast %get3A_495 : i32 to index
        %get3A_497 = arith.index_cast %add3A_494 : i32 to index
        %get3A_498 = arith.constant 112 : index
        %get3A_499 = tpu.vector_load %arg4[%get3A_496, %get3A_497, %get3A_498] {strides = array<i32>} : memref<2x200x128xf32, #tpu.memory_space<vmem>>, vector<1x1x16xf32>,
        %get3A_500 = vector.shape_cast %get3A_499 : vector<1x1x16xf32> to vector<16xf32>
        %add3A_501 = arith.addf %add3A_413, %get3A_500 : vector<16xf32>
        %mul3A_502 = arith.constant 8 : i32
        %mul3A_503 = arith.muli %scan3A_142, %mul3A_502 : i32
        %add3A_504 = arith.constant 4 : i32
        %add3A_505 = arith.addi %mul3A_503, %add3A_504 : i32
        %get3A_506 = arith.constant 0 : i32
        %get3A_507 = arith.index_cast %get3A_506 : i32 to index
        %get3A_508 = arith.index_cast %add3A_505 : i32 to index
        %get3A_509 = arith.constant 0 : index
        %get3A_510 = tpu.vector_load %arg4[%get3A_507, %get3A_508, %get3A_509] {strides = array<i32>} : memref<2x200x128xf32, #tpu.memory_space<vmem>>, vector<1x1x16xf32>,
        %get3A_511 = vector.shape_cast %get3A_510 : vector<1x1x16xf32> to vector<16xf32>
        %add3A_512 = arith.addf %add3A_424, %get3A_511 : vector<16xf32>
        %mul3A_513 = arith.constant 8 : i32
        %mul3A_514 = arith.muli %scan3A_142, %mul3A_513 : i32
        %add3A_515 = arith.constant 4 : i32
        %add3A_516 = arith.addi %mul3A_514, %add3A_515 : i32
        %get3A_517 = arith.constant 0 : i32
        %get3A_518 = arith.index_cast %get3A_517 : i32 to index
        %get3A_519 = arith.index_cast %add3A_516 : i32 to index
        %get3A_520 = arith.constant 16 : index
        %get3A_521 = tpu.vector_load %arg4[%get3A_518, %get3A_519, %get3A_520] {strides = array<i32>} : memref<2x200x128xf32, #tpu.memory_space<vmem>>, vector<1x1x16xf32>,
        %get3A_522 = vector.shape_cast %get3A_521 : vector<1x1x16xf32> to vector<16xf32>
        %add3A_523 = arith.addf %add3A_435, %get3A_522 : vector<16xf32>
        %mul3A_524 = arith.constant 8 : i32
        %mul3A_525 = arith.muli %scan3A_142, %mul3A_524 : i32
        %add3A_526 = arith.constant 4 : i32
        %add3A_527 = arith.addi %mul3A_525, %add3A_526 : i32
        %get3A_528 = arith.constant 0 : i32
        %get3A_529 = arith.index_cast %get3A_528 : i32 to index
        %get3A_530 = arith.index_cast %add3A_527 : i32 to index
        %get3A_531 = arith.constant 32 : index
        %get3A_532 = tpu.vector_load %arg4[%get3A_529, %get3A_530, %get3A_531] {strides = array<i32>} : memref<2x200x128xf32, #tpu.memory_space<vmem>>, vector<1x1x16xf32>,
        %get3A_533 = vector.shape_cast %get3A_532 : vector<1x1x16xf32> to vector<16xf32>
        %add3A_534 = arith.addf %add3A_446, %get3A_533 : vector<16xf32>
        %mul3A_535 = arith.constant 8 : i32
        %mul3A_536 = arith.muli %scan3A_142, %mul3A_535 : i32
        %add3A_537 = arith.constant 4 : i32
        %add3A_538 = arith.addi %mul3A_536, %add3A_537 : i32
        %get3A_539 = arith.constant 0 : i32
        %get3A_540 = arith.index_cast %get3A_539 : i32 to index
        %get3A_541 = arith.index_cast %add3A_538 : i32 to index
        %get3A_542 = arith.constant 48 : index
        %get3A_543 = tpu.vector_load %arg4[%get3A_540, %get3A_541, %get3A_542] {strides = array<i32>} : memref<2x200x128xf32, #tpu.memory_space<vmem>>, vector<1x1x16xf32>,
        %get3A_544 = vector.shape_cast %get3A_543 : vector<1x1x16xf32> to vector<16xf32>
        %add3A_545 = arith.addf %add3A_457, %get3A_544 : vector<16xf32>
        %mul3A_546 = arith.constant 8 : i32
        %mul3A_547 = arith.muli %scan3A_142, %mul3A_546 : i32
        %add3A_548 = arith.constant 4 : i32
        %add3A_549 = arith.addi %mul3A_547, %add3A_548 : i32
        %get3A_550 = arith.constant 0 : i32
        %get3A_551 = arith.index_cast %get3A_550 : i32 to index
        %get3A_552 = arith.index_cast %add3A_549 : i32 to index
        %get3A_553 = arith.constant 64 : index
        %get3A_554 = tpu.vector_load %arg4[%get3A_551, %get3A_552, %get3A_553] {strides = array<i32>} : memref<2x200x128xf32, #tpu.memory_space<vmem>>, vector<1x1x16xf32>,
        %get3A_555 = vector.shape_cast %get3A_554 : vector<1x1x16xf32> to vector<16xf32>
        %add3A_556 = arith.addf %add3A_468, %get3A_555 : vector<16xf32>
        %mul3A_557 = arith.constant 8 : i32
        %mul3A_558 = arith.muli %scan3A_142, %mul3A_557 : i32
        %add3A_559 = arith.constant 4 : i32
        %add3A_560 = arith.addi %mul3A_558, %add3A_559 : i32
        %get3A_561 = arith.constant 0 : i32
        %get3A_562 = arith.index_cast %get3A_561 : i32 to index
        %get3A_563 = arith.index_cast %add3A_560 : i32 to index
        %get3A_564 = arith.constant 80 : index
        %get3A_565 = tpu.vector_load %arg4[%get3A_562, %get3A_563, %get3A_564] {strides = array<i32>} : memref<2x200x128xf32, #tpu.memory_space<vmem>>, vector<1x1x16xf32>,
        %get3A_566 = vector.shape_cast %get3A_565 : vector<1x1x16xf32> to vector<16xf32>
        %add3A_567 = arith.addf %add3A_479, %get3A_566 : vector<16xf32>
        %mul3A_568 = arith.constant 8 : i32
        %mul3A_569 = arith.muli %scan3A_142, %mul3A_568 : i32
        %add3A_570 = arith.constant 4 : i32
        %add3A_571 = arith.addi %mul3A_569, %add3A_570 : i32
        %get3A_572 = arith.constant 0 : i32
        %get3A_573 = arith.index_cast %get3A_572 : i32 to index
        %get3A_574 = arith.index_cast %add3A_571 : i32 to index
        %get3A_575 = arith.constant 96 : index
        %get3A_576 = tpu.vector_load %arg4[%get3A_573, %get3A_574, %get3A_575] {strides = array<i32>} : memref<2x200x128xf32, #tpu.memory_space<vmem>>, vector<1x1x16xf32>,
        %get3A_577 = vector.shape_cast %get3A_576 : vector<1x1x16xf32> to vector<16xf32>
        %add3A_578 = arith.addf %add3A_490, %get3A_577 : vector<16xf32>
        %mul3A_579 = arith.constant 8 : i32
        %mul3A_580 = arith.muli %scan3A_142, %mul3A_579 : i32
        %add3A_581 = arith.constant 4 : i32
        %add3A_582 = arith.addi %mul3A_580, %add3A_581 : i32
        %get3A_583 = arith.constant 0 : i32
        %get3A_584 = arith.index_cast %get3A_583 : i32 to index
        %get3A_585 = arith.index_cast %add3A_582 : i32 to index
        %get3A_586 = arith.constant 112 : index
        %get3A_587 = tpu.vector_load %arg4[%get3A_584, %get3A_585, %get3A_586] {strides = array<i32>} : memref<2x200x128xf32, #tpu.memory_space<vmem>>, vector<1x1x16xf32>,
        %get3A_588 = vector.shape_cast %get3A_587 : vector<1x1x16xf32> to vector<16xf32>
        %add3A_589 = arith.addf %add3A_501, %get3A_588 : vector<16xf32>
        %mul3A_590 = arith.constant 8 : i32
        %mul3A_591 = arith.muli %scan3A_142, %mul3A_590 : i32
        %add3A_592 = arith.constant 5 : i32
        %add3A_593 = arith.addi %mul3A_591, %add3A_592 : i32
        %get3A_594 = arith.constant 0 : i32
        %get3A_595 = arith.index_cast %get3A_594 : i32 to index
        %get3A_596 = arith.index_cast %add3A_593 : i32 to index
        %get3A_597 = arith.constant 0 : index
        %get3A_598 = tpu.vector_load %arg4[%get3A_595, %get3A_596, %get3A_597] {strides = array<i32>} : memref<2x200x128xf32, #tpu.memory_space<vmem>>, vector<1x1x16xf32>,
        %get3A_599 = vector.shape_cast %get3A_598 : vector<1x1x16xf32> to vector<16xf32>
        %add3A_600 = arith.addf %add3A_512, %get3A_599 : vector<16xf32>
        %mul3A_601 = arith.constant 8 : i32
        %mul3A_602 = arith.muli %scan3A_142, %mul3A_601 : i32
        %add3A_603 = arith.constant 5 : i32
        %add3A_604 = arith.addi %mul3A_602, %add3A_603 : i32
        %get3A_605 = arith.constant 0 : i32
        %get3A_606 = arith.index_cast %get3A_605 : i32 to index
        %get3A_607 = arith.index_cast %add3A_604 : i32 to index
        %get3A_608 = arith.constant 16 : index
        %get3A_609 = tpu.vector_load %arg4[%get3A_606, %get3A_607, %get3A_608] {strides = array<i32>} : memref<2x200x128xf32, #tpu.memory_space<vmem>>, vector<1x1x16xf32>,
        %get3A_610 = vector.shape_cast %get3A_609 : vector<1x1x16xf32> to vector<16xf32>
        %add3A_611 = arith.addf %add3A_523, %get3A_610 : vector<16xf32>
        %mul3A_612 = arith.constant 8 : i32
        %mul3A_613 = arith.muli %scan3A_142, %mul3A_612 : i32
        %add3A_614 = arith.constant 5 : i32
        %add3A_615 = arith.addi %mul3A_613, %add3A_614 : i32
        %get3A_616 = arith.constant 0 : i32
        %get3A_617 = arith.index_cast %get3A_616 : i32 to index
        %get3A_618 = arith.index_cast %add3A_615 : i32 to index
        %get3A_619 = arith.constant 32 : index
        %get3A_620 = tpu.vector_load %arg4[%get3A_617, %get3A_618, %get3A_619] {strides = array<i32>} : memref<2x200x128xf32, #tpu.memory_space<vmem>>, vector<1x1x16xf32>,
        %get3A_621 = vector.shape_cast %get3A_620 : vector<1x1x16xf32> to vector<16xf32>
        %add3A_622 = arith.addf %add3A_534, %get3A_621 : vector<16xf32>
        %mul3A_623 = arith.constant 8 : i32
        %mul3A_624 = arith.muli %scan3A_142, %mul3A_623 : i32
        %add3A_625 = arith.constant 5 : i32
        %add3A_626 = arith.addi %mul3A_624, %add3A_625 : i32
        %get3A_627 = arith.constant 0 : i32
        %get3A_628 = arith.index_cast %get3A_627 : i32 to index
        %get3A_629 = arith.index_cast %add3A_626 : i32 to index
        %get3A_630 = arith.constant 48 : index
        %get3A_631 = tpu.vector_load %arg4[%get3A_628, %get3A_629, %get3A_630] {strides = array<i32>} : memref<2x200x128xf32, #tpu.memory_space<vmem>>, vector<1x1x16xf32>,
        %get3A_632 = vector.shape_cast %get3A_631 : vector<1x1x16xf32> to vector<16xf32>
        %add3A_633 = arith.addf %add3A_545, %get3A_632 : vector<16xf32>
        %mul3A_634 = arith.constant 8 : i32
        %mul3A_635 = arith.muli %scan3A_142, %mul3A_634 : i32
        %add3A_636 = arith.constant 5 : i32
        %add3A_637 = arith.addi %mul3A_635, %add3A_636 : i32
        %get3A_638 = arith.constant 0 : i32
        %get3A_639 = arith.index_cast %get3A_638 : i32 to index
        %get3A_640 = arith.index_cast %add3A_637 : i32 to index
        %get3A_641 = arith.constant 64 : index
        %get3A_642 = tpu.vector_load %arg4[%get3A_639, %get3A_640, %get3A_641] {strides = array<i32>} : memref<2x200x128xf32, #tpu.memory_space<vmem>>, vector<1x1x16xf32>,
        %get3A_643 = vector.shape_cast %get3A_642 : vector<1x1x16xf32> to vector<16xf32>
        %add3A_644 = arith.addf %add3A_556, %get3A_643 : vector<16xf32>
        %mul3A_645 = arith.constant 8 : i32
        %mul3A_646 = arith.muli %scan3A_142, %mul3A_645 : i32
        %add3A_647 = arith.constant 5 : i32
        %add3A_648 = arith.addi %mul3A_646, %add3A_647 : i32
        %get3A_649 = arith.constant 0 : i32
        %get3A_650 = arith.index_cast %get3A_649 : i32 to index
        %get3A_651 = arith.index_cast %add3A_648 : i32 to index
        %get3A_652 = arith.constant 80 : index
        %get3A_653 = tpu.vector_load %arg4[%get3A_650, %get3A_651, %get3A_652] {strides = array<i32>} : memref<2x200x128xf32, #tpu.memory_space<vmem>>, vector<1x1x16xf32>,
        %get3A_654 = vector.shape_cast %get3A_653 : vector<1x1x16xf32> to vector<16xf32>
        %add3A_655 = arith.addf %add3A_567, %get3A_654 : vector<16xf32>
        %mul3A_656 = arith.constant 8 : i32
        %mul3A_657 = arith.muli %scan3A_142, %mul3A_656 : i32
        %add3A_658 = arith.constant 5 : i32
        %add3A_659 = arith.addi %mul3A_657, %add3A_658 : i32
        %get3A_660 = arith.constant 0 : i32
        %get3A_661 = arith.index_cast %get3A_660 : i32 to index
        %get3A_662 = arith.index_cast %add3A_659 : i32 to index
        %get3A_663 = arith.constant 96 : index
        %get3A_664 = tpu.vector_load %arg4[%get3A_661, %get3A_662, %get3A_663] {strides = array<i32>} : memref<2x200x128xf32, #tpu.memory_space<vmem>>, vector<1x1x16xf32>,
        %get3A_665 = vector.shape_cast %get3A_664 : vector<1x1x16xf32> to vector<16xf32>
        %add3A_666 = arith.addf %add3A_578, %get3A_665 : vector<16xf32>
        %mul3A_667 = arith.constant 8 : i32
        %mul3A_668 = arith.muli %scan3A_142, %mul3A_667 : i32
        %add3A_669 = arith.constant 5 : i32
        %add3A_670 = arith.addi %mul3A_668, %add3A_669 : i32
        %get3A_671 = arith.constant 0 : i32
        %get3A_672 = arith.index_cast %get3A_671 : i32 to index
        %get3A_673 = arith.index_cast %add3A_670 : i32 to index
        %get3A_674 = arith.constant 112 : index
        %get3A_675 = tpu.vector_load %arg4[%get3A_672, %get3A_673, %get3A_674] {strides = array<i32>} : memref<2x200x128xf32, #tpu.memory_space<vmem>>, vector<1x1x16xf32>,
        %get3A_676 = vector.shape_cast %get3A_675 : vector<1x1x16xf32> to vector<16xf32>
        %add3A_677 = arith.addf %add3A_589, %get3A_676 : vector<16xf32>
        %mul3A_678 = arith.constant 8 : i32
        %mul3A_679 = arith.muli %scan3A_142, %mul3A_678 : i32
        %add3A_680 = arith.constant 6 : i32
        %add3A_681 = arith.addi %mul3A_679, %add3A_680 : i32
        %get3A_682 = arith.constant 0 : i32
        %get3A_683 = arith.index_cast %get3A_682 : i32 to index
        %get3A_684 = arith.index_cast %add3A_681 : i32 to index
        %get3A_685 = arith.constant 0 : index
        %get3A_686 = tpu.vector_load %arg4[%get3A_683, %get3A_684, %get3A_685] {strides = array<i32>} : memref<2x200x128xf32, #tpu.memory_space<vmem>>, vector<1x1x16xf32>,
        %get3A_687 = vector.shape_cast %get3A_686 : vector<1x1x16xf32> to vector<16xf32>
        %add3A_688 = arith.addf %add3A_600, %get3A_687 : vector<16xf32>
        %mul3A_689 = arith.constant 8 : i32
        %mul3A_690 = arith.muli %scan3A_142, %mul3A_689 : i32
        %add3A_691 = arith.constant 6 : i32
        %add3A_692 = arith.addi %mul3A_690, %add3A_691 : i32
        %get3A_693 = arith.constant 0 : i32
        %get3A_694 = arith.index_cast %get3A_693 : i32 to index
        %get3A_695 = arith.index_cast %add3A_692 : i32 to index
        %get3A_696 = arith.constant 16 : index
        %get3A_697 = tpu.vector_load %arg4[%get3A_694, %get3A_695, %get3A_696] {strides = array<i32>} : memref<2x200x128xf32, #tpu.memory_space<vmem>>, vector<1x1x16xf32>,
        %get3A_698 = vector.shape_cast %get3A_697 : vector<1x1x16xf32> to vector<16xf32>
        %add3A_699 = arith.addf %add3A_611, %get3A_698 : vector<16xf32>
        %mul3A_700 = arith.constant 8 : i32
        %mul3A_701 = arith.muli %scan3A_142, %mul3A_700 : i32
        %add3A_702 = arith.constant 6 : i32
        %add3A_703 = arith.addi %mul3A_701, %add3A_702 : i32
        %get3A_704 = arith.constant 0 : i32
        %get3A_705 = arith.index_cast %get3A_704 : i32 to index
        %get3A_706 = arith.index_cast %add3A_703 : i32 to index
        %get3A_707 = arith.constant 32 : index
        %get3A_708 = tpu.vector_load %arg4[%get3A_705, %get3A_706, %get3A_707] {strides = array<i32>} : memref<2x200x128xf32, #tpu.memory_space<vmem>>, vector<1x1x16xf32>,
        %get3A_709 = vector.shape_cast %get3A_708 : vector<1x1x16xf32> to vector<16xf32>
        %add3A_710 = arith.addf %add3A_622, %get3A_709 : vector<16xf32>
        %mul3A_711 = arith.constant 8 : i32
        %mul3A_712 = arith.muli %scan3A_142, %mul3A_711 : i32
        %add3A_713 = arith.constant 6 : i32
        %add3A_714 = arith.addi %mul3A_712, %add3A_713 : i32
        %get3A_715 = arith.constant 0 : i32
        %get3A_716 = arith.index_cast %get3A_715 : i32 to index
        %get3A_717 = arith.index_cast %add3A_714 : i32 to index
        %get3A_718 = arith.constant 48 : index
        %get3A_719 = tpu.vector_load %arg4[%get3A_716, %get3A_717, %get3A_718] {strides = array<i32>} : memref<2x200x128xf32, #tpu.memory_space<vmem>>, vector<1x1x16xf32>,
        %get3A_720 = vector.shape_cast %get3A_719 : vector<1x1x16xf32> to vector<16xf32>
        %add3A_721 = arith.addf %add3A_633, %get3A_720 : vector<16xf32>
        %mul3A_722 = arith.constant 8 : i32
        %mul3A_723 = arith.muli %scan3A_142, %mul3A_722 : i32
        %add3A_724 = arith.constant 6 : i32
        %add3A_725 = arith.addi %mul3A_723, %add3A_724 : i32
        %get3A_726 = arith.constant 0 : i32
        %get3A_727 = arith.index_cast %get3A_726 : i32 to index
        %get3A_728 = arith.index_cast %add3A_725 : i32 to index
        %get3A_729 = arith.constant 64 : index
        %get3A_730 = tpu.vector_load %arg4[%get3A_727, %get3A_728, %get3A_729] {strides = array<i32>} : memref<2x200x128xf32, #tpu.memory_space<vmem>>, vector<1x1x16xf32>,
        %get3A_731 = vector.shape_cast %get3A_730 : vector<1x1x16xf32> to vector<16xf32>
        %add3A_732 = arith.addf %add3A_644, %get3A_731 : vector<16xf32>
        %mul3A_733 = arith.constant 8 : i32
        %mul3A_734 = arith.muli %scan3A_142, %mul3A_733 : i32
        %add3A_735 = arith.constant 6 : i32
        %add3A_736 = arith.addi %mul3A_734, %add3A_735 : i32
        %get3A_737 = arith.constant 0 : i32
        %get3A_738 = arith.index_cast %get3A_737 : i32 to index
        %get3A_739 = arith.index_cast %add3A_736 : i32 to index
        %get3A_740 = arith.constant 80 : index
        %get3A_741 = tpu.vector_load %arg4[%get3A_738, %get3A_739, %get3A_740] {strides = array<i32>} : memref<2x200x128xf32, #tpu.memory_space<vmem>>, vector<1x1x16xf32>,
        %get3A_742 = vector.shape_cast %get3A_741 : vector<1x1x16xf32> to vector<16xf32>
        %add3A_743 = arith.addf %add3A_655, %get3A_742 : vector<16xf32>
        %mul3A_744 = arith.constant 8 : i32
        %mul3A_745 = arith.muli %scan3A_142, %mul3A_744 : i32
        %add3A_746 = arith.constant 6 : i32
        %add3A_747 = arith.addi %mul3A_745, %add3A_746 : i32
        %get3A_748 = arith.constant 0 : i32
        %get3A_749 = arith.index_cast %get3A_748 : i32 to index
        %get3A_750 = arith.index_cast %add3A_747 : i32 to index
        %get3A_751 = arith.constant 96 : index
        %get3A_752 = tpu.vector_load %arg4[%get3A_749, %get3A_750, %get3A_751] {strides = array<i32>} : memref<2x200x128xf32, #tpu.memory_space<vmem>>, vector<1x1x16xf32>,
        %get3A_753 = vector.shape_cast %get3A_752 : vector<1x1x16xf32> to vector<16xf32>
        %add3A_754 = arith.addf %add3A_666, %get3A_753 : vector<16xf32>
        %mul3A_755 = arith.constant 8 : i32
        %mul3A_756 = arith.muli %scan3A_142, %mul3A_755 : i32
        %add3A_757 = arith.constant 6 : i32
        %add3A_758 = arith.addi %mul3A_756, %add3A_757 : i32
        %get3A_759 = arith.constant 0 : i32
        %get3A_760 = arith.index_cast %get3A_759 : i32 to index
        %get3A_761 = arith.index_cast %add3A_758 : i32 to index
        %get3A_762 = arith.constant 112 : index
        %get3A_763 = tpu.vector_load %arg4[%get3A_760, %get3A_761, %get3A_762] {strides = array<i32>} : memref<2x200x128xf32, #tpu.memory_space<vmem>>, vector<1x1x16xf32>,
        %get3A_764 = vector.shape_cast %get3A_763 : vector<1x1x16xf32> to vector<16xf32>
        %add3A_765 = arith.addf %add3A_677, %get3A_764 : vector<16xf32>
        %mul3A_766 = arith.constant 8 : i32
        %mul3A_767 = arith.muli %scan3A_142, %mul3A_766 : i32
        %add3A_768 = arith.constant 7 : i32
        %add3A_769 = arith.addi %mul3A_767, %add3A_768 : i32
        %get3A_770 = arith.constant 0 : i32
        %get3A_771 = arith.index_cast %get3A_770 : i32 to index
        %get3A_772 = arith.index_cast %add3A_769 : i32 to index
        %get3A_773 = arith.constant 0 : index
        %get3A_774 = tpu.vector_load %arg4[%get3A_771, %get3A_772, %get3A_773] {strides = array<i32>} : memref<2x200x128xf32, #tpu.memory_space<vmem>>, vector<1x1x16xf32>,
        %get3A_775 = vector.shape_cast %get3A_774 : vector<1x1x16xf32> to vector<16xf32>
        %add3A_776 = arith.addf %add3A_688, %get3A_775 : vector<16xf32>
        %mul3A_777 = arith.constant 8 : i32
        %mul3A_778 = arith.muli %scan3A_142, %mul3A_777 : i32
        %add3A_779 = arith.constant 7 : i32
        %add3A_780 = arith.addi %mul3A_778, %add3A_779 : i32
        %get3A_781 = arith.constant 0 : i32
        %get3A_782 = arith.index_cast %get3A_781 : i32 to index
        %get3A_783 = arith.index_cast %add3A_780 : i32 to index
        %get3A_784 = arith.constant 16 : index
        %get3A_785 = tpu.vector_load %arg4[%get3A_782, %get3A_783, %get3A_784] {strides = array<i32>} : memref<2x200x128xf32, #tpu.memory_space<vmem>>, vector<1x1x16xf32>,
        %get3A_786 = vector.shape_cast %get3A_785 : vector<1x1x16xf32> to vector<16xf32>
        %add3A_787 = arith.addf %add3A_699, %get3A_786 : vector<16xf32>
        %mul3A_788 = arith.constant 8 : i32
        %mul3A_789 = arith.muli %scan3A_142, %mul3A_788 : i32
        %add3A_790 = arith.constant 7 : i32
        %add3A_791 = arith.addi %mul3A_789, %add3A_790 : i32
        %get3A_792 = arith.constant 0 : i32
        %get3A_793 = arith.index_cast %get3A_792 : i32 to index
        %get3A_794 = arith.index_cast %add3A_791 : i32 to index
        %get3A_795 = arith.constant 32 : index
        %get3A_796 = tpu.vector_load %arg4[%get3A_793, %get3A_794, %get3A_795] {strides = array<i32>} : memref<2x200x128xf32, #tpu.memory_space<vmem>>, vector<1x1x16xf32>,
        %get3A_797 = vector.shape_cast %get3A_796 : vector<1x1x16xf32> to vector<16xf32>
        %add3A_798 = arith.addf %add3A_710, %get3A_797 : vector<16xf32>
        %mul3A_799 = arith.constant 8 : i32
        %mul3A_800 = arith.muli %scan3A_142, %mul3A_799 : i32
        %add3A_801 = arith.constant 7 : i32
        %add3A_802 = arith.addi %mul3A_800, %add3A_801 : i32
        %get3A_803 = arith.constant 0 : i32
        %get3A_804 = arith.index_cast %get3A_803 : i32 to index
        %get3A_805 = arith.index_cast %add3A_802 : i32 to index
        %get3A_806 = arith.constant 48 : index
        %get3A_807 = tpu.vector_load %arg4[%get3A_804, %get3A_805, %get3A_806] {strides = array<i32>} : memref<2x200x128xf32, #tpu.memory_space<vmem>>, vector<1x1x16xf32>,
        %get3A_808 = vector.shape_cast %get3A_807 : vector<1x1x16xf32> to vector<16xf32>
        %add3A_809 = arith.addf %add3A_721, %get3A_808 : vector<16xf32>
        %mul3A_810 = arith.constant 8 : i32
        %mul3A_811 = arith.muli %scan3A_142, %mul3A_810 : i32
        %add3A_812 = arith.constant 7 : i32
        %add3A_813 = arith.addi %mul3A_811, %add3A_812 : i32
        %get3A_814 = arith.constant 0 : i32
        %get3A_815 = arith.index_cast %get3A_814 : i32 to index
        %get3A_816 = arith.index_cast %add3A_813 : i32 to index
        %get3A_817 = arith.constant 64 : index
        %get3A_818 = tpu.vector_load %arg4[%get3A_815, %get3A_816, %get3A_817] {strides = array<i32>} : memref<2x200x128xf32, #tpu.memory_space<vmem>>, vector<1x1x16xf32>,
        %get3A_819 = vector.shape_cast %get3A_818 : vector<1x1x16xf32> to vector<16xf32>
        %add3A_820 = arith.addf %add3A_732, %get3A_819 : vector<16xf32>
        %mul3A_821 = arith.constant 8 : i32
        %mul3A_822 = arith.muli %scan3A_142, %mul3A_821 : i32
        %add3A_823 = arith.constant 7 : i32
        %add3A_824 = arith.addi %mul3A_822, %add3A_823 : i32
        %get3A_825 = arith.constant 0 : i32
        %get3A_826 = arith.index_cast %get3A_825 : i32 to index
        %get3A_827 = arith.index_cast %add3A_824 : i32 to index
        %get3A_828 = arith.constant 80 : index
        %get3A_829 = tpu.vector_load %arg4[%get3A_826, %get3A_827, %get3A_828] {strides = array<i32>} : memref<2x200x128xf32, #tpu.memory_space<vmem>>, vector<1x1x16xf32>,
        %get3A_830 = vector.shape_cast %get3A_829 : vector<1x1x16xf32> to vector<16xf32>
        %add3A_831 = arith.addf %add3A_743, %get3A_830 : vector<16xf32>
        %mul3A_832 = arith.constant 8 : i32
        %mul3A_833 = arith.muli %scan3A_142, %mul3A_832 : i32
        %add3A_834 = arith.constant 7 : i32
        %add3A_835 = arith.addi %mul3A_833, %add3A_834 : i32
        %get3A_836 = arith.constant 0 : i32
        %get3A_837 = arith.index_cast %get3A_836 : i32 to index
        %get3A_838 = arith.index_cast %add3A_835 : i32 to index
        %get3A_839 = arith.constant 96 : index
        %get3A_840 = tpu.vector_load %arg4[%get3A_837, %get3A_838, %get3A_839] {strides = array<i32>} : memref<2x200x128xf32, #tpu.memory_space<vmem>>, vector<1x1x16xf32>,
        %get3A_841 = vector.shape_cast %get3A_840 : vector<1x1x16xf32> to vector<16xf32>
        %add3A_842 = arith.addf %add3A_754, %get3A_841 : vector<16xf32>
        %mul3A_843 = arith.constant 8 : i32
        %mul3A_844 = arith.muli %scan3A_142, %mul3A_843 : i32
        %add3A_845 = arith.constant 7 : i32
        %add3A_846 = arith.addi %mul3A_844, %add3A_845 : i32
        %get3A_847 = arith.constant 0 : i32
        %get3A_848 = arith.index_cast %get3A_847 : i32 to index
        %get3A_849 = arith.index_cast %add3A_846 : i32 to index
        %get3A_850 = arith.constant 112 : index
        %get3A_851 = tpu.vector_load %arg4[%get3A_848, %get3A_849, %get3A_850] {strides = array<i32>} : memref<2x200x128xf32, #tpu.memory_space<vmem>>, vector<1x1x16xf32>,
        %get3A_852 = vector.shape_cast %get3A_851 : vector<1x1x16xf32> to vector<16xf32>
        %add3A_853 = arith.addf %add3A_765, %get3A_852 : vector<16xf32>
        scf.yield %add3A_776, %add3A_787, %add3A_798, %add3A_809, %add3A_820, %add3A_831, %add3A_842, %add3A_853 : vector<16xf32>, vector<16xf32>, vector<16xf32>, vector<16xf32>, vector<16xf32>, vector<16xf32>, vector<16xf32>, vector<16xf32>
      }
      %scan3A_105 = arith.constant 25 : i32
      %add3A_106 = arith.constant 2 : i32
      %add3A_107 = arith.addi %add3A_85, %add3A_106 : i32
      %lt3A = arith.constant 10 : i32
      %lt3A_108 = arith.cmpi slt, %add3A_107, %lt3A : i32
      %convert_element_type3A = arith.extui %lt3A_108 : i1 to i32
      %cond3A = arith.constant 0 : i32
      %cond3A_109 = arith.cmpi ne, %convert_element_type3A, %cond3A : i32
      scf.if %cond3A_109 {
        %add3A_142 = arith.constant 2 : i32
        %add3A_143 = arith.addi %add3A_85, %add3A_142 : i32
        %mul3A_144 = arith.constant 200 : i32
        %mul3A_145 = arith.muli %add3A_143, %mul3A_144 : i32
        %add3A_146 = arith.addi %mul3A_2, %mul3A_145 : i32
        %multiple_of3A_147 = tpu.assume_multiple %add3A_146, 8 : i32
        %dma_start3A_148 = arith.constant 0 : i32
        %dma_start3A_149 = arith.constant 0 : i32
        %dma_start3A_150 = arith.constant 0 : i32
        %dma_start3A_151 = tpu.memref_slice %arg4[%dma_start3A_148, %dma_start3A_149, %dma_start3A_150] : memref<2x200x128xf32, #tpu.memory_space<vmem>> -> memref<1x200x128xf32, #tpu.memory_space<vmem>>
        %dma_start3A_152 = tpu.memref_squeeze %dma_start3A_151 : memref<1x200x128xf32, #tpu.memory_space<vmem>> -> memref<200x128xf32, #tpu.memory_space<vmem>>
        %dma_start3A_153 = arith.constant 0 : i32
        %dma_start3A_154 = tpu.memref_slice %arg2[%multiple_of3A_147, %dma_start3A_153] : memref<320000x128xf32, #tpu.memory_space<hbm>> -> memref<200x128xf32, #tpu.memory_space<hbm>>
        %dma_start3A_155 = arith.constant 0 : i32
        %dma_start3A_156 = arith.constant 0 : i32
        %dma_start3A_157 = tpu.memref_slice %arg4[%dma_start3A_148, %dma_start3A_155, %dma_start3A_156] : memref<2x200x128xf32, #tpu.memory_space<vmem>> -> memref<1x200x128xf32, #tpu.memory_space<vmem>>
        %dma_start3A_158 = tpu.memref_squeeze %dma_start3A_157 : memref<1x200x128xf32, #tpu.memory_space<vmem>> -> memref<200x128xf32, #tpu.memory_space<vmem>>
        %dma_start3A_159 = arith.constant 0 : i32
        %dma_start3A_160 = tpu.memref_slice %arg2[%multiple_of3A_147, %dma_start3A_159] : memref<320000x128xf32, #tpu.memory_space<hbm>> -> memref<200x128xf32, #tpu.memory_space<hbm>>
        tpu.enqueue_dma source(%dma_start3A_160 : memref<200x128xf32, #tpu.memory_space<hbm>>) target(%dma_start3A_158 : memref<200x128xf32, #tpu.memory_space<vmem>>) target_semaphore(%arg6 : memref<!tpu.dma_semaphore, #tpu.memory_space<semaphore_mem>>)
      } else {
      }
      %mul3A_110 = arith.constant 2 : i32
      %mul3A_111 = arith.muli %scan3A_73, %mul3A_110 : i32
      %add3A_112 = arith.constant 1 : i32
      %add3A_113 = arith.addi %mul3A_111, %add3A_112 : i32
      %dma_wait3A_114 = arith.constant 1 : i32
      %dma_wait3A_115 = arith.constant 0 : i32
      %dma_wait3A_116 = arith.constant 0 : i32
      %dma_wait3A_117 = tpu.memref_slice %arg4[%dma_wait3A_114, %dma_wait3A_115, %dma_wait3A_116] : memref<2x200x128xf32, #tpu.memory_space<vmem>> -> memref<1x200x128xf32, #tpu.memory_space<vmem>>
      %dma_wait3A_118 = tpu.memref_squeeze %dma_wait3A_117 : memref<1x200x128xf32, #tpu.memory_space<vmem>> -> memref<200x128xf32, #tpu.memory_space<vmem>>
      %dma_wait3A_119 = arith.constant 0 : i32
      %dma_wait3A_120 = arith.constant 0 : i32
      %dma_wait3A_121 = tpu.memref_slice %arg2[%dma_wait3A_119, %dma_wait3A_120] : memref<320000x128xf32, #tpu.memory_space<hbm>> -> memref<200x128xf32, #tpu.memory_space<hbm>>
      %dma_wait3A_122 = arith.constant 0 : i32
      %dma_wait3A_123 = arith.constant 0 : i32
      %dma_wait3A_124 = tpu.memref_slice %arg4[%dma_wait3A_114, %dma_wait3A_122, %dma_wait3A_123] : memref<2x200x128xf32, #tpu.memory_space<vmem>> -> memref<1x200x128xf32, #tpu.memory_space<vmem>>
      %dma_wait3A_125 = tpu.memref_squeeze %dma_wait3A_124 : memref<1x200x128xf32, #tpu.memory_space<vmem>> -> memref<200x128xf32, #tpu.memory_space<vmem>>
      %dma_wait3A_126 = arith.constant 0 : i32
      %dma_wait3A_127 = arith.constant 0 : i32
      %dma_wait3A_128 = tpu.memref_slice %arg2[%dma_wait3A_126, %dma_wait3A_127] : memref<320000x128xf32, #tpu.memory_space<hbm>> -> memref<200x128xf32, #tpu.memory_space<hbm>>
      tpu.wait_dma2 semaphore(%arg7 : memref<!tpu.dma_semaphore, #tpu.memory_space<semaphore_mem>>) src(%dma_wait3A_128 : memref<200x128xf32, #tpu.memory_space<hbm>>) dst(%dma_wait3A_125 : memref<200x128xf32, #tpu.memory_space<vmem>>)
      %scan3A_129 = arith.constant 0 : i32
      %scan3A_130 = arith.constant 25 : i32
      %scan3A_131 = arith.addi %scan3A_129, %scan3A_130 : i32
      %scan3A_132 = arith.constant 1 : i32
      %scan3A_133:8 = scf.for %scan3A_142 = %scan3A_129 to %scan3A_131 step %scan3A_132 iter_args(%scan3A_143 = %scan3A_104#0, %scan3A_144 = %scan3A_104#1, %scan3A_145 = %scan3A_104#2, %scan3A_146 = %scan3A_104#3, %scan3A_147 = %scan3A_104#4, %scan3A_148 = %scan3A_104#5, %scan3A_149 = %scan3A_104#6, %scan3A_150 = %scan3A_104#7) -> (vector<16xf32>, vector<16xf32>, vector<16xf32>, vector<16xf32>, vector<16xf32>, vector<16xf32>, vector<16xf32>, vector<16xf32>)  : i32 {
        %mul3A_151 = arith.constant 8 : i32
        %mul3A_152 = arith.muli %scan3A_142, %mul3A_151 : i32
        %add3A_153 = arith.constant 0 : i32
        %add3A_154 = arith.addi %mul3A_152, %add3A_153 : i32
        %get3A = arith.constant 1 : i32
        %get3A_155 = arith.index_cast %get3A : i32 to index
        %get3A_156 = arith.index_cast %add3A_154 : i32 to index
        %get3A_157 = arith.constant 0 : index
        %get3A_158 = tpu.vector_load %arg4[%get3A_155, %get3A_156, %get3A_157] {strides = array<i32>} : memref<2x200x128xf32, #tpu.memory_space<vmem>>, vector<1x1x16xf32>,
        %get3A_159 = vector.shape_cast %get3A_158 : vector<1x1x16xf32> to vector<16xf32>
        %add3A_160 = arith.addf %scan3A_143, %get3A_159 : vector<16xf32>
        %mul3A_161 = arith.constant 8 : i32
        %mul3A_162 = arith.muli %scan3A_142, %mul3A_161 : i32
        %add3A_163 = arith.constant 0 : i32
        %add3A_164 = arith.addi %mul3A_162, %add3A_163 : i32
        %get3A_165 = arith.constant 1 : i32
        %get3A_166 = arith.index_cast %get3A_165 : i32 to index
        %get3A_167 = arith.index_cast %add3A_164 : i32 to index
        %get3A_168 = arith.constant 16 : index
        %get3A_169 = tpu.vector_load %arg4[%get3A_166, %get3A_167, %get3A_168] {strides = array<i32>} : memref<2x200x128xf32, #tpu.memory_space<vmem>>, vector<1x1x16xf32>,
        %get3A_170 = vector.shape_cast %get3A_169 : vector<1x1x16xf32> to vector<16xf32>
        %add3A_171 = arith.addf %scan3A_144, %get3A_170 : vector<16xf32>
        %mul3A_172 = arith.constant 8 : i32
        %mul3A_173 = arith.muli %scan3A_142, %mul3A_172 : i32
        %add3A_174 = arith.constant 0 : i32
        %add3A_175 = arith.addi %mul3A_173, %add3A_174 : i32
        %get3A_176 = arith.constant 1 : i32
        %get3A_177 = arith.index_cast %get3A_176 : i32 to index
        %get3A_178 = arith.index_cast %add3A_175 : i32 to index
        %get3A_179 = arith.constant 32 : index
        %get3A_180 = tpu.vector_load %arg4[%get3A_177, %get3A_178, %get3A_179] {strides = array<i32>} : memref<2x200x128xf32, #tpu.memory_space<vmem>>, vector<1x1x16xf32>,
        %get3A_181 = vector.shape_cast %get3A_180 : vector<1x1x16xf32> to vector<16xf32>
        %add3A_182 = arith.addf %scan3A_145, %get3A_181 : vector<16xf32>
        %mul3A_183 = arith.constant 8 : i32
        %mul3A_184 = arith.muli %scan3A_142, %mul3A_183 : i32
        %add3A_185 = arith.constant 0 : i32
        %add3A_186 = arith.addi %mul3A_184, %add3A_185 : i32
        %get3A_187 = arith.constant 1 : i32
        %get3A_188 = arith.index_cast %get3A_187 : i32 to index
        %get3A_189 = arith.index_cast %add3A_186 : i32 to index
        %get3A_190 = arith.constant 48 : index
        %get3A_191 = tpu.vector_load %arg4[%get3A_188, %get3A_189, %get3A_190] {strides = array<i32>} : memref<2x200x128xf32, #tpu.memory_space<vmem>>, vector<1x1x16xf32>,
        %get3A_192 = vector.shape_cast %get3A_191 : vector<1x1x16xf32> to vector<16xf32>
        %add3A_193 = arith.addf %scan3A_146, %get3A_192 : vector<16xf32>
        %mul3A_194 = arith.constant 8 : i32
        %mul3A_195 = arith.muli %scan3A_142, %mul3A_194 : i32
        %add3A_196 = arith.constant 0 : i32
        %add3A_197 = arith.addi %mul3A_195, %add3A_196 : i32
        %get3A_198 = arith.constant 1 : i32
        %get3A_199 = arith.index_cast %get3A_198 : i32 to index
        %get3A_200 = arith.index_cast %add3A_197 : i32 to index
        %get3A_201 = arith.constant 64 : index
        %get3A_202 = tpu.vector_load %arg4[%get3A_199, %get3A_200, %get3A_201] {strides = array<i32>} : memref<2x200x128xf32, #tpu.memory_space<vmem>>, vector<1x1x16xf32>,
        %get3A_203 = vector.shape_cast %get3A_202 : vector<1x1x16xf32> to vector<16xf32>
        %add3A_204 = arith.addf %scan3A_147, %get3A_203 : vector<16xf32>
        %mul3A_205 = arith.constant 8 : i32
        %mul3A_206 = arith.muli %scan3A_142, %mul3A_205 : i32
        %add3A_207 = arith.constant 0 : i32
        %add3A_208 = arith.addi %mul3A_206, %add3A_207 : i32
        %get3A_209 = arith.constant 1 : i32
        %get3A_210 = arith.index_cast %get3A_209 : i32 to index
        %get3A_211 = arith.index_cast %add3A_208 : i32 to index
        %get3A_212 = arith.constant 80 : index
        %get3A_213 = tpu.vector_load %arg4[%get3A_210, %get3A_211, %get3A_212] {strides = array<i32>} : memref<2x200x128xf32, #tpu.memory_space<vmem>>, vector<1x1x16xf32>,
        %get3A_214 = vector.shape_cast %get3A_213 : vector<1x1x16xf32> to vector<16xf32>
        %add3A_215 = arith.addf %scan3A_148, %get3A_214 : vector<16xf32>
        %mul3A_216 = arith.constant 8 : i32
        %mul3A_217 = arith.muli %scan3A_142, %mul3A_216 : i32
        %add3A_218 = arith.constant 0 : i32
        %add3A_219 = arith.addi %mul3A_217, %add3A_218 : i32
        %get3A_220 = arith.constant 1 : i32
        %get3A_221 = arith.index_cast %get3A_220 : i32 to index
        %get3A_222 = arith.index_cast %add3A_219 : i32 to index
        %get3A_223 = arith.constant 96 : index
        %get3A_224 = tpu.vector_load %arg4[%get3A_221, %get3A_222, %get3A_223] {strides = array<i32>} : memref<2x200x128xf32, #tpu.memory_space<vmem>>, vector<1x1x16xf32>,
        %get3A_225 = vector.shape_cast %get3A_224 : vector<1x1x16xf32> to vector<16xf32>
        %add3A_226 = arith.addf %scan3A_149, %get3A_225 : vector<16xf32>
        %mul3A_227 = arith.constant 8 : i32
        %mul3A_228 = arith.muli %scan3A_142, %mul3A_227 : i32
        %add3A_229 = arith.constant 0 : i32
        %add3A_230 = arith.addi %mul3A_228, %add3A_229 : i32
        %get3A_231 = arith.constant 1 : i32
        %get3A_232 = arith.index_cast %get3A_231 : i32 to index
        %get3A_233 = arith.index_cast %add3A_230 : i32 to index
        %get3A_234 = arith.constant 112 : index
        %get3A_235 = tpu.vector_load %arg4[%get3A_232, %get3A_233, %get3A_234] {strides = array<i32>} : memref<2x200x128xf32, #tpu.memory_space<vmem>>, vector<1x1x16xf32>,
        %get3A_236 = vector.shape_cast %get3A_235 : vector<1x1x16xf32> to vector<16xf32>
        %add3A_237 = arith.addf %scan3A_150, %get3A_236 : vector<16xf32>
        %mul3A_238 = arith.constant 8 : i32
        %mul3A_239 = arith.muli %scan3A_142, %mul3A_238 : i32
        %add3A_240 = arith.constant 1 : i32
        %add3A_241 = arith.addi %mul3A_239, %add3A_240 : i32
        %get3A_242 = arith.constant 1 : i32
        %get3A_243 = arith.index_cast %get3A_242 : i32 to index
        %get3A_244 = arith.index_cast %add3A_241 : i32 to index
        %get3A_245 = arith.constant 0 : index
        %get3A_246 = tpu.vector_load %arg4[%get3A_243, %get3A_244, %get3A_245] {strides = array<i32>} : memref<2x200x128xf32, #tpu.memory_space<vmem>>, vector<1x1x16xf32>,
        %get3A_247 = vector.shape_cast %get3A_246 : vector<1x1x16xf32> to vector<16xf32>
        %add3A_248 = arith.addf %add3A_160, %get3A_247 : vector<16xf32>
        %mul3A_249 = arith.constant 8 : i32
        %mul3A_250 = arith.muli %scan3A_142, %mul3A_249 : i32
        %add3A_251 = arith.constant 1 : i32
        %add3A_252 = arith.addi %mul3A_250, %add3A_251 : i32
        %get3A_253 = arith.constant 1 : i32
        %get3A_254 = arith.index_cast %get3A_253 : i32 to index
        %get3A_255 = arith.index_cast %add3A_252 : i32 to index
        %get3A_256 = arith.constant 16 : index
        %get3A_257 = tpu.vector_load %arg4[%get3A_254, %get3A_255, %get3A_256] {strides = array<i32>} : memref<2x200x128xf32, #tpu.memory_space<vmem>>, vector<1x1x16xf32>,
        %get3A_258 = vector.shape_cast %get3A_257 : vector<1x1x16xf32> to vector<16xf32>
        %add3A_259 = arith.addf %add3A_171, %get3A_258 : vector<16xf32>
        %mul3A_260 = arith.constant 8 : i32
        %mul3A_261 = arith.muli %scan3A_142, %mul3A_260 : i32
        %add3A_262 = arith.constant 1 : i32
        %add3A_263 = arith.addi %mul3A_261, %add3A_262 : i32
        %get3A_264 = arith.constant 1 : i32
        %get3A_265 = arith.index_cast %get3A_264 : i32 to index
        %get3A_266 = arith.index_cast %add3A_263 : i32 to index
        %get3A_267 = arith.constant 32 : index
        %get3A_268 = tpu.vector_load %arg4[%get3A_265, %get3A_266, %get3A_267] {strides = array<i32>} : memref<2x200x128xf32, #tpu.memory_space<vmem>>, vector<1x1x16xf32>,
        %get3A_269 = vector.shape_cast %get3A_268 : vector<1x1x16xf32> to vector<16xf32>
        %add3A_270 = arith.addf %add3A_182, %get3A_269 : vector<16xf32>
        %mul3A_271 = arith.constant 8 : i32
        %mul3A_272 = arith.muli %scan3A_142, %mul3A_271 : i32
        %add3A_273 = arith.constant 1 : i32
        %add3A_274 = arith.addi %mul3A_272, %add3A_273 : i32
        %get3A_275 = arith.constant 1 : i32
        %get3A_276 = arith.index_cast %get3A_275 : i32 to index
        %get3A_277 = arith.index_cast %add3A_274 : i32 to index
        %get3A_278 = arith.constant 48 : index
        %get3A_279 = tpu.vector_load %arg4[%get3A_276, %get3A_277, %get3A_278] {strides = array<i32>} : memref<2x200x128xf32, #tpu.memory_space<vmem>>, vector<1x1x16xf32>,
        %get3A_280 = vector.shape_cast %get3A_279 : vector<1x1x16xf32> to vector<16xf32>
        %add3A_281 = arith.addf %add3A_193, %get3A_280 : vector<16xf32>
        %mul3A_282 = arith.constant 8 : i32
        %mul3A_283 = arith.muli %scan3A_142, %mul3A_282 : i32
        %add3A_284 = arith.constant 1 : i32
        %add3A_285 = arith.addi %mul3A_283, %add3A_284 : i32
        %get3A_286 = arith.constant 1 : i32
        %get3A_287 = arith.index_cast %get3A_286 : i32 to index
        %get3A_288 = arith.index_cast %add3A_285 : i32 to index
        %get3A_289 = arith.constant 64 : index
        %get3A_290 = tpu.vector_load %arg4[%get3A_287, %get3A_288, %get3A_289] {strides = array<i32>} : memref<2x200x128xf32, #tpu.memory_space<vmem>>, vector<1x1x16xf32>,
        %get3A_291 = vector.shape_cast %get3A_290 : vector<1x1x16xf32> to vector<16xf32>
        %add3A_292 = arith.addf %add3A_204, %get3A_291 : vector<16xf32>
        %mul3A_293 = arith.constant 8 : i32
        %mul3A_294 = arith.muli %scan3A_142, %mul3A_293 : i32
        %add3A_295 = arith.constant 1 : i32
        %add3A_296 = arith.addi %mul3A_294, %add3A_295 : i32
        %get3A_297 = arith.constant 1 : i32
        %get3A_298 = arith.index_cast %get3A_297 : i32 to index
        %get3A_299 = arith.index_cast %add3A_296 : i32 to index
        %get3A_300 = arith.constant 80 : index
        %get3A_301 = tpu.vector_load %arg4[%get3A_298, %get3A_299, %get3A_300] {strides = array<i32>} : memref<2x200x128xf32, #tpu.memory_space<vmem>>, vector<1x1x16xf32>,
        %get3A_302 = vector.shape_cast %get3A_301 : vector<1x1x16xf32> to vector<16xf32>
        %add3A_303 = arith.addf %add3A_215, %get3A_302 : vector<16xf32>
        %mul3A_304 = arith.constant 8 : i32
        %mul3A_305 = arith.muli %scan3A_142, %mul3A_304 : i32
        %add3A_306 = arith.constant 1 : i32
        %add3A_307 = arith.addi %mul3A_305, %add3A_306 : i32
        %get3A_308 = arith.constant 1 : i32
        %get3A_309 = arith.index_cast %get3A_308 : i32 to index
        %get3A_310 = arith.index_cast %add3A_307 : i32 to index
        %get3A_311 = arith.constant 96 : index
        %get3A_312 = tpu.vector_load %arg4[%get3A_309, %get3A_310, %get3A_311] {strides = array<i32>} : memref<2x200x128xf32, #tpu.memory_space<vmem>>, vector<1x1x16xf32>,
        %get3A_313 = vector.shape_cast %get3A_312 : vector<1x1x16xf32> to vector<16xf32>
        %add3A_314 = arith.addf %add3A_226, %get3A_313 : vector<16xf32>
        %mul3A_315 = arith.constant 8 : i32
        %mul3A_316 = arith.muli %scan3A_142, %mul3A_315 : i32
        %add3A_317 = arith.constant 1 : i32
        %add3A_318 = arith.addi %mul3A_316, %add3A_317 : i32
        %get3A_319 = arith.constant 1 : i32
        %get3A_320 = arith.index_cast %get3A_319 : i32 to index
        %get3A_321 = arith.index_cast %add3A_318 : i32 to index
        %get3A_322 = arith.constant 112 : index
        %get3A_323 = tpu.vector_load %arg4[%get3A_320, %get3A_321, %get3A_322] {strides = array<i32>} : memref<2x200x128xf32, #tpu.memory_space<vmem>>, vector<1x1x16xf32>,
        %get3A_324 = vector.shape_cast %get3A_323 : vector<1x1x16xf32> to vector<16xf32>
        %add3A_325 = arith.addf %add3A_237, %get3A_324 : vector<16xf32>
        %mul3A_326 = arith.constant 8 : i32
        %mul3A_327 = arith.muli %scan3A_142, %mul3A_326 : i32
        %add3A_328 = arith.constant 2 : i32
        %add3A_329 = arith.addi %mul3A_327, %add3A_328 : i32
        %get3A_330 = arith.constant 1 : i32
        %get3A_331 = arith.index_cast %get3A_330 : i32 to index
        %get3A_332 = arith.index_cast %add3A_329 : i32 to index
        %get3A_333 = arith.constant 0 : index
        %get3A_334 = tpu.vector_load %arg4[%get3A_331, %get3A_332, %get3A_333] {strides = array<i32>} : memref<2x200x128xf32, #tpu.memory_space<vmem>>, vector<1x1x16xf32>,
        %get3A_335 = vector.shape_cast %get3A_334 : vector<1x1x16xf32> to vector<16xf32>
        %add3A_336 = arith.addf %add3A_248, %get3A_335 : vector<16xf32>
        %mul3A_337 = arith.constant 8 : i32
        %mul3A_338 = arith.muli %scan3A_142, %mul3A_337 : i32
        %add3A_339 = arith.constant 2 : i32
        %add3A_340 = arith.addi %mul3A_338, %add3A_339 : i32
        %get3A_341 = arith.constant 1 : i32
        %get3A_342 = arith.index_cast %get3A_341 : i32 to index
        %get3A_343 = arith.index_cast %add3A_340 : i32 to index
        %get3A_344 = arith.constant 16 : index
        %get3A_345 = tpu.vector_load %arg4[%get3A_342, %get3A_343, %get3A_344] {strides = array<i32>} : memref<2x200x128xf32, #tpu.memory_space<vmem>>, vector<1x1x16xf32>,
        %get3A_346 = vector.shape_cast %get3A_345 : vector<1x1x16xf32> to vector<16xf32>
        %add3A_347 = arith.addf %add3A_259, %get3A_346 : vector<16xf32>
        %mul3A_348 = arith.constant 8 : i32
        %mul3A_349 = arith.muli %scan3A_142, %mul3A_348 : i32
        %add3A_350 = arith.constant 2 : i32
        %add3A_351 = arith.addi %mul3A_349, %add3A_350 : i32
        %get3A_352 = arith.constant 1 : i32
        %get3A_353 = arith.index_cast %get3A_352 : i32 to index
        %get3A_354 = arith.index_cast %add3A_351 : i32 to index
        %get3A_355 = arith.constant 32 : index
        %get3A_356 = tpu.vector_load %arg4[%get3A_353, %get3A_354, %get3A_355] {strides = array<i32>} : memref<2x200x128xf32, #tpu.memory_space<vmem>>, vector<1x1x16xf32>,
        %get3A_357 = vector.shape_cast %get3A_356 : vector<1x1x16xf32> to vector<16xf32>
        %add3A_358 = arith.addf %add3A_270, %get3A_357 : vector<16xf32>
        %mul3A_359 = arith.constant 8 : i32
        %mul3A_360 = arith.muli %scan3A_142, %mul3A_359 : i32
        %add3A_361 = arith.constant 2 : i32
        %add3A_362 = arith.addi %mul3A_360, %add3A_361 : i32
        %get3A_363 = arith.constant 1 : i32
        %get3A_364 = arith.index_cast %get3A_363 : i32 to index
        %get3A_365 = arith.index_cast %add3A_362 : i32 to index
        %get3A_366 = arith.constant 48 : index
        %get3A_367 = tpu.vector_load %arg4[%get3A_364, %get3A_365, %get3A_366] {strides = array<i32>} : memref<2x200x128xf32, #tpu.memory_space<vmem>>, vector<1x1x16xf32>,
        %get3A_368 = vector.shape_cast %get3A_367 : vector<1x1x16xf32> to vector<16xf32>
        %add3A_369 = arith.addf %add3A_281, %get3A_368 : vector<16xf32>
        %mul3A_370 = arith.constant 8 : i32
        %mul3A_371 = arith.muli %scan3A_142, %mul3A_370 : i32
        %add3A_372 = arith.constant 2 : i32
        %add3A_373 = arith.addi %mul3A_371, %add3A_372 : i32
        %get3A_374 = arith.constant 1 : i32
        %get3A_375 = arith.index_cast %get3A_374 : i32 to index
        %get3A_376 = arith.index_cast %add3A_373 : i32 to index
        %get3A_377 = arith.constant 64 : index
        %get3A_378 = tpu.vector_load %arg4[%get3A_375, %get3A_376, %get3A_377] {strides = array<i32>} : memref<2x200x128xf32, #tpu.memory_space<vmem>>, vector<1x1x16xf32>,
        %get3A_379 = vector.shape_cast %get3A_378 : vector<1x1x16xf32> to vector<16xf32>
        %add3A_380 = arith.addf %add3A_292, %get3A_379 : vector<16xf32>
        %mul3A_381 = arith.constant 8 : i32
        %mul3A_382 = arith.muli %scan3A_142, %mul3A_381 : i32
        %add3A_383 = arith.constant 2 : i32
        %add3A_384 = arith.addi %mul3A_382, %add3A_383 : i32
        %get3A_385 = arith.constant 1 : i32
        %get3A_386 = arith.index_cast %get3A_385 : i32 to index
        %get3A_387 = arith.index_cast %add3A_384 : i32 to index
        %get3A_388 = arith.constant 80 : index
        %get3A_389 = tpu.vector_load %arg4[%get3A_386, %get3A_387, %get3A_388] {strides = array<i32>} : memref<2x200x128xf32, #tpu.memory_space<vmem>>, vector<1x1x16xf32>,
        %get3A_390 = vector.shape_cast %get3A_389 : vector<1x1x16xf32> to vector<16xf32>
        %add3A_391 = arith.addf %add3A_303, %get3A_390 : vector<16xf32>
        %mul3A_392 = arith.constant 8 : i32
        %mul3A_393 = arith.muli %scan3A_142, %mul3A_392 : i32
        %add3A_394 = arith.constant 2 : i32
        %add3A_395 = arith.addi %mul3A_393, %add3A_394 : i32
        %get3A_396 = arith.constant 1 : i32
        %get3A_397 = arith.index_cast %get3A_396 : i32 to index
        %get3A_398 = arith.index_cast %add3A_395 : i32 to index
        %get3A_399 = arith.constant 96 : index
        %get3A_400 = tpu.vector_load %arg4[%get3A_397, %get3A_398, %get3A_399] {strides = array<i32>} : memref<2x200x128xf32, #tpu.memory_space<vmem>>, vector<1x1x16xf32>,
        %get3A_401 = vector.shape_cast %get3A_400 : vector<1x1x16xf32> to vector<16xf32>
        %add3A_402 = arith.addf %add3A_314, %get3A_401 : vector<16xf32>
        %mul3A_403 = arith.constant 8 : i32
        %mul3A_404 = arith.muli %scan3A_142, %mul3A_403 : i32
        %add3A_405 = arith.constant 2 : i32
        %add3A_406 = arith.addi %mul3A_404, %add3A_405 : i32
        %get3A_407 = arith.constant 1 : i32
        %get3A_408 = arith.index_cast %get3A_407 : i32 to index
        %get3A_409 = arith.index_cast %add3A_406 : i32 to index
        %get3A_410 = arith.constant 112 : index
        %get3A_411 = tpu.vector_load %arg4[%get3A_408, %get3A_409, %get3A_410] {strides = array<i32>} : memref<2x200x128xf32, #tpu.memory_space<vmem>>, vector<1x1x16xf32>,
        %get3A_412 = vector.shape_cast %get3A_411 : vector<1x1x16xf32> to vector<16xf32>
        %add3A_413 = arith.addf %add3A_325, %get3A_412 : vector<16xf32>
        %mul3A_414 = arith.constant 8 : i32
        %mul3A_415 = arith.muli %scan3A_142, %mul3A_414 : i32
        %add3A_416 = arith.constant 3 : i32
        %add3A_417 = arith.addi %mul3A_415, %add3A_416 : i32
        %get3A_418 = arith.constant 1 : i32
        %get3A_419 = arith.index_cast %get3A_418 : i32 to index
        %get3A_420 = arith.index_cast %add3A_417 : i32 to index
        %get3A_421 = arith.constant 0 : index
        %get3A_422 = tpu.vector_load %arg4[%get3A_419, %get3A_420, %get3A_421] {strides = array<i32>} : memref<2x200x128xf32, #tpu.memory_space<vmem>>, vector<1x1x16xf32>,
        %get3A_423 = vector.shape_cast %get3A_422 : vector<1x1x16xf32> to vector<16xf32>
        %add3A_424 = arith.addf %add3A_336, %get3A_423 : vector<16xf32>
        %mul3A_425 = arith.constant 8 : i32
        %mul3A_426 = arith.muli %scan3A_142, %mul3A_425 : i32
        %add3A_427 = arith.constant 3 : i32
        %add3A_428 = arith.addi %mul3A_426, %add3A_427 : i32
        %get3A_429 = arith.constant 1 : i32
        %get3A_430 = arith.index_cast %get3A_429 : i32 to index
        %get3A_431 = arith.index_cast %add3A_428 : i32 to index
        %get3A_432 = arith.constant 16 : index
        %get3A_433 = tpu.vector_load %arg4[%get3A_430, %get3A_431, %get3A_432] {strides = array<i32>} : memref<2x200x128xf32, #tpu.memory_space<vmem>>, vector<1x1x16xf32>,
        %get3A_434 = vector.shape_cast %get3A_433 : vector<1x1x16xf32> to vector<16xf32>
        %add3A_435 = arith.addf %add3A_347, %get3A_434 : vector<16xf32>
        %mul3A_436 = arith.constant 8 : i32
        %mul3A_437 = arith.muli %scan3A_142, %mul3A_436 : i32
        %add3A_438 = arith.constant 3 : i32
        %add3A_439 = arith.addi %mul3A_437, %add3A_438 : i32
        %get3A_440 = arith.constant 1 : i32
        %get3A_441 = arith.index_cast %get3A_440 : i32 to index
        %get3A_442 = arith.index_cast %add3A_439 : i32 to index
        %get3A_443 = arith.constant 32 : index
        %get3A_444 = tpu.vector_load %arg4[%get3A_441, %get3A_442, %get3A_443] {strides = array<i32>} : memref<2x200x128xf32, #tpu.memory_space<vmem>>, vector<1x1x16xf32>,
        %get3A_445 = vector.shape_cast %get3A_444 : vector<1x1x16xf32> to vector<16xf32>
        %add3A_446 = arith.addf %add3A_358, %get3A_445 : vector<16xf32>
        %mul3A_447 = arith.constant 8 : i32
        %mul3A_448 = arith.muli %scan3A_142, %mul3A_447 : i32
        %add3A_449 = arith.constant 3 : i32
        %add3A_450 = arith.addi %mul3A_448, %add3A_449 : i32
        %get3A_451 = arith.constant 1 : i32
        %get3A_452 = arith.index_cast %get3A_451 : i32 to index
        %get3A_453 = arith.index_cast %add3A_450 : i32 to index
        %get3A_454 = arith.constant 48 : index
        %get3A_455 = tpu.vector_load %arg4[%get3A_452, %get3A_453, %get3A_454] {strides = array<i32>} : memref<2x200x128xf32, #tpu.memory_space<vmem>>, vector<1x1x16xf32>,
        %get3A_456 = vector.shape_cast %get3A_455 : vector<1x1x16xf32> to vector<16xf32>
        %add3A_457 = arith.addf %add3A_369, %get3A_456 : vector<16xf32>
        %mul3A_458 = arith.constant 8 : i32
        %mul3A_459 = arith.muli %scan3A_142, %mul3A_458 : i32
        %add3A_460 = arith.constant 3 : i32
        %add3A_461 = arith.addi %mul3A_459, %add3A_460 : i32
        %get3A_462 = arith.constant 1 : i32
        %get3A_463 = arith.index_cast %get3A_462 : i32 to index
        %get3A_464 = arith.index_cast %add3A_461 : i32 to index
        %get3A_465 = arith.constant 64 : index
        %get3A_466 = tpu.vector_load %arg4[%get3A_463, %get3A_464, %get3A_465] {strides = array<i32>} : memref<2x200x128xf32, #tpu.memory_space<vmem>>, vector<1x1x16xf32>,
        %get3A_467 = vector.shape_cast %get3A_466 : vector<1x1x16xf32> to vector<16xf32>
        %add3A_468 = arith.addf %add3A_380, %get3A_467 : vector<16xf32>
        %mul3A_469 = arith.constant 8 : i32
        %mul3A_470 = arith.muli %scan3A_142, %mul3A_469 : i32
        %add3A_471 = arith.constant 3 : i32
        %add3A_472 = arith.addi %mul3A_470, %add3A_471 : i32
        %get3A_473 = arith.constant 1 : i32
        %get3A_474 = arith.index_cast %get3A_473 : i32 to index
        %get3A_475 = arith.index_cast %add3A_472 : i32 to index
        %get3A_476 = arith.constant 80 : index
        %get3A_477 = tpu.vector_load %arg4[%get3A_474, %get3A_475, %get3A_476] {strides = array<i32>} : memref<2x200x128xf32, #tpu.memory_space<vmem>>, vector<1x1x16xf32>,
        %get3A_478 = vector.shape_cast %get3A_477 : vector<1x1x16xf32> to vector<16xf32>
        %add3A_479 = arith.addf %add3A_391, %get3A_478 : vector<16xf32>
        %mul3A_480 = arith.constant 8 : i32
        %mul3A_481 = arith.muli %scan3A_142, %mul3A_480 : i32
        %add3A_482 = arith.constant 3 : i32
        %add3A_483 = arith.addi %mul3A_481, %add3A_482 : i32
        %get3A_484 = arith.constant 1 : i32
        %get3A_485 = arith.index_cast %get3A_484 : i32 to index
        %get3A_486 = arith.index_cast %add3A_483 : i32 to index
        %get3A_487 = arith.constant 96 : index
        %get3A_488 = tpu.vector_load %arg4[%get3A_485, %get3A_486, %get3A_487] {strides = array<i32>} : memref<2x200x128xf32, #tpu.memory_space<vmem>>, vector<1x1x16xf32>,
        %get3A_489 = vector.shape_cast %get3A_488 : vector<1x1x16xf32> to vector<16xf32>
        %add3A_490 = arith.addf %add3A_402, %get3A_489 : vector<16xf32>
        %mul3A_491 = arith.constant 8 : i32
        %mul3A_492 = arith.muli %scan3A_142, %mul3A_491 : i32
        %add3A_493 = arith.constant 3 : i32
        %add3A_494 = arith.addi %mul3A_492, %add3A_493 : i32
        %get3A_495 = arith.constant 1 : i32
        %get3A_496 = arith.index_cast %get3A_495 : i32 to index
        %get3A_497 = arith.index_cast %add3A_494 : i32 to index
        %get3A_498 = arith.constant 112 : index
        %get3A_499 = tpu.vector_load %arg4[%get3A_496, %get3A_497, %get3A_498] {strides = array<i32>} : memref<2x200x128xf32, #tpu.memory_space<vmem>>, vector<1x1x16xf32>,
        %get3A_500 = vector.shape_cast %get3A_499 : vector<1x1x16xf32> to vector<16xf32>
        %add3A_501 = arith.addf %add3A_413, %get3A_500 : vector<16xf32>
        %mul3A_502 = arith.constant 8 : i32
        %mul3A_503 = arith.muli %scan3A_142, %mul3A_502 : i32
        %add3A_504 = arith.constant 4 : i32
        %add3A_505 = arith.addi %mul3A_503, %add3A_504 : i32
        %get3A_506 = arith.constant 1 : i32
        %get3A_507 = arith.index_cast %get3A_506 : i32 to index
        %get3A_508 = arith.index_cast %add3A_505 : i32 to index
        %get3A_509 = arith.constant 0 : index
        %get3A_510 = tpu.vector_load %arg4[%get3A_507, %get3A_508, %get3A_509] {strides = array<i32>} : memref<2x200x128xf32, #tpu.memory_space<vmem>>, vector<1x1x16xf32>,
        %get3A_511 = vector.shape_cast %get3A_510 : vector<1x1x16xf32> to vector<16xf32>
        %add3A_512 = arith.addf %add3A_424, %get3A_511 : vector<16xf32>
        %mul3A_513 = arith.constant 8 : i32
        %mul3A_514 = arith.muli %scan3A_142, %mul3A_513 : i32
        %add3A_515 = arith.constant 4 : i32
        %add3A_516 = arith.addi %mul3A_514, %add3A_515 : i32
        %get3A_517 = arith.constant 1 : i32
        %get3A_518 = arith.index_cast %get3A_517 : i32 to index
        %get3A_519 = arith.index_cast %add3A_516 : i32 to index
        %get3A_520 = arith.constant 16 : index
        %get3A_521 = tpu.vector_load %arg4[%get3A_518, %get3A_519, %get3A_520] {strides = array<i32>} : memref<2x200x128xf32, #tpu.memory_space<vmem>>, vector<1x1x16xf32>,
        %get3A_522 = vector.shape_cast %get3A_521 : vector<1x1x16xf32> to vector<16xf32>
        %add3A_523 = arith.addf %add3A_435, %get3A_522 : vector<16xf32>
        %mul3A_524 = arith.constant 8 : i32
        %mul3A_525 = arith.muli %scan3A_142, %mul3A_524 : i32
        %add3A_526 = arith.constant 4 : i32
        %add3A_527 = arith.addi %mul3A_525, %add3A_526 : i32
        %get3A_528 = arith.constant 1 : i32
        %get3A_529 = arith.index_cast %get3A_528 : i32 to index
        %get3A_530 = arith.index_cast %add3A_527 : i32 to index
        %get3A_531 = arith.constant 32 : index
        %get3A_532 = tpu.vector_load %arg4[%get3A_529, %get3A_530, %get3A_531] {strides = array<i32>} : memref<2x200x128xf32, #tpu.memory_space<vmem>>, vector<1x1x16xf32>,
        %get3A_533 = vector.shape_cast %get3A_532 : vector<1x1x16xf32> to vector<16xf32>
        %add3A_534 = arith.addf %add3A_446, %get3A_533 : vector<16xf32>
        %mul3A_535 = arith.constant 8 : i32
        %mul3A_536 = arith.muli %scan3A_142, %mul3A_535 : i32
        %add3A_537 = arith.constant 4 : i32
        %add3A_538 = arith.addi %mul3A_536, %add3A_537 : i32
        %get3A_539 = arith.constant 1 : i32
        %get3A_540 = arith.index_cast %get3A_539 : i32 to index
        %get3A_541 = arith.index_cast %add3A_538 : i32 to index
        %get3A_542 = arith.constant 48 : index
        %get3A_543 = tpu.vector_load %arg4[%get3A_540, %get3A_541, %get3A_542] {strides = array<i32>} : memref<2x200x128xf32, #tpu.memory_space<vmem>>, vector<1x1x16xf32>,
        %get3A_544 = vector.shape_cast %get3A_543 : vector<1x1x16xf32> to vector<16xf32>
        %add3A_545 = arith.addf %add3A_457, %get3A_544 : vector<16xf32>
        %mul3A_546 = arith.constant 8 : i32
        %mul3A_547 = arith.muli %scan3A_142, %mul3A_546 : i32
        %add3A_548 = arith.constant 4 : i32
        %add3A_549 = arith.addi %mul3A_547, %add3A_548 : i32
        %get3A_550 = arith.constant 1 : i32
        %get3A_551 = arith.index_cast %get3A_550 : i32 to index
        %get3A_552 = arith.index_cast %add3A_549 : i32 to index
        %get3A_553 = arith.constant 64 : index
        %get3A_554 = tpu.vector_load %arg4[%get3A_551, %get3A_552, %get3A_553] {strides = array<i32>} : memref<2x200x128xf32, #tpu.memory_space<vmem>>, vector<1x1x16xf32>,
        %get3A_555 = vector.shape_cast %get3A_554 : vector<1x1x16xf32> to vector<16xf32>
        %add3A_556 = arith.addf %add3A_468, %get3A_555 : vector<16xf32>
        %mul3A_557 = arith.constant 8 : i32
        %mul3A_558 = arith.muli %scan3A_142, %mul3A_557 : i32
        %add3A_559 = arith.constant 4 : i32
        %add3A_560 = arith.addi %mul3A_558, %add3A_559 : i32
        %get3A_561 = arith.constant 1 : i32
        %get3A_562 = arith.index_cast %get3A_561 : i32 to index
        %get3A_563 = arith.index_cast %add3A_560 : i32 to index
        %get3A_564 = arith.constant 80 : index
        %get3A_565 = tpu.vector_load %arg4[%get3A_562, %get3A_563, %get3A_564] {strides = array<i32>} : memref<2x200x128xf32, #tpu.memory_space<vmem>>, vector<1x1x16xf32>,
        %get3A_566 = vector.shape_cast %get3A_565 : vector<1x1x16xf32> to vector<16xf32>
        %add3A_567 = arith.addf %add3A_479, %get3A_566 : vector<16xf32>
        %mul3A_568 = arith.constant 8 : i32
        %mul3A_569 = arith.muli %scan3A_142, %mul3A_568 : i32
        %add3A_570 = arith.constant 4 : i32
        %add3A_571 = arith.addi %mul3A_569, %add3A_570 : i32
        %get3A_572 = arith.constant 1 : i32
        %get3A_573 = arith.index_cast %get3A_572 : i32 to index
        %get3A_574 = arith.index_cast %add3A_571 : i32 to index
        %get3A_575 = arith.constant 96 : index
        %get3A_576 = tpu.vector_load %arg4[%get3A_573, %get3A_574, %get3A_575] {strides = array<i32>} : memref<2x200x128xf32, #tpu.memory_space<vmem>>, vector<1x1x16xf32>,
        %get3A_577 = vector.shape_cast %get3A_576 : vector<1x1x16xf32> to vector<16xf32>
        %add3A_578 = arith.addf %add3A_490, %get3A_577 : vector<16xf32>
        %mul3A_579 = arith.constant 8 : i32
        %mul3A_580 = arith.muli %scan3A_142, %mul3A_579 : i32
        %add3A_581 = arith.constant 4 : i32
        %add3A_582 = arith.addi %mul3A_580, %add3A_581 : i32
        %get3A_583 = arith.constant 1 : i32
        %get3A_584 = arith.index_cast %get3A_583 : i32 to index
        %get3A_585 = arith.index_cast %add3A_582 : i32 to index
        %get3A_586 = arith.constant 112 : index
        %get3A_587 = tpu.vector_load %arg4[%get3A_584, %get3A_585, %get3A_586] {strides = array<i32>} : memref<2x200x128xf32, #tpu.memory_space<vmem>>, vector<1x1x16xf32>,
        %get3A_588 = vector.shape_cast %get3A_587 : vector<1x1x16xf32> to vector<16xf32>
        %add3A_589 = arith.addf %add3A_501, %get3A_588 : vector<16xf32>
        %mul3A_590 = arith.constant 8 : i32
        %mul3A_591 = arith.muli %scan3A_142, %mul3A_590 : i32
        %add3A_592 = arith.constant 5 : i32
        %add3A_593 = arith.addi %mul3A_591, %add3A_592 : i32
        %get3A_594 = arith.constant 1 : i32
        %get3A_595 = arith.index_cast %get3A_594 : i32 to index
        %get3A_596 = arith.index_cast %add3A_593 : i32 to index
        %get3A_597 = arith.constant 0 : index
        %get3A_598 = tpu.vector_load %arg4[%get3A_595, %get3A_596, %get3A_597] {strides = array<i32>} : memref<2x200x128xf32, #tpu.memory_space<vmem>>, vector<1x1x16xf32>,
        %get3A_599 = vector.shape_cast %get3A_598 : vector<1x1x16xf32> to vector<16xf32>
        %add3A_600 = arith.addf %add3A_512, %get3A_599 : vector<16xf32>
        %mul3A_601 = arith.constant 8 : i32
        %mul3A_602 = arith.muli %scan3A_142, %mul3A_601 : i32
        %add3A_603 = arith.constant 5 : i32
        %add3A_604 = arith.addi %mul3A_602, %add3A_603 : i32
        %get3A_605 = arith.constant 1 : i32
        %get3A_606 = arith.index_cast %get3A_605 : i32 to index
        %get3A_607 = arith.index_cast %add3A_604 : i32 to index
        %get3A_608 = arith.constant 16 : index
        %get3A_609 = tpu.vector_load %arg4[%get3A_606, %get3A_607, %get3A_608] {strides = array<i32>} : memref<2x200x128xf32, #tpu.memory_space<vmem>>, vector<1x1x16xf32>,
        %get3A_610 = vector.shape_cast %get3A_609 : vector<1x1x16xf32> to vector<16xf32>
        %add3A_611 = arith.addf %add3A_523, %get3A_610 : vector<16xf32>
        %mul3A_612 = arith.constant 8 : i32
        %mul3A_613 = arith.muli %scan3A_142, %mul3A_612 : i32
        %add3A_614 = arith.constant 5 : i32
        %add3A_615 = arith.addi %mul3A_613, %add3A_614 : i32
        %get3A_616 = arith.constant 1 : i32
        %get3A_617 = arith.index_cast %get3A_616 : i32 to index
        %get3A_618 = arith.index_cast %add3A_615 : i32 to index
        %get3A_619 = arith.constant 32 : index
        %get3A_620 = tpu.vector_load %arg4[%get3A_617, %get3A_618, %get3A_619] {strides = array<i32>} : memref<2x200x128xf32, #tpu.memory_space<vmem>>, vector<1x1x16xf32>,
        %get3A_621 = vector.shape_cast %get3A_620 : vector<1x1x16xf32> to vector<16xf32>
        %add3A_622 = arith.addf %add3A_534, %get3A_621 : vector<16xf32>
        %mul3A_623 = arith.constant 8 : i32
        %mul3A_624 = arith.muli %scan3A_142, %mul3A_623 : i32
        %add3A_625 = arith.constant 5 : i32
        %add3A_626 = arith.addi %mul3A_624, %add3A_625 : i32
        %get3A_627 = arith.constant 1 : i32
        %get3A_628 = arith.index_cast %get3A_627 : i32 to index
        %get3A_629 = arith.index_cast %add3A_626 : i32 to index
        %get3A_630 = arith.constant 48 : index
        %get3A_631 = tpu.vector_load %arg4[%get3A_628, %get3A_629, %get3A_630] {strides = array<i32>} : memref<2x200x128xf32, #tpu.memory_space<vmem>>, vector<1x1x16xf32>,
        %get3A_632 = vector.shape_cast %get3A_631 : vector<1x1x16xf32> to vector<16xf32>
        %add3A_633 = arith.addf %add3A_545, %get3A_632 : vector<16xf32>
        %mul3A_634 = arith.constant 8 : i32
        %mul3A_635 = arith.muli %scan3A_142, %mul3A_634 : i32
        %add3A_636 = arith.constant 5 : i32
        %add3A_637 = arith.addi %mul3A_635, %add3A_636 : i32
        %get3A_638 = arith.constant 1 : i32
        %get3A_639 = arith.index_cast %get3A_638 : i32 to index
        %get3A_640 = arith.index_cast %add3A_637 : i32 to index
        %get3A_641 = arith.constant 64 : index
        %get3A_642 = tpu.vector_load %arg4[%get3A_639, %get3A_640, %get3A_641] {strides = array<i32>} : memref<2x200x128xf32, #tpu.memory_space<vmem>>, vector<1x1x16xf32>,
        %get3A_643 = vector.shape_cast %get3A_642 : vector<1x1x16xf32> to vector<16xf32>
        %add3A_644 = arith.addf %add3A_556, %get3A_643 : vector<16xf32>
        %mul3A_645 = arith.constant 8 : i32
        %mul3A_646 = arith.muli %scan3A_142, %mul3A_645 : i32
        %add3A_647 = arith.constant 5 : i32
        %add3A_648 = arith.addi %mul3A_646, %add3A_647 : i32
        %get3A_649 = arith.constant 1 : i32
        %get3A_650 = arith.index_cast %get3A_649 : i32 to index
        %get3A_651 = arith.index_cast %add3A_648 : i32 to index
        %get3A_652 = arith.constant 80 : index
        %get3A_653 = tpu.vector_load %arg4[%get3A_650, %get3A_651, %get3A_652] {strides = array<i32>} : memref<2x200x128xf32, #tpu.memory_space<vmem>>, vector<1x1x16xf32>,
        %get3A_654 = vector.shape_cast %get3A_653 : vector<1x1x16xf32> to vector<16xf32>
        %add3A_655 = arith.addf %add3A_567, %get3A_654 : vector<16xf32>
        %mul3A_656 = arith.constant 8 : i32
        %mul3A_657 = arith.muli %scan3A_142, %mul3A_656 : i32
        %add3A_658 = arith.constant 5 : i32
        %add3A_659 = arith.addi %mul3A_657, %add3A_658 : i32
        %get3A_660 = arith.constant 1 : i32
        %get3A_661 = arith.index_cast %get3A_660 : i32 to index
        %get3A_662 = arith.index_cast %add3A_659 : i32 to index
        %get3A_663 = arith.constant 96 : index
        %get3A_664 = tpu.vector_load %arg4[%get3A_661, %get3A_662, %get3A_663] {strides = array<i32>} : memref<2x200x128xf32, #tpu.memory_space<vmem>>, vector<1x1x16xf32>,
        %get3A_665 = vector.shape_cast %get3A_664 : vector<1x1x16xf32> to vector<16xf32>
        %add3A_666 = arith.addf %add3A_578, %get3A_665 : vector<16xf32>
        %mul3A_667 = arith.constant 8 : i32
        %mul3A_668 = arith.muli %scan3A_142, %mul3A_667 : i32
        %add3A_669 = arith.constant 5 : i32
        %add3A_670 = arith.addi %mul3A_668, %add3A_669 : i32
        %get3A_671 = arith.constant 1 : i32
        %get3A_672 = arith.index_cast %get3A_671 : i32 to index
        %get3A_673 = arith.index_cast %add3A_670 : i32 to index
        %get3A_674 = arith.constant 112 : index
        %get3A_675 = tpu.vector_load %arg4[%get3A_672, %get3A_673, %get3A_674] {strides = array<i32>} : memref<2x200x128xf32, #tpu.memory_space<vmem>>, vector<1x1x16xf32>,
        %get3A_676 = vector.shape_cast %get3A_675 : vector<1x1x16xf32> to vector<16xf32>
        %add3A_677 = arith.addf %add3A_589, %get3A_676 : vector<16xf32>
        %mul3A_678 = arith.constant 8 : i32
        %mul3A_679 = arith.muli %scan3A_142, %mul3A_678 : i32
        %add3A_680 = arith.constant 6 : i32
        %add3A_681 = arith.addi %mul3A_679, %add3A_680 : i32
        %get3A_682 = arith.constant 1 : i32
        %get3A_683 = arith.index_cast %get3A_682 : i32 to index
        %get3A_684 = arith.index_cast %add3A_681 : i32 to index
        %get3A_685 = arith.constant 0 : index
        %get3A_686 = tpu.vector_load %arg4[%get3A_683, %get3A_684, %get3A_685] {strides = array<i32>} : memref<2x200x128xf32, #tpu.memory_space<vmem>>, vector<1x1x16xf32>,
        %get3A_687 = vector.shape_cast %get3A_686 : vector<1x1x16xf32> to vector<16xf32>
        %add3A_688 = arith.addf %add3A_600, %get3A_687 : vector<16xf32>
        %mul3A_689 = arith.constant 8 : i32
        %mul3A_690 = arith.muli %scan3A_142, %mul3A_689 : i32
        %add3A_691 = arith.constant 6 : i32
        %add3A_692 = arith.addi %mul3A_690, %add3A_691 : i32
        %get3A_693 = arith.constant 1 : i32
        %get3A_694 = arith.index_cast %get3A_693 : i32 to index
        %get3A_695 = arith.index_cast %add3A_692 : i32 to index
        %get3A_696 = arith.constant 16 : index
        %get3A_697 = tpu.vector_load %arg4[%get3A_694, %get3A_695, %get3A_696] {strides = array<i32>} : memref<2x200x128xf32, #tpu.memory_space<vmem>>, vector<1x1x16xf32>,
        %get3A_698 = vector.shape_cast %get3A_697 : vector<1x1x16xf32> to vector<16xf32>
        %add3A_699 = arith.addf %add3A_611, %get3A_698 : vector<16xf32>
        %mul3A_700 = arith.constant 8 : i32
        %mul3A_701 = arith.muli %scan3A_142, %mul3A_700 : i32
        %add3A_702 = arith.constant 6 : i32
        %add3A_703 = arith.addi %mul3A_701, %add3A_702 : i32
        %get3A_704 = arith.constant 1 : i32
        %get3A_705 = arith.index_cast %get3A_704 : i32 to index
        %get3A_706 = arith.index_cast %add3A_703 : i32 to index
        %get3A_707 = arith.constant 32 : index
        %get3A_708 = tpu.vector_load %arg4[%get3A_705, %get3A_706, %get3A_707] {strides = array<i32>} : memref<2x200x128xf32, #tpu.memory_space<vmem>>, vector<1x1x16xf32>,
        %get3A_709 = vector.shape_cast %get3A_708 : vector<1x1x16xf32> to vector<16xf32>
        %add3A_710 = arith.addf %add3A_622, %get3A_709 : vector<16xf32>
        %mul3A_711 = arith.constant 8 : i32
        %mul3A_712 = arith.muli %scan3A_142, %mul3A_711 : i32
        %add3A_713 = arith.constant 6 : i32
        %add3A_714 = arith.addi %mul3A_712, %add3A_713 : i32
        %get3A_715 = arith.constant 1 : i32
        %get3A_716 = arith.index_cast %get3A_715 : i32 to index
        %get3A_717 = arith.index_cast %add3A_714 : i32 to index
        %get3A_718 = arith.constant 48 : index
        %get3A_719 = tpu.vector_load %arg4[%get3A_716, %get3A_717, %get3A_718] {strides = array<i32>} : memref<2x200x128xf32, #tpu.memory_space<vmem>>, vector<1x1x16xf32>,
        %get3A_720 = vector.shape_cast %get3A_719 : vector<1x1x16xf32> to vector<16xf32>
        %add3A_721 = arith.addf %add3A_633, %get3A_720 : vector<16xf32>
        %mul3A_722 = arith.constant 8 : i32
        %mul3A_723 = arith.muli %scan3A_142, %mul3A_722 : i32
        %add3A_724 = arith.constant 6 : i32
        %add3A_725 = arith.addi %mul3A_723, %add3A_724 : i32
        %get3A_726 = arith.constant 1 : i32
        %get3A_727 = arith.index_cast %get3A_726 : i32 to index
        %get3A_728 = arith.index_cast %add3A_725 : i32 to index
        %get3A_729 = arith.constant 64 : index
        %get3A_730 = tpu.vector_load %arg4[%get3A_727, %get3A_728, %get3A_729] {strides = array<i32>} : memref<2x200x128xf32, #tpu.memory_space<vmem>>, vector<1x1x16xf32>,
        %get3A_731 = vector.shape_cast %get3A_730 : vector<1x1x16xf32> to vector<16xf32>
        %add3A_732 = arith.addf %add3A_644, %get3A_731 : vector<16xf32>
        %mul3A_733 = arith.constant 8 : i32
        %mul3A_734 = arith.muli %scan3A_142, %mul3A_733 : i32
        %add3A_735 = arith.constant 6 : i32
        %add3A_736 = arith.addi %mul3A_734, %add3A_735 : i32
        %get3A_737 = arith.constant 1 : i32
        %get3A_738 = arith.index_cast %get3A_737 : i32 to index
        %get3A_739 = arith.index_cast %add3A_736 : i32 to index
        %get3A_740 = arith.constant 80 : index
        %get3A_741 = tpu.vector_load %arg4[%get3A_738, %get3A_739, %get3A_740] {strides = array<i32>} : memref<2x200x128xf32, #tpu.memory_space<vmem>>, vector<1x1x16xf32>,
        %get3A_742 = vector.shape_cast %get3A_741 : vector<1x1x16xf32> to vector<16xf32>
        %add3A_743 = arith.addf %add3A_655, %get3A_742 : vector<16xf32>
        %mul3A_744 = arith.constant 8 : i32
        %mul3A_745 = arith.muli %scan3A_142, %mul3A_744 : i32
        %add3A_746 = arith.constant 6 : i32
        %add3A_747 = arith.addi %mul3A_745, %add3A_746 : i32
        %get3A_748 = arith.constant 1 : i32
        %get3A_749 = arith.index_cast %get3A_748 : i32 to index
        %get3A_750 = arith.index_cast %add3A_747 : i32 to index
        %get3A_751 = arith.constant 96 : index
        %get3A_752 = tpu.vector_load %arg4[%get3A_749, %get3A_750, %get3A_751] {strides = array<i32>} : memref<2x200x128xf32, #tpu.memory_space<vmem>>, vector<1x1x16xf32>,
        %get3A_753 = vector.shape_cast %get3A_752 : vector<1x1x16xf32> to vector<16xf32>
        %add3A_754 = arith.addf %add3A_666, %get3A_753 : vector<16xf32>
        %mul3A_755 = arith.constant 8 : i32
        %mul3A_756 = arith.muli %scan3A_142, %mul3A_755 : i32
        %add3A_757 = arith.constant 6 : i32
        %add3A_758 = arith.addi %mul3A_756, %add3A_757 : i32
        %get3A_759 = arith.constant 1 : i32
        %get3A_760 = arith.index_cast %get3A_759 : i32 to index
        %get3A_761 = arith.index_cast %add3A_758 : i32 to index
        %get3A_762 = arith.constant 112 : index
        %get3A_763 = tpu.vector_load %arg4[%get3A_760, %get3A_761, %get3A_762] {strides = array<i32>} : memref<2x200x128xf32, #tpu.memory_space<vmem>>, vector<1x1x16xf32>,
        %get3A_764 = vector.shape_cast %get3A_763 : vector<1x1x16xf32> to vector<16xf32>
        %add3A_765 = arith.addf %add3A_677, %get3A_764 : vector<16xf32>
        %mul3A_766 = arith.constant 8 : i32
        %mul3A_767 = arith.muli %scan3A_142, %mul3A_766 : i32
        %add3A_768 = arith.constant 7 : i32
        %add3A_769 = arith.addi %mul3A_767, %add3A_768 : i32
        %get3A_770 = arith.constant 1 : i32
        %get3A_771 = arith.index_cast %get3A_770 : i32 to index
        %get3A_772 = arith.index_cast %add3A_769 : i32 to index
        %get3A_773 = arith.constant 0 : index
        %get3A_774 = tpu.vector_load %arg4[%get3A_771, %get3A_772, %get3A_773] {strides = array<i32>} : memref<2x200x128xf32, #tpu.memory_space<vmem>>, vector<1x1x16xf32>,
        %get3A_775 = vector.shape_cast %get3A_774 : vector<1x1x16xf32> to vector<16xf32>
        %add3A_776 = arith.addf %add3A_688, %get3A_775 : vector<16xf32>
        %mul3A_777 = arith.constant 8 : i32
        %mul3A_778 = arith.muli %scan3A_142, %mul3A_777 : i32
        %add3A_779 = arith.constant 7 : i32
        %add3A_780 = arith.addi %mul3A_778, %add3A_779 : i32
        %get3A_781 = arith.constant 1 : i32
        %get3A_782 = arith.index_cast %get3A_781 : i32 to index
        %get3A_783 = arith.index_cast %add3A_780 : i32 to index
        %get3A_784 = arith.constant 16 : index
        %get3A_785 = tpu.vector_load %arg4[%get3A_782, %get3A_783, %get3A_784] {strides = array<i32>} : memref<2x200x128xf32, #tpu.memory_space<vmem>>, vector<1x1x16xf32>,
        %get3A_786 = vector.shape_cast %get3A_785 : vector<1x1x16xf32> to vector<16xf32>
        %add3A_787 = arith.addf %add3A_699, %get3A_786 : vector<16xf32>
        %mul3A_788 = arith.constant 8 : i32
        %mul3A_789 = arith.muli %scan3A_142, %mul3A_788 : i32
        %add3A_790 = arith.constant 7 : i32
        %add3A_791 = arith.addi %mul3A_789, %add3A_790 : i32
        %get3A_792 = arith.constant 1 : i32
        %get3A_793 = arith.index_cast %get3A_792 : i32 to index
        %get3A_794 = arith.index_cast %add3A_791 : i32 to index
        %get3A_795 = arith.constant 32 : index
        %get3A_796 = tpu.vector_load %arg4[%get3A_793, %get3A_794, %get3A_795] {strides = array<i32>} : memref<2x200x128xf32, #tpu.memory_space<vmem>>, vector<1x1x16xf32>,
        %get3A_797 = vector.shape_cast %get3A_796 : vector<1x1x16xf32> to vector<16xf32>
        %add3A_798 = arith.addf %add3A_710, %get3A_797 : vector<16xf32>
        %mul3A_799 = arith.constant 8 : i32
        %mul3A_800 = arith.muli %scan3A_142, %mul3A_799 : i32
        %add3A_801 = arith.constant 7 : i32
        %add3A_802 = arith.addi %mul3A_800, %add3A_801 : i32
        %get3A_803 = arith.constant 1 : i32
        %get3A_804 = arith.index_cast %get3A_803 : i32 to index
        %get3A_805 = arith.index_cast %add3A_802 : i32 to index
        %get3A_806 = arith.constant 48 : index
        %get3A_807 = tpu.vector_load %arg4[%get3A_804, %get3A_805, %get3A_806] {strides = array<i32>} : memref<2x200x128xf32, #tpu.memory_space<vmem>>, vector<1x1x16xf32>,
        %get3A_808 = vector.shape_cast %get3A_807 : vector<1x1x16xf32> to vector<16xf32>
        %add3A_809 = arith.addf %add3A_721, %get3A_808 : vector<16xf32>
        %mul3A_810 = arith.constant 8 : i32
        %mul3A_811 = arith.muli %scan3A_142, %mul3A_810 : i32
        %add3A_812 = arith.constant 7 : i32
        %add3A_813 = arith.addi %mul3A_811, %add3A_812 : i32
        %get3A_814 = arith.constant 1 : i32
        %get3A_815 = arith.index_cast %get3A_814 : i32 to index
        %get3A_816 = arith.index_cast %add3A_813 : i32 to index
        %get3A_817 = arith.constant 64 : index
        %get3A_818 = tpu.vector_load %arg4[%get3A_815, %get3A_816, %get3A_817] {strides = array<i32>} : memref<2x200x128xf32, #tpu.memory_space<vmem>>, vector<1x1x16xf32>,
        %get3A_819 = vector.shape_cast %get3A_818 : vector<1x1x16xf32> to vector<16xf32>
        %add3A_820 = arith.addf %add3A_732, %get3A_819 : vector<16xf32>
        %mul3A_821 = arith.constant 8 : i32
        %mul3A_822 = arith.muli %scan3A_142, %mul3A_821 : i32
        %add3A_823 = arith.constant 7 : i32
        %add3A_824 = arith.addi %mul3A_822, %add3A_823 : i32
        %get3A_825 = arith.constant 1 : i32
        %get3A_826 = arith.index_cast %get3A_825 : i32 to index
        %get3A_827 = arith.index_cast %add3A_824 : i32 to index
        %get3A_828 = arith.constant 80 : index
        %get3A_829 = tpu.vector_load %arg4[%get3A_826, %get3A_827, %get3A_828] {strides = array<i32>} : memref<2x200x128xf32, #tpu.memory_space<vmem>>, vector<1x1x16xf32>,
        %get3A_830 = vector.shape_cast %get3A_829 : vector<1x1x16xf32> to vector<16xf32>
        %add3A_831 = arith.addf %add3A_743, %get3A_830 : vector<16xf32>
        %mul3A_832 = arith.constant 8 : i32
        %mul3A_833 = arith.muli %scan3A_142, %mul3A_832 : i32
        %add3A_834 = arith.constant 7 : i32
        %add3A_835 = arith.addi %mul3A_833, %add3A_834 : i32
        %get3A_836 = arith.constant 1 : i32
        %get3A_837 = arith.index_cast %get3A_836 : i32 to index
        %get3A_838 = arith.index_cast %add3A_835 : i32 to index
        %get3A_839 = arith.constant 96 : index
        %get3A_840 = tpu.vector_load %arg4[%get3A_837, %get3A_838, %get3A_839] {strides = array<i32>} : memref<2x200x128xf32, #tpu.memory_space<vmem>>, vector<1x1x16xf32>,
        %get3A_841 = vector.shape_cast %get3A_840 : vector<1x1x16xf32> to vector<16xf32>
        %add3A_842 = arith.addf %add3A_754, %get3A_841 : vector<16xf32>
        %mul3A_843 = arith.constant 8 : i32
        %mul3A_844 = arith.muli %scan3A_142, %mul3A_843 : i32
        %add3A_845 = arith.constant 7 : i32
        %add3A_846 = arith.addi %mul3A_844, %add3A_845 : i32
        %get3A_847 = arith.constant 1 : i32
        %get3A_848 = arith.index_cast %get3A_847 : i32 to index
        %get3A_849 = arith.index_cast %add3A_846 : i32 to index
        %get3A_850 = arith.constant 112 : index
        %get3A_851 = tpu.vector_load %arg4[%get3A_848, %get3A_849, %get3A_850] {strides = array<i32>} : memref<2x200x128xf32, #tpu.memory_space<vmem>>, vector<1x1x16xf32>,
        %get3A_852 = vector.shape_cast %get3A_851 : vector<1x1x16xf32> to vector<16xf32>
        %add3A_853 = arith.addf %add3A_765, %get3A_852 : vector<16xf32>
        scf.yield %add3A_776, %add3A_787, %add3A_798, %add3A_809, %add3A_820, %add3A_831, %add3A_842, %add3A_853 : vector<16xf32>, vector<16xf32>, vector<16xf32>, vector<16xf32>, vector<16xf32>, vector<16xf32>, vector<16xf32>, vector<16xf32>
      }
      %scan3A_134 = arith.constant 25 : i32
      %add3A_135 = arith.constant 2 : i32
      %add3A_136 = arith.addi %add3A_113, %add3A_135 : i32
      %lt3A_137 = arith.constant 10 : i32
      %lt3A_138 = arith.cmpi slt, %add3A_136, %lt3A_137 : i32
      %convert_element_type3A_139 = arith.extui %lt3A_138 : i1 to i32
      %cond3A_140 = arith.constant 0 : i32
      %cond3A_141 = arith.cmpi ne, %convert_element_type3A_139, %cond3A_140 : i32
      scf.if %cond3A_141 {
        %add3A_142 = arith.constant 2 : i32
        %add3A_143 = arith.addi %add3A_113, %add3A_142 : i32
        %mul3A_144 = arith.constant 200 : i32
        %mul3A_145 = arith.muli %add3A_143, %mul3A_144 : i32
        %add3A_146 = arith.addi %mul3A_2, %mul3A_145 : i32
        %multiple_of3A_147 = tpu.assume_multiple %add3A_146, 8 : i32
        %dma_start3A_148 = arith.constant 1 : i32
        %dma_start3A_149 = arith.constant 0 : i32
        %dma_start3A_150 = arith.constant 0 : i32
        %dma_start3A_151 = tpu.memref_slice %arg4[%dma_start3A_148, %dma_start3A_149, %dma_start3A_150] : memref<2x200x128xf32, #tpu.memory_space<vmem>> -> memref<1x200x128xf32, #tpu.memory_space<vmem>>
        %dma_start3A_152 = tpu.memref_squeeze %dma_start3A_151 : memref<1x200x128xf32, #tpu.memory_space<vmem>> -> memref<200x128xf32, #tpu.memory_space<vmem>>
        %dma_start3A_153 = arith.constant 0 : i32
        %dma_start3A_154 = tpu.memref_slice %arg2[%multiple_of3A_147, %dma_start3A_153] : memref<320000x128xf32, #tpu.memory_space<hbm>> -> memref<200x128xf32, #tpu.memory_space<hbm>>
        %dma_start3A_155 = arith.constant 0 : i32
        %dma_start3A_156 = arith.constant 0 : i32
        %dma_start3A_157 = tpu.memref_slice %arg4[%dma_start3A_148, %dma_start3A_155, %dma_start3A_156] : memref<2x200x128xf32, #tpu.memory_space<vmem>> -> memref<1x200x128xf32, #tpu.memory_space<vmem>>
        %dma_start3A_158 = tpu.memref_squeeze %dma_start3A_157 : memref<1x200x128xf32, #tpu.memory_space<vmem>> -> memref<200x128xf32, #tpu.memory_space<vmem>>
        %dma_start3A_159 = arith.constant 0 : i32
        %dma_start3A_160 = tpu.memref_slice %arg2[%multiple_of3A_147, %dma_start3A_159] : memref<320000x128xf32, #tpu.memory_space<hbm>> -> memref<200x128xf32, #tpu.memory_space<hbm>>
        tpu.enqueue_dma source(%dma_start3A_160 : memref<200x128xf32, #tpu.memory_space<hbm>>) target(%dma_start3A_158 : memref<200x128xf32, #tpu.memory_space<vmem>>) target_semaphore(%arg7 : memref<!tpu.dma_semaphore, #tpu.memory_space<semaphore_mem>>)
      } else {
      }
      scf.yield %scan3A_133#0, %scan3A_133#1, %scan3A_133#2, %scan3A_133#3, %scan3A_133#4, %scan3A_133#5, %scan3A_133#6, %scan3A_133#7 : vector<16xf32>, vector<16xf32>, vector<16xf32>, vector<16xf32>, vector<16xf32>, vector<16xf32>, vector<16xf32>, vector<16xf32>
    }
    %scan3A_38 = arith.constant 5 : i32
    %swap3A = arith.constant 0 : index
    %swap3A_39 = tpu.vector_load %arg5[%swap3A] {strides = array<i32>} : memref<128xf32, #tpu.memory_space<vmem>>, vector<16xf32>,
    %swap3A_40 = vector.shape_cast %swap3A_39 : vector<16xf32> to vector<16xf32>
    %swap3A_41 = vector.shape_cast %scan3A_37#0 : vector<16xf32> to vector<16xf32>
    tpu.vector_store %arg5[%swap3A], %swap3A_41 {strides = array<i32>} : memref<128xf32, #tpu.memory_space<vmem>>, vector<16xf32>,
    %swap3A_42 = arith.constant 16 : index
    %swap3A_43 = tpu.vector_load %arg5[%swap3A_42] {strides = array<i32>} : memref<128xf32, #tpu.memory_space<vmem>>, vector<16xf32>,
    %swap3A_44 = vector.shape_cast %swap3A_43 : vector<16xf32> to vector<16xf32>
    %swap3A_45 = vector.shape_cast %scan3A_37#1 : vector<16xf32> to vector<16xf32>
    tpu.vector_store %arg5[%swap3A_42], %swap3A_45 {strides = array<i32>} : memref<128xf32, #tpu.memory_space<vmem>>, vector<16xf32>,
    %swap3A_46 = arith.constant 32 : index
    %swap3A_47 = tpu.vector_load %arg5[%swap3A_46] {strides = array<i32>} : memref<128xf32, #tpu.memory_space<vmem>>, vector<16xf32>,
    %swap3A_48 = vector.shape_cast %swap3A_47 : vector<16xf32> to vector<16xf32>
    %swap3A_49 = vector.shape_cast %scan3A_37#2 : vector<16xf32> to vector<16xf32>
    tpu.vector_store %arg5[%swap3A_46], %swap3A_49 {strides = array<i32>} : memref<128xf32, #tpu.memory_space<vmem>>, vector<16xf32>,
    %swap3A_50 = arith.constant 48 : index
    %swap3A_51 = tpu.vector_load %arg5[%swap3A_50] {strides = array<i32>} : memref<128xf32, #tpu.memory_space<vmem>>, vector<16xf32>,
    %swap3A_52 = vector.shape_cast %swap3A_51 : vector<16xf32> to vector<16xf32>
    %swap3A_53 = vector.shape_cast %scan3A_37#3 : vector<16xf32> to vector<16xf32>
    tpu.vector_store %arg5[%swap3A_50], %swap3A_53 {strides = array<i32>} : memref<128xf32, #tpu.memory_space<vmem>>, vector<16xf32>,
    %swap3A_54 = arith.constant 64 : index
    %swap3A_55 = tpu.vector_load %arg5[%swap3A_54] {strides = array<i32>} : memref<128xf32, #tpu.memory_space<vmem>>, vector<16xf32>,
    %swap3A_56 = vector.shape_cast %swap3A_55 : vector<16xf32> to vector<16xf32>
    %swap3A_57 = vector.shape_cast %scan3A_37#4 : vector<16xf32> to vector<16xf32>
    tpu.vector_store %arg5[%swap3A_54], %swap3A_57 {strides = array<i32>} : memref<128xf32, #tpu.memory_space<vmem>>, vector<16xf32>,
    %swap3A_58 = arith.constant 80 : index
    %swap3A_59 = tpu.vector_load %arg5[%swap3A_58] {strides = array<i32>} : memref<128xf32, #tpu.memory_space<vmem>>, vector<16xf32>,
    %swap3A_60 = vector.shape_cast %swap3A_59 : vector<16xf32> to vector<16xf32>
    %swap3A_61 = vector.shape_cast %scan3A_37#5 : vector<16xf32> to vector<16xf32>
    tpu.vector_store %arg5[%swap3A_58], %swap3A_61 {strides = array<i32>} : memref<128xf32, #tpu.memory_space<vmem>>, vector<16xf32>,
    %swap3A_62 = arith.constant 96 : index
    %swap3A_63 = tpu.vector_load %arg5[%swap3A_62] {strides = array<i32>} : memref<128xf32, #tpu.memory_space<vmem>>, vector<16xf32>,
    %swap3A_64 = vector.shape_cast %swap3A_63 : vector<16xf32> to vector<16xf32>
    %swap3A_65 = vector.shape_cast %scan3A_37#6 : vector<16xf32> to vector<16xf32>
    tpu.vector_store %arg5[%swap3A_62], %swap3A_65 {strides = array<i32>} : memref<128xf32, #tpu.memory_space<vmem>>, vector<16xf32>,
    %swap3A_66 = arith.constant 112 : index
    %swap3A_67 = tpu.vector_load %arg5[%swap3A_66] {strides = array<i32>} : memref<128xf32, #tpu.memory_space<vmem>>, vector<16xf32>,
    %swap3A_68 = vector.shape_cast %swap3A_67 : vector<16xf32> to vector<16xf32>
    %swap3A_69 = vector.shape_cast %scan3A_37#7 : vector<16xf32> to vector<16xf32>
    tpu.vector_store %arg5[%swap3A_66], %swap3A_69 {strides = array<i32>} : memref<128xf32, #tpu.memory_space<vmem>>, vector<16xf32>,
    %mul3A_70 = arith.constant 128 : i32
    %mul3A_71 = arith.muli %add3A, %mul3A_70 : i32
    %multiple_of3A_72 = tpu.assume_multiple %mul3A_71, 8 : i32
    "tpu.region"() ({
      %run_scoped3A = tpu.sem_alloc : memref<!tpu.dma_semaphore, #tpu.memory_space<semaphore_mem>>
      %dma_start3A_73 = tpu.memref_slice %arg3[%multiple_of3A_72] : memref<4096xf32, #tpu.memory_space<hbm>> -> memref<128xf32, #tpu.memory_space<hbm>>
      %dma_start3A_74 = tpu.memref_slice %arg3[%multiple_of3A_72] : memref<4096xf32, #tpu.memory_space<hbm>> -> memref<128xf32, #tpu.memory_space<hbm>>
      tpu.enqueue_dma source(%arg5 : memref<128xf32, #tpu.memory_space<vmem>>) target(%dma_start3A_74 : memref<128xf32, #tpu.memory_space<hbm>>) target_semaphore(%run_scoped3A : memref<!tpu.dma_semaphore, #tpu.memory_space<semaphore_mem>>)
      %dma_wait3A = tpu.memref_slice %arg3[%multiple_of3A_72] : memref<4096xf32, #tpu.memory_space<hbm>> -> memref<128xf32, #tpu.memory_space<hbm>>
      %dma_wait3A_75 = tpu.memref_slice %arg3[%multiple_of3A_72] : memref<4096xf32, #tpu.memory_space<hbm>> -> memref<128xf32, #tpu.memory_space<hbm>>
      tpu.wait_dma2 semaphore(%run_scoped3A : memref<!tpu.dma_semaphore, #tpu.memory_space<semaphore_mem>>) src(%arg5 : memref<128xf32, #tpu.memory_space<vmem>>) dst(%dma_wait3A_75 : memref<128xf32, #tpu.memory_space<hbm>>)
      tpu.yield
    }) : () -> ()
    return
  }
}

module attributes {stable_mosaic.version = 14 : i64} {
  func.func @_combine_body(%arg0: memref<32x128xf32, #tpu.memory_space<vmem>>, %arg1: memref<1x128xf32, #tpu.memory_space<vmem>>, %arg2: memref<1x128xf32, #tpu.memory_space<vmem>>) attributes {dimension_semantics = [], scalar_prefetch = 0 : i64, scratch_operands = 0 : i64, tpu.core_type = #tpu.core_type<tc>} {
    %get3A = arith.constant 0 : index
    %get3A_0 = arith.constant 0 : index
    %get3A_1 = vector.load %arg0[%get3A, %get3A_0] : memref<32x128xf32, #tpu.memory_space<vmem>>, vector<32x128xf32>
    %reduce_sum3A = arith.constant dense<0.000000e+00> : vector<128xf32>
    %reduce_sum3A_2 = vector.multi_reduction <add>, %get3A_1, %reduce_sum3A [0] : vector<32x128xf32> to vector<128xf32>
    %broadcast_in_dim3A = vector.shape_cast %reduce_sum3A_2 : vector<128xf32> to vector<1x128xf32>
    %get3A_3 = arith.constant 0 : index
    %get3A_4 = arith.constant 0 : index
    %get3A_5 = vector.load %arg1[%get3A_3, %get3A_4] : memref<1x128xf32, #tpu.memory_space<vmem>>, vector<1x128xf32>
    %add3A = arith.addf %broadcast_in_dim3A, %get3A_5 : vector<1x128xf32>
    %mul3A = arith.constant 3.125000e-06 : f32
    %mul3A_6 = vector.broadcast %mul3A : f32 to vector<1x128xf32>
    %mul3A_7 = arith.mulf %add3A, %mul3A_6 : vector<1x128xf32>
    %swap3A = arith.constant 0 : index
    %swap3A_8 = arith.constant 0 : index
    %swap3A_9 = vector.load %arg2[%swap3A, %swap3A_8] : memref<1x128xf32, #tpu.memory_space<vmem>>, vector<1x128xf32>
    tpu.vector_store %arg2[%swap3A, %swap3A_8], %mul3A_7 {strides = array<i32>} : memref<1x128xf32, #tpu.memory_space<vmem>>, vector<1x128xf32>,
    return
  }
}

module attributes {stable_mosaic.version = 14 : i64} {
  func.func @_tcm_body(%arg0: memref<320000x128xf32, #tpu.memory_space<hbm>>, %arg1: memref<1x128xf32, #tpu.memory_space<vmem>>, %arg2: memref<10x1600x128xf32, #tpu.memory_space<vmem>>, %arg3: memref<!tpu.dma_semaphore, #tpu.memory_space<semaphore_mem>>, %arg4: memref<!tpu.dma_semaphore, #tpu.memory_space<semaphore_mem>>, %arg5: memref<!tpu.dma_semaphore, #tpu.memory_space<semaphore_mem>>, %arg6: memref<!tpu.dma_semaphore, #tpu.memory_space<semaphore_mem>>, %arg7: memref<!tpu.dma_semaphore, #tpu.memory_space<semaphore_mem>>, %arg8: memref<!tpu.dma_semaphore, #tpu.memory_space<semaphore_mem>>, %arg9: memref<!tpu.dma_semaphore, #tpu.memory_space<semaphore_mem>>, %arg10: memref<!tpu.dma_semaphore, #tpu.memory_space<semaphore_mem>>, %arg11: memref<!tpu.dma_semaphore, #tpu.memory_space<semaphore_mem>>, %arg12: memref<!tpu.dma_semaphore, #tpu.memory_space<semaphore_mem>>) attributes {dimension_semantics = [], scalar_prefetch = 0 : i64, scratch_operands = 11 : i64, tpu.core_type = #tpu.core_type<tc>} {
    %multiple_of3A = arith.constant 64000 : i32
    %multiple_of3A_0 = tpu.assume_multiple %multiple_of3A, 8 : i32
    %dma_start3A = arith.constant 0 : i32
    %dma_start3A_1 = arith.constant 0 : i32
    %dma_start3A_2 = arith.constant 0 : i32
    %dma_start3A_3 = tpu.memref_slice %arg2[%dma_start3A, %dma_start3A_1, %dma_start3A_2] : memref<10x1600x128xf32, #tpu.memory_space<vmem>> -> memref<1x1600x128xf32, #tpu.memory_space<vmem>>
    %dma_start3A_4 = tpu.memref_squeeze %dma_start3A_3 : memref<1x1600x128xf32, #tpu.memory_space<vmem>> -> memref<1600x128xf32, #tpu.memory_space<vmem>>
    %dma_start3A_5 = arith.constant 0 : i32
    %dma_start3A_6 = tpu.memref_slice %arg0[%multiple_of3A_0, %dma_start3A_5] : memref<320000x128xf32, #tpu.memory_space<hbm>> -> memref<1600x128xf32, #tpu.memory_space<hbm>>
    tpu.enqueue_dma source(%dma_start3A_6 : memref<1600x128xf32, #tpu.memory_space<hbm>>) target(%dma_start3A_4 : memref<1600x128xf32, #tpu.memory_space<vmem>>) target_semaphore(%arg3 : memref<!tpu.dma_semaphore, #tpu.memory_space<semaphore_mem>>)
    %multiple_of3A_7 = arith.constant 65600 : i32
    %multiple_of3A_8 = tpu.assume_multiple %multiple_of3A_7, 8 : i32
    %dma_start3A_9 = arith.constant 1 : i32
    %dma_start3A_10 = arith.constant 0 : i32
    %dma_start3A_11 = arith.constant 0 : i32
    %dma_start3A_12 = tpu.memref_slice %arg2[%dma_start3A_9, %dma_start3A_10, %dma_start3A_11] : memref<10x1600x128xf32, #tpu.memory_space<vmem>> -> memref<1x1600x128xf32, #tpu.memory_space<vmem>>
    %dma_start3A_13 = tpu.memref_squeeze %dma_start3A_12 : memref<1x1600x128xf32, #tpu.memory_space<vmem>> -> memref<1600x128xf32, #tpu.memory_space<vmem>>
    %dma_start3A_14 = arith.constant 0 : i32
    %dma_start3A_15 = tpu.memref_slice %arg0[%multiple_of3A_8, %dma_start3A_14] : memref<320000x128xf32, #tpu.memory_space<hbm>> -> memref<1600x128xf32, #tpu.memory_space<hbm>>
    tpu.enqueue_dma source(%dma_start3A_15 : memref<1600x128xf32, #tpu.memory_space<hbm>>) target(%dma_start3A_13 : memref<1600x128xf32, #tpu.memory_space<vmem>>) target_semaphore(%arg4 : memref<!tpu.dma_semaphore, #tpu.memory_space<semaphore_mem>>)
    %multiple_of3A_16 = arith.constant 67200 : i32
    %multiple_of3A_17 = tpu.assume_multiple %multiple_of3A_16, 8 : i32
    %dma_start3A_18 = arith.constant 2 : i32
    %dma_start3A_19 = arith.constant 0 : i32
    %dma_start3A_20 = arith.constant 0 : i32
    %dma_start3A_21 = tpu.memref_slice %arg2[%dma_start3A_18, %dma_start3A_19, %dma_start3A_20] : memref<10x1600x128xf32, #tpu.memory_space<vmem>> -> memref<1x1600x128xf32, #tpu.memory_space<vmem>>
    %dma_start3A_22 = tpu.memref_squeeze %dma_start3A_21 : memref<1x1600x128xf32, #tpu.memory_space<vmem>> -> memref<1600x128xf32, #tpu.memory_space<vmem>>
    %dma_start3A_23 = arith.constant 0 : i32
    %dma_start3A_24 = tpu.memref_slice %arg0[%multiple_of3A_17, %dma_start3A_23] : memref<320000x128xf32, #tpu.memory_space<hbm>> -> memref<1600x128xf32, #tpu.memory_space<hbm>>
    tpu.enqueue_dma source(%dma_start3A_24 : memref<1600x128xf32, #tpu.memory_space<hbm>>) target(%dma_start3A_22 : memref<1600x128xf32, #tpu.memory_space<vmem>>) target_semaphore(%arg5 : memref<!tpu.dma_semaphore, #tpu.memory_space<semaphore_mem>>)
    %multiple_of3A_25 = arith.constant 68800 : i32
    %multiple_of3A_26 = tpu.assume_multiple %multiple_of3A_25, 8 : i32
    %dma_start3A_27 = arith.constant 3 : i32
    %dma_start3A_28 = arith.constant 0 : i32
    %dma_start3A_29 = arith.constant 0 : i32
    %dma_start3A_30 = tpu.memref_slice %arg2[%dma_start3A_27, %dma_start3A_28, %dma_start3A_29] : memref<10x1600x128xf32, #tpu.memory_space<vmem>> -> memref<1x1600x128xf32, #tpu.memory_space<vmem>>
    %dma_start3A_31 = tpu.memref_squeeze %dma_start3A_30 : memref<1x1600x128xf32, #tpu.memory_space<vmem>> -> memref<1600x128xf32, #tpu.memory_space<vmem>>
    %dma_start3A_32 = arith.constant 0 : i32
    %dma_start3A_33 = tpu.memref_slice %arg0[%multiple_of3A_26, %dma_start3A_32] : memref<320000x128xf32, #tpu.memory_space<hbm>> -> memref<1600x128xf32, #tpu.memory_space<hbm>>
    tpu.enqueue_dma source(%dma_start3A_33 : memref<1600x128xf32, #tpu.memory_space<hbm>>) target(%dma_start3A_31 : memref<1600x128xf32, #tpu.memory_space<vmem>>) target_semaphore(%arg6 : memref<!tpu.dma_semaphore, #tpu.memory_space<semaphore_mem>>)
    %multiple_of3A_34 = arith.constant 70400 : i32
    %multiple_of3A_35 = tpu.assume_multiple %multiple_of3A_34, 8 : i32
    %dma_start3A_36 = arith.constant 4 : i32
    %dma_start3A_37 = arith.constant 0 : i32
    %dma_start3A_38 = arith.constant 0 : i32
    %dma_start3A_39 = tpu.memref_slice %arg2[%dma_start3A_36, %dma_start3A_37, %dma_start3A_38] : memref<10x1600x128xf32, #tpu.memory_space<vmem>> -> memref<1x1600x128xf32, #tpu.memory_space<vmem>>
    %dma_start3A_40 = tpu.memref_squeeze %dma_start3A_39 : memref<1x1600x128xf32, #tpu.memory_space<vmem>> -> memref<1600x128xf32, #tpu.memory_space<vmem>>
    %dma_start3A_41 = arith.constant 0 : i32
    %dma_start3A_42 = tpu.memref_slice %arg0[%multiple_of3A_35, %dma_start3A_41] : memref<320000x128xf32, #tpu.memory_space<hbm>> -> memref<1600x128xf32, #tpu.memory_space<hbm>>
    tpu.enqueue_dma source(%dma_start3A_42 : memref<1600x128xf32, #tpu.memory_space<hbm>>) target(%dma_start3A_40 : memref<1600x128xf32, #tpu.memory_space<vmem>>) target_semaphore(%arg7 : memref<!tpu.dma_semaphore, #tpu.memory_space<semaphore_mem>>)
    %multiple_of3A_43 = arith.constant 72000 : i32
    %multiple_of3A_44 = tpu.assume_multiple %multiple_of3A_43, 8 : i32
    %dma_start3A_45 = arith.constant 5 : i32
    %dma_start3A_46 = arith.constant 0 : i32
    %dma_start3A_47 = arith.constant 0 : i32
    %dma_start3A_48 = tpu.memref_slice %arg2[%dma_start3A_45, %dma_start3A_46, %dma_start3A_47] : memref<10x1600x128xf32, #tpu.memory_space<vmem>> -> memref<1x1600x128xf32, #tpu.memory_space<vmem>>
    %dma_start3A_49 = tpu.memref_squeeze %dma_start3A_48 : memref<1x1600x128xf32, #tpu.memory_space<vmem>> -> memref<1600x128xf32, #tpu.memory_space<vmem>>
    %dma_start3A_50 = arith.constant 0 : i32
    %dma_start3A_51 = tpu.memref_slice %arg0[%multiple_of3A_44, %dma_start3A_50] : memref<320000x128xf32, #tpu.memory_space<hbm>> -> memref<1600x128xf32, #tpu.memory_space<hbm>>
    tpu.enqueue_dma source(%dma_start3A_51 : memref<1600x128xf32, #tpu.memory_space<hbm>>) target(%dma_start3A_49 : memref<1600x128xf32, #tpu.memory_space<vmem>>) target_semaphore(%arg8 : memref<!tpu.dma_semaphore, #tpu.memory_space<semaphore_mem>>)
    %multiple_of3A_52 = arith.constant 73600 : i32
    %multiple_of3A_53 = tpu.assume_multiple %multiple_of3A_52, 8 : i32
    %dma_start3A_54 = arith.constant 6 : i32
    %dma_start3A_55 = arith.constant 0 : i32
    %dma_start3A_56 = arith.constant 0 : i32
    %dma_start3A_57 = tpu.memref_slice %arg2[%dma_start3A_54, %dma_start3A_55, %dma_start3A_56] : memref<10x1600x128xf32, #tpu.memory_space<vmem>> -> memref<1x1600x128xf32, #tpu.memory_space<vmem>>
    %dma_start3A_58 = tpu.memref_squeeze %dma_start3A_57 : memref<1x1600x128xf32, #tpu.memory_space<vmem>> -> memref<1600x128xf32, #tpu.memory_space<vmem>>
    %dma_start3A_59 = arith.constant 0 : i32
    %dma_start3A_60 = tpu.memref_slice %arg0[%multiple_of3A_53, %dma_start3A_59] : memref<320000x128xf32, #tpu.memory_space<hbm>> -> memref<1600x128xf32, #tpu.memory_space<hbm>>
    tpu.enqueue_dma source(%dma_start3A_60 : memref<1600x128xf32, #tpu.memory_space<hbm>>) target(%dma_start3A_58 : memref<1600x128xf32, #tpu.memory_space<vmem>>) target_semaphore(%arg9 : memref<!tpu.dma_semaphore, #tpu.memory_space<semaphore_mem>>)
    %multiple_of3A_61 = arith.constant 75200 : i32
    %multiple_of3A_62 = tpu.assume_multiple %multiple_of3A_61, 8 : i32
    %dma_start3A_63 = arith.constant 7 : i32
    %dma_start3A_64 = arith.constant 0 : i32
    %dma_start3A_65 = arith.constant 0 : i32
    %dma_start3A_66 = tpu.memref_slice %arg2[%dma_start3A_63, %dma_start3A_64, %dma_start3A_65] : memref<10x1600x128xf32, #tpu.memory_space<vmem>> -> memref<1x1600x128xf32, #tpu.memory_space<vmem>>
    %dma_start3A_67 = tpu.memref_squeeze %dma_start3A_66 : memref<1x1600x128xf32, #tpu.memory_space<vmem>> -> memref<1600x128xf32, #tpu.memory_space<vmem>>
    %dma_start3A_68 = arith.constant 0 : i32
    %dma_start3A_69 = tpu.memref_slice %arg0[%multiple_of3A_62, %dma_start3A_68] : memref<320000x128xf32, #tpu.memory_space<hbm>> -> memref<1600x128xf32, #tpu.memory_space<hbm>>
    tpu.enqueue_dma source(%dma_start3A_69 : memref<1600x128xf32, #tpu.memory_space<hbm>>) target(%dma_start3A_67 : memref<1600x128xf32, #tpu.memory_space<vmem>>) target_semaphore(%arg10 : memref<!tpu.dma_semaphore, #tpu.memory_space<semaphore_mem>>)
    %multiple_of3A_70 = arith.constant 76800 : i32
    %multiple_of3A_71 = tpu.assume_multiple %multiple_of3A_70, 8 : i32
    %dma_start3A_72 = arith.constant 8 : i32
    %dma_start3A_73 = arith.constant 0 : i32
    %dma_start3A_74 = arith.constant 0 : i32
    %dma_start3A_75 = tpu.memref_slice %arg2[%dma_start3A_72, %dma_start3A_73, %dma_start3A_74] : memref<10x1600x128xf32, #tpu.memory_space<vmem>> -> memref<1x1600x128xf32, #tpu.memory_space<vmem>>
    %dma_start3A_76 = tpu.memref_squeeze %dma_start3A_75 : memref<1x1600x128xf32, #tpu.memory_space<vmem>> -> memref<1600x128xf32, #tpu.memory_space<vmem>>
    %dma_start3A_77 = arith.constant 0 : i32
    %dma_start3A_78 = tpu.memref_slice %arg0[%multiple_of3A_71, %dma_start3A_77] : memref<320000x128xf32, #tpu.memory_space<hbm>> -> memref<1600x128xf32, #tpu.memory_space<hbm>>
    tpu.enqueue_dma source(%dma_start3A_78 : memref<1600x128xf32, #tpu.memory_space<hbm>>) target(%dma_start3A_76 : memref<1600x128xf32, #tpu.memory_space<vmem>>) target_semaphore(%arg11 : memref<!tpu.dma_semaphore, #tpu.memory_space<semaphore_mem>>)
    %multiple_of3A_79 = arith.constant 78400 : i32
    %multiple_of3A_80 = tpu.assume_multiple %multiple_of3A_79, 8 : i32
    %dma_start3A_81 = arith.constant 9 : i32
    %dma_start3A_82 = arith.constant 0 : i32
    %dma_start3A_83 = arith.constant 0 : i32
    %dma_start3A_84 = tpu.memref_slice %arg2[%dma_start3A_81, %dma_start3A_82, %dma_start3A_83] : memref<10x1600x128xf32, #tpu.memory_space<vmem>> -> memref<1x1600x128xf32, #tpu.memory_space<vmem>>
    %dma_start3A_85 = tpu.memref_squeeze %dma_start3A_84 : memref<1x1600x128xf32, #tpu.memory_space<vmem>> -> memref<1600x128xf32, #tpu.memory_space<vmem>>
    %dma_start3A_86 = arith.constant 0 : i32
    %dma_start3A_87 = tpu.memref_slice %arg0[%multiple_of3A_80, %dma_start3A_86] : memref<320000x128xf32, #tpu.memory_space<hbm>> -> memref<1600x128xf32, #tpu.memory_space<hbm>>
    tpu.enqueue_dma source(%dma_start3A_87 : memref<1600x128xf32, #tpu.memory_space<hbm>>) target(%dma_start3A_85 : memref<1600x128xf32, #tpu.memory_space<vmem>>) target_semaphore(%arg12 : memref<!tpu.dma_semaphore, #tpu.memory_space<semaphore_mem>>)
    %broadcast_in_dim3A = arith.constant 0.000000e+00 : f32
    %broadcast_in_dim3A_88 = vector.broadcast %broadcast_in_dim3A : f32 to vector<64x128xf32>
    %scan3A = arith.constant 0 : i32
    %scan3A_89 = arith.constant 16 : i32
    %scan3A_90 = arith.addi %scan3A, %scan3A_89 : i32
    %scan3A_91 = arith.constant 1 : i32
    %scan3A_92 = scf.for %scan3A_98 = %scan3A to %scan3A_90 step %scan3A_91 iter_args(%scan3A_99 = %broadcast_in_dim3A_88) -> (vector<64x128xf32>)  : i32 {
      %mul3A = arith.constant 10 : i32
      %mul3A_100 = arith.muli %scan3A_98, %mul3A : i32
      %add3A = arith.constant 0 : i32
      %add3A_101 = arith.addi %mul3A_100, %add3A : i32
      %mul3A_102 = arith.constant 1600 : i32
      %mul3A_103 = arith.muli %add3A_101, %mul3A_102 : i32
      %add3A_104 = arith.constant 64000 : i32
      %add3A_105 = arith.addi %add3A_104, %mul3A_103 : i32
      %multiple_of3A_106 = tpu.assume_multiple %add3A_105, 8 : i32
      %dma_wait3A = arith.constant 0 : i32
      %dma_wait3A_107 = arith.constant 0 : i32
      %dma_wait3A_108 = arith.constant 0 : i32
      %dma_wait3A_109 = tpu.memref_slice %arg2[%dma_wait3A, %dma_wait3A_107, %dma_wait3A_108] : memref<10x1600x128xf32, #tpu.memory_space<vmem>> -> memref<1x1600x128xf32, #tpu.memory_space<vmem>>
      %dma_wait3A_110 = tpu.memref_squeeze %dma_wait3A_109 : memref<1x1600x128xf32, #tpu.memory_space<vmem>> -> memref<1600x128xf32, #tpu.memory_space<vmem>>
      %dma_wait3A_111 = arith.constant 0 : i32
      %dma_wait3A_112 = tpu.memref_slice %arg0[%multiple_of3A_106, %dma_wait3A_111] : memref<320000x128xf32, #tpu.memory_space<hbm>> -> memref<1600x128xf32, #tpu.memory_space<hbm>>
      tpu.wait_dma2 semaphore(%arg3 : memref<!tpu.dma_semaphore, #tpu.memory_space<semaphore_mem>>) src(%dma_wait3A_112 : memref<1600x128xf32, #tpu.memory_space<hbm>>) dst(%dma_wait3A_110 : memref<1600x128xf32, #tpu.memory_space<vmem>>)
      %get3A = arith.constant 0 : index
      %get3A_113 = arith.constant 0 : index
      %get3A_114 = arith.constant 0 : index
      %get3A_115 = vector.load %arg2[%get3A, %get3A_113, %get3A_114] : memref<10x1600x128xf32, #tpu.memory_space<vmem>>, vector<1x64x128xf32>
      %get3A_116 = vector.shape_cast %get3A_115 : vector<1x64x128xf32> to vector<64x128xf32>
      %add3A_117 = arith.addf %scan3A_99, %get3A_116 : vector<64x128xf32>
      %get3A_118 = arith.constant 0 : index
      %get3A_119 = arith.constant 64 : index
      %get3A_120 = arith.constant 0 : index
      %get3A_121 = vector.load %arg2[%get3A_118, %get3A_119, %get3A_120] : memref<10x1600x128xf32, #tpu.memory_space<vmem>>, vector<1x64x128xf32>
      %get3A_122 = vector.shape_cast %get3A_121 : vector<1x64x128xf32> to vector<64x128xf32>
      %add3A_123 = arith.addf %add3A_117, %get3A_122 : vector<64x128xf32>
      %get3A_124 = arith.constant 0 : index
      %get3A_125 = arith.constant 128 : index
      %get3A_126 = arith.constant 0 : index
      %get3A_127 = vector.load %arg2[%get3A_124, %get3A_125, %get3A_126] : memref<10x1600x128xf32, #tpu.memory_space<vmem>>, vector<1x64x128xf32>
      %get3A_128 = vector.shape_cast %get3A_127 : vector<1x64x128xf32> to vector<64x128xf32>
      %add3A_129 = arith.addf %add3A_123, %get3A_128 : vector<64x128xf32>
      %get3A_130 = arith.constant 0 : index
      %get3A_131 = arith.constant 192 : index
      %get3A_132 = arith.constant 0 : index
      %get3A_133 = vector.load %arg2[%get3A_130, %get3A_131, %get3A_132] : memref<10x1600x128xf32, #tpu.memory_space<vmem>>, vector<1x64x128xf32>
      %get3A_134 = vector.shape_cast %get3A_133 : vector<1x64x128xf32> to vector<64x128xf32>
      %add3A_135 = arith.addf %add3A_129, %get3A_134 : vector<64x128xf32>
      %get3A_136 = arith.constant 0 : index
      %get3A_137 = arith.constant 256 : index
      %get3A_138 = arith.constant 0 : index
      %get3A_139 = vector.load %arg2[%get3A_136, %get3A_137, %get3A_138] : memref<10x1600x128xf32, #tpu.memory_space<vmem>>, vector<1x64x128xf32>
      %get3A_140 = vector.shape_cast %get3A_139 : vector<1x64x128xf32> to vector<64x128xf32>
      %add3A_141 = arith.addf %add3A_135, %get3A_140 : vector<64x128xf32>
      %get3A_142 = arith.constant 0 : index
      %get3A_143 = arith.constant 320 : index
      %get3A_144 = arith.constant 0 : index
      %get3A_145 = vector.load %arg2[%get3A_142, %get3A_143, %get3A_144] : memref<10x1600x128xf32, #tpu.memory_space<vmem>>, vector<1x64x128xf32>
      %get3A_146 = vector.shape_cast %get3A_145 : vector<1x64x128xf32> to vector<64x128xf32>
      %add3A_147 = arith.addf %add3A_141, %get3A_146 : vector<64x128xf32>
      %get3A_148 = arith.constant 0 : index
      %get3A_149 = arith.constant 384 : index
      %get3A_150 = arith.constant 0 : index
      %get3A_151 = vector.load %arg2[%get3A_148, %get3A_149, %get3A_150] : memref<10x1600x128xf32, #tpu.memory_space<vmem>>, vector<1x64x128xf32>
      %get3A_152 = vector.shape_cast %get3A_151 : vector<1x64x128xf32> to vector<64x128xf32>
      %add3A_153 = arith.addf %add3A_147, %get3A_152 : vector<64x128xf32>
      %get3A_154 = arith.constant 0 : index
      %get3A_155 = arith.constant 448 : index
      %get3A_156 = arith.constant 0 : index
      %get3A_157 = vector.load %arg2[%get3A_154, %get3A_155, %get3A_156] : memref<10x1600x128xf32, #tpu.memory_space<vmem>>, vector<1x64x128xf32>
      %get3A_158 = vector.shape_cast %get3A_157 : vector<1x64x128xf32> to vector<64x128xf32>
      %add3A_159 = arith.addf %add3A_153, %get3A_158 : vector<64x128xf32>
      %get3A_160 = arith.constant 0 : index
      %get3A_161 = arith.constant 512 : index
      %get3A_162 = arith.constant 0 : index
      %get3A_163 = vector.load %arg2[%get3A_160, %get3A_161, %get3A_162] : memref<10x1600x128xf32, #tpu.memory_space<vmem>>, vector<1x64x128xf32>
      %get3A_164 = vector.shape_cast %get3A_163 : vector<1x64x128xf32> to vector<64x128xf32>
      %add3A_165 = arith.addf %add3A_159, %get3A_164 : vector<64x128xf32>
      %get3A_166 = arith.constant 0 : index
      %get3A_167 = arith.constant 576 : index
      %get3A_168 = arith.constant 0 : index
      %get3A_169 = vector.load %arg2[%get3A_166, %get3A_167, %get3A_168] : memref<10x1600x128xf32, #tpu.memory_space<vmem>>, vector<1x64x128xf32>
      %get3A_170 = vector.shape_cast %get3A_169 : vector<1x64x128xf32> to vector<64x128xf32>
      %add3A_171 = arith.addf %add3A_165, %get3A_170 : vector<64x128xf32>
      %get3A_172 = arith.constant 0 : index
      %get3A_173 = arith.constant 640 : index
      %get3A_174 = arith.constant 0 : index
      %get3A_175 = vector.load %arg2[%get3A_172, %get3A_173, %get3A_174] : memref<10x1600x128xf32, #tpu.memory_space<vmem>>, vector<1x64x128xf32>
      %get3A_176 = vector.shape_cast %get3A_175 : vector<1x64x128xf32> to vector<64x128xf32>
      %add3A_177 = arith.addf %add3A_171, %get3A_176 : vector<64x128xf32>
      %get3A_178 = arith.constant 0 : index
      %get3A_179 = arith.constant 704 : index
      %get3A_180 = arith.constant 0 : index
      %get3A_181 = vector.load %arg2[%get3A_178, %get3A_179, %get3A_180] : memref<10x1600x128xf32, #tpu.memory_space<vmem>>, vector<1x64x128xf32>
      %get3A_182 = vector.shape_cast %get3A_181 : vector<1x64x128xf32> to vector<64x128xf32>
      %add3A_183 = arith.addf %add3A_177, %get3A_182 : vector<64x128xf32>
      %get3A_184 = arith.constant 0 : index
      %get3A_185 = arith.constant 768 : index
      %get3A_186 = arith.constant 0 : index
      %get3A_187 = vector.load %arg2[%get3A_184, %get3A_185, %get3A_186] : memref<10x1600x128xf32, #tpu.memory_space<vmem>>, vector<1x64x128xf32>
      %get3A_188 = vector.shape_cast %get3A_187 : vector<1x64x128xf32> to vector<64x128xf32>
      %add3A_189 = arith.addf %add3A_183, %get3A_188 : vector<64x128xf32>
      %get3A_190 = arith.constant 0 : index
      %get3A_191 = arith.constant 832 : index
      %get3A_192 = arith.constant 0 : index
      %get3A_193 = vector.load %arg2[%get3A_190, %get3A_191, %get3A_192] : memref<10x1600x128xf32, #tpu.memory_space<vmem>>, vector<1x64x128xf32>
      %get3A_194 = vector.shape_cast %get3A_193 : vector<1x64x128xf32> to vector<64x128xf32>
      %add3A_195 = arith.addf %add3A_189, %get3A_194 : vector<64x128xf32>
      %get3A_196 = arith.constant 0 : index
      %get3A_197 = arith.constant 896 : index
      %get3A_198 = arith.constant 0 : index
      %get3A_199 = vector.load %arg2[%get3A_196, %get3A_197, %get3A_198] : memref<10x1600x128xf32, #tpu.memory_space<vmem>>, vector<1x64x128xf32>
      %get3A_200 = vector.shape_cast %get3A_199 : vector<1x64x128xf32> to vector<64x128xf32>
      %add3A_201 = arith.addf %add3A_195, %get3A_200 : vector<64x128xf32>
      %get3A_202 = arith.constant 0 : index
      %get3A_203 = arith.constant 960 : index
      %get3A_204 = arith.constant 0 : index
      %get3A_205 = vector.load %arg2[%get3A_202, %get3A_203, %get3A_204] : memref<10x1600x128xf32, #tpu.memory_space<vmem>>, vector<1x64x128xf32>
      %get3A_206 = vector.shape_cast %get3A_205 : vector<1x64x128xf32> to vector<64x128xf32>
      %add3A_207 = arith.addf %add3A_201, %get3A_206 : vector<64x128xf32>
      %get3A_208 = arith.constant 0 : index
      %get3A_209 = arith.constant 1024 : index
      %get3A_210 = arith.constant 0 : index
      %get3A_211 = vector.load %arg2[%get3A_208, %get3A_209, %get3A_210] : memref<10x1600x128xf32, #tpu.memory_space<vmem>>, vector<1x64x128xf32>
      %get3A_212 = vector.shape_cast %get3A_211 : vector<1x64x128xf32> to vector<64x128xf32>
      %add3A_213 = arith.addf %add3A_207, %get3A_212 : vector<64x128xf32>
      %get3A_214 = arith.constant 0 : index
      %get3A_215 = arith.constant 1088 : index
      %get3A_216 = arith.constant 0 : index
      %get3A_217 = vector.load %arg2[%get3A_214, %get3A_215, %get3A_216] : memref<10x1600x128xf32, #tpu.memory_space<vmem>>, vector<1x64x128xf32>
      %get3A_218 = vector.shape_cast %get3A_217 : vector<1x64x128xf32> to vector<64x128xf32>
      %add3A_219 = arith.addf %add3A_213, %get3A_218 : vector<64x128xf32>
      %get3A_220 = arith.constant 0 : index
      %get3A_221 = arith.constant 1152 : index
      %get3A_222 = arith.constant 0 : index
      %get3A_223 = vector.load %arg2[%get3A_220, %get3A_221, %get3A_222] : memref<10x1600x128xf32, #tpu.memory_space<vmem>>, vector<1x64x128xf32>
      %get3A_224 = vector.shape_cast %get3A_223 : vector<1x64x128xf32> to vector<64x128xf32>
      %add3A_225 = arith.addf %add3A_219, %get3A_224 : vector<64x128xf32>
      %get3A_226 = arith.constant 0 : index
      %get3A_227 = arith.constant 1216 : index
      %get3A_228 = arith.constant 0 : index
      %get3A_229 = vector.load %arg2[%get3A_226, %get3A_227, %get3A_228] : memref<10x1600x128xf32, #tpu.memory_space<vmem>>, vector<1x64x128xf32>
      %get3A_230 = vector.shape_cast %get3A_229 : vector<1x64x128xf32> to vector<64x128xf32>
      %add3A_231 = arith.addf %add3A_225, %get3A_230 : vector<64x128xf32>
      %get3A_232 = arith.constant 0 : index
      %get3A_233 = arith.constant 1280 : index
      %get3A_234 = arith.constant 0 : index
      %get3A_235 = vector.load %arg2[%get3A_232, %get3A_233, %get3A_234] : memref<10x1600x128xf32, #tpu.memory_space<vmem>>, vector<1x64x128xf32>
      %get3A_236 = vector.shape_cast %get3A_235 : vector<1x64x128xf32> to vector<64x128xf32>
      %add3A_237 = arith.addf %add3A_231, %get3A_236 : vector<64x128xf32>
      %get3A_238 = arith.constant 0 : index
      %get3A_239 = arith.constant 1344 : index
      %get3A_240 = arith.constant 0 : index
      %get3A_241 = vector.load %arg2[%get3A_238, %get3A_239, %get3A_240] : memref<10x1600x128xf32, #tpu.memory_space<vmem>>, vector<1x64x128xf32>
      %get3A_242 = vector.shape_cast %get3A_241 : vector<1x64x128xf32> to vector<64x128xf32>
      %add3A_243 = arith.addf %add3A_237, %get3A_242 : vector<64x128xf32>
      %get3A_244 = arith.constant 0 : index
      %get3A_245 = arith.constant 1408 : index
      %get3A_246 = arith.constant 0 : index
      %get3A_247 = vector.load %arg2[%get3A_244, %get3A_245, %get3A_246] : memref<10x1600x128xf32, #tpu.memory_space<vmem>>, vector<1x64x128xf32>
      %get3A_248 = vector.shape_cast %get3A_247 : vector<1x64x128xf32> to vector<64x128xf32>
      %add3A_249 = arith.addf %add3A_243, %get3A_248 : vector<64x128xf32>
      %get3A_250 = arith.constant 0 : index
      %get3A_251 = arith.constant 1472 : index
      %get3A_252 = arith.constant 0 : index
      %get3A_253 = vector.load %arg2[%get3A_250, %get3A_251, %get3A_252] : memref<10x1600x128xf32, #tpu.memory_space<vmem>>, vector<1x64x128xf32>
      %get3A_254 = vector.shape_cast %get3A_253 : vector<1x64x128xf32> to vector<64x128xf32>
      %add3A_255 = arith.addf %add3A_249, %get3A_254 : vector<64x128xf32>
      %get3A_256 = arith.constant 0 : index
      %get3A_257 = arith.constant 1536 : index
      %get3A_258 = arith.constant 0 : index
      %get3A_259 = vector.load %arg2[%get3A_256, %get3A_257, %get3A_258] : memref<10x1600x128xf32, #tpu.memory_space<vmem>>, vector<1x64x128xf32>
      %get3A_260 = vector.shape_cast %get3A_259 : vector<1x64x128xf32> to vector<64x128xf32>
      %add3A_261 = arith.addf %add3A_255, %get3A_260 : vector<64x128xf32>
      %add3A_262 = arith.constant 10 : i32
      %add3A_263 = arith.addi %add3A_101, %add3A_262 : i32
      %lt3A = arith.constant 160 : i32
      %lt3A_264 = arith.cmpi slt, %add3A_263, %lt3A : i32
      %convert_element_type3A = arith.extui %lt3A_264 : i1 to i32
      %cond3A = arith.constant 0 : i32
      %cond3A_265 = arith.cmpi ne, %convert_element_type3A, %cond3A : i32
      scf.if %cond3A_265 {
        %add3A_1823 = arith.constant 10 : i32
        %add3A_1824 = arith.addi %add3A_101, %add3A_1823 : i32
        %mul3A_1825 = arith.constant 1600 : i32
        %mul3A_1826 = arith.muli %add3A_1824, %mul3A_1825 : i32
        %add3A_1827 = arith.constant 64000 : i32
        %add3A_1828 = arith.addi %add3A_1827, %mul3A_1826 : i32
        %multiple_of3A_1829 = tpu.assume_multiple %add3A_1828, 8 : i32
        %dma_start3A_1830 = arith.constant 0 : i32
        %dma_start3A_1831 = arith.constant 0 : i32
        %dma_start3A_1832 = arith.constant 0 : i32
        %dma_start3A_1833 = tpu.memref_slice %arg2[%dma_start3A_1830, %dma_start3A_1831, %dma_start3A_1832] : memref<10x1600x128xf32, #tpu.memory_space<vmem>> -> memref<1x1600x128xf32, #tpu.memory_space<vmem>>
        %dma_start3A_1834 = tpu.memref_squeeze %dma_start3A_1833 : memref<1x1600x128xf32, #tpu.memory_space<vmem>> -> memref<1600x128xf32, #tpu.memory_space<vmem>>
        %dma_start3A_1835 = arith.constant 0 : i32
        %dma_start3A_1836 = tpu.memref_slice %arg0[%multiple_of3A_1829, %dma_start3A_1835] : memref<320000x128xf32, #tpu.memory_space<hbm>> -> memref<1600x128xf32, #tpu.memory_space<hbm>>
        tpu.enqueue_dma source(%dma_start3A_1836 : memref<1600x128xf32, #tpu.memory_space<hbm>>) target(%dma_start3A_1834 : memref<1600x128xf32, #tpu.memory_space<vmem>>) target_semaphore(%arg3 : memref<!tpu.dma_semaphore, #tpu.memory_space<semaphore_mem>>)
      } else {
      }
      %mul3A_266 = arith.constant 10 : i32
      %mul3A_267 = arith.muli %scan3A_98, %mul3A_266 : i32
      %add3A_268 = arith.constant 1 : i32
      %add3A_269 = arith.addi %mul3A_267, %add3A_268 : i32
      %mul3A_270 = arith.constant 1600 : i32
      %mul3A_271 = arith.muli %add3A_269, %mul3A_270 : i32
      %add3A_272 = arith.constant 64000 : i32
      %add3A_273 = arith.addi %add3A_272, %mul3A_271 : i32
      %multiple_of3A_274 = tpu.assume_multiple %add3A_273, 8 : i32
      %dma_wait3A_275 = arith.constant 1 : i32
      %dma_wait3A_276 = arith.constant 0 : i32
      %dma_wait3A_277 = arith.constant 0 : i32
      %dma_wait3A_278 = tpu.memref_slice %arg2[%dma_wait3A_275, %dma_wait3A_276, %dma_wait3A_277] : memref<10x1600x128xf32, #tpu.memory_space<vmem>> -> memref<1x1600x128xf32, #tpu.memory_space<vmem>>
      %dma_wait3A_279 = tpu.memref_squeeze %dma_wait3A_278 : memref<1x1600x128xf32, #tpu.memory_space<vmem>> -> memref<1600x128xf32, #tpu.memory_space<vmem>>
      %dma_wait3A_280 = arith.constant 0 : i32
      %dma_wait3A_281 = tpu.memref_slice %arg0[%multiple_of3A_274, %dma_wait3A_280] : memref<320000x128xf32, #tpu.memory_space<hbm>> -> memref<1600x128xf32, #tpu.memory_space<hbm>>
      tpu.wait_dma2 semaphore(%arg4 : memref<!tpu.dma_semaphore, #tpu.memory_space<semaphore_mem>>) src(%dma_wait3A_281 : memref<1600x128xf32, #tpu.memory_space<hbm>>) dst(%dma_wait3A_279 : memref<1600x128xf32, #tpu.memory_space<vmem>>)
      %get3A_282 = arith.constant 1 : index
      %get3A_283 = arith.constant 0 : index
      %get3A_284 = arith.constant 0 : index
      %get3A_285 = vector.load %arg2[%get3A_282, %get3A_283, %get3A_284] : memref<10x1600x128xf32, #tpu.memory_space<vmem>>, vector<1x64x128xf32>
      %get3A_286 = vector.shape_cast %get3A_285 : vector<1x64x128xf32> to vector<64x128xf32>
      %add3A_287 = arith.addf %add3A_261, %get3A_286 : vector<64x128xf32>
      %get3A_288 = arith.constant 1 : index
      %get3A_289 = arith.constant 64 : index
      %get3A_290 = arith.constant 0 : index
      %get3A_291 = vector.load %arg2[%get3A_288, %get3A_289, %get3A_290] : memref<10x1600x128xf32, #tpu.memory_space<vmem>>, vector<1x64x128xf32>
      %get3A_292 = vector.shape_cast %get3A_291 : vector<1x64x128xf32> to vector<64x128xf32>
      %add3A_293 = arith.addf %add3A_287, %get3A_292 : vector<64x128xf32>
      %get3A_294 = arith.constant 1 : index
      %get3A_295 = arith.constant 128 : index
      %get3A_296 = arith.constant 0 : index
      %get3A_297 = vector.load %arg2[%get3A_294, %get3A_295, %get3A_296] : memref<10x1600x128xf32, #tpu.memory_space<vmem>>, vector<1x64x128xf32>
      %get3A_298 = vector.shape_cast %get3A_297 : vector<1x64x128xf32> to vector<64x128xf32>
      %add3A_299 = arith.addf %add3A_293, %get3A_298 : vector<64x128xf32>
      %get3A_300 = arith.constant 1 : index
      %get3A_301 = arith.constant 192 : index
      %get3A_302 = arith.constant 0 : index
      %get3A_303 = vector.load %arg2[%get3A_300, %get3A_301, %get3A_302] : memref<10x1600x128xf32, #tpu.memory_space<vmem>>, vector<1x64x128xf32>
      %get3A_304 = vector.shape_cast %get3A_303 : vector<1x64x128xf32> to vector<64x128xf32>
      %add3A_305 = arith.addf %add3A_299, %get3A_304 : vector<64x128xf32>
      %get3A_306 = arith.constant 1 : index
      %get3A_307 = arith.constant 256 : index
      %get3A_308 = arith.constant 0 : index
      %get3A_309 = vector.load %arg2[%get3A_306, %get3A_307, %get3A_308] : memref<10x1600x128xf32, #tpu.memory_space<vmem>>, vector<1x64x128xf32>
      %get3A_310 = vector.shape_cast %get3A_309 : vector<1x64x128xf32> to vector<64x128xf32>
      %add3A_311 = arith.addf %add3A_305, %get3A_310 : vector<64x128xf32>
      %get3A_312 = arith.constant 1 : index
      %get3A_313 = arith.constant 320 : index
      %get3A_314 = arith.constant 0 : index
      %get3A_315 = vector.load %arg2[%get3A_312, %get3A_313, %get3A_314] : memref<10x1600x128xf32, #tpu.memory_space<vmem>>, vector<1x64x128xf32>
      %get3A_316 = vector.shape_cast %get3A_315 : vector<1x64x128xf32> to vector<64x128xf32>
      %add3A_317 = arith.addf %add3A_311, %get3A_316 : vector<64x128xf32>
      %get3A_318 = arith.constant 1 : index
      %get3A_319 = arith.constant 384 : index
      %get3A_320 = arith.constant 0 : index
      %get3A_321 = vector.load %arg2[%get3A_318, %get3A_319, %get3A_320] : memref<10x1600x128xf32, #tpu.memory_space<vmem>>, vector<1x64x128xf32>
      %get3A_322 = vector.shape_cast %get3A_321 : vector<1x64x128xf32> to vector<64x128xf32>
      %add3A_323 = arith.addf %add3A_317, %get3A_322 : vector<64x128xf32>
      %get3A_324 = arith.constant 1 : index
      %get3A_325 = arith.constant 448 : index
      %get3A_326 = arith.constant 0 : index
      %get3A_327 = vector.load %arg2[%get3A_324, %get3A_325, %get3A_326] : memref<10x1600x128xf32, #tpu.memory_space<vmem>>, vector<1x64x128xf32>
      %get3A_328 = vector.shape_cast %get3A_327 : vector<1x64x128xf32> to vector<64x128xf32>
      %add3A_329 = arith.addf %add3A_323, %get3A_328 : vector<64x128xf32>
      %get3A_330 = arith.constant 1 : index
      %get3A_331 = arith.constant 512 : index
      %get3A_332 = arith.constant 0 : index
      %get3A_333 = vector.load %arg2[%get3A_330, %get3A_331, %get3A_332] : memref<10x1600x128xf32, #tpu.memory_space<vmem>>, vector<1x64x128xf32>
      %get3A_334 = vector.shape_cast %get3A_333 : vector<1x64x128xf32> to vector<64x128xf32>
      %add3A_335 = arith.addf %add3A_329, %get3A_334 : vector<64x128xf32>
      %get3A_336 = arith.constant 1 : index
      %get3A_337 = arith.constant 576 : index
      %get3A_338 = arith.constant 0 : index
      %get3A_339 = vector.load %arg2[%get3A_336, %get3A_337, %get3A_338] : memref<10x1600x128xf32, #tpu.memory_space<vmem>>, vector<1x64x128xf32>
      %get3A_340 = vector.shape_cast %get3A_339 : vector<1x64x128xf32> to vector<64x128xf32>
      %add3A_341 = arith.addf %add3A_335, %get3A_340 : vector<64x128xf32>
      %get3A_342 = arith.constant 1 : index
      %get3A_343 = arith.constant 640 : index
      %get3A_344 = arith.constant 0 : index
      %get3A_345 = vector.load %arg2[%get3A_342, %get3A_343, %get3A_344] : memref<10x1600x128xf32, #tpu.memory_space<vmem>>, vector<1x64x128xf32>
      %get3A_346 = vector.shape_cast %get3A_345 : vector<1x64x128xf32> to vector<64x128xf32>
      %add3A_347 = arith.addf %add3A_341, %get3A_346 : vector<64x128xf32>
      %get3A_348 = arith.constant 1 : index
      %get3A_349 = arith.constant 704 : index
      %get3A_350 = arith.constant 0 : index
      %get3A_351 = vector.load %arg2[%get3A_348, %get3A_349, %get3A_350] : memref<10x1600x128xf32, #tpu.memory_space<vmem>>, vector<1x64x128xf32>
      %get3A_352 = vector.shape_cast %get3A_351 : vector<1x64x128xf32> to vector<64x128xf32>
      %add3A_353 = arith.addf %add3A_347, %get3A_352 : vector<64x128xf32>
      %get3A_354 = arith.constant 1 : index
      %get3A_355 = arith.constant 768 : index
      %get3A_356 = arith.constant 0 : index
      %get3A_357 = vector.load %arg2[%get3A_354, %get3A_355, %get3A_356] : memref<10x1600x128xf32, #tpu.memory_space<vmem>>, vector<1x64x128xf32>
      %get3A_358 = vector.shape_cast %get3A_357 : vector<1x64x128xf32> to vector<64x128xf32>
      %add3A_359 = arith.addf %add3A_353, %get3A_358 : vector<64x128xf32>
      %get3A_360 = arith.constant 1 : index
      %get3A_361 = arith.constant 832 : index
      %get3A_362 = arith.constant 0 : index
      %get3A_363 = vector.load %arg2[%get3A_360, %get3A_361, %get3A_362] : memref<10x1600x128xf32, #tpu.memory_space<vmem>>, vector<1x64x128xf32>
      %get3A_364 = vector.shape_cast %get3A_363 : vector<1x64x128xf32> to vector<64x128xf32>
      %add3A_365 = arith.addf %add3A_359, %get3A_364 : vector<64x128xf32>
      %get3A_366 = arith.constant 1 : index
      %get3A_367 = arith.constant 896 : index
      %get3A_368 = arith.constant 0 : index
      %get3A_369 = vector.load %arg2[%get3A_366, %get3A_367, %get3A_368] : memref<10x1600x128xf32, #tpu.memory_space<vmem>>, vector<1x64x128xf32>
      %get3A_370 = vector.shape_cast %get3A_369 : vector<1x64x128xf32> to vector<64x128xf32>
      %add3A_371 = arith.addf %add3A_365, %get3A_370 : vector<64x128xf32>
      %get3A_372 = arith.constant 1 : index
      %get3A_373 = arith.constant 960 : index
      %get3A_374 = arith.constant 0 : index
      %get3A_375 = vector.load %arg2[%get3A_372, %get3A_373, %get3A_374] : memref<10x1600x128xf32, #tpu.memory_space<vmem>>, vector<1x64x128xf32>
      %get3A_376 = vector.shape_cast %get3A_375 : vector<1x64x128xf32> to vector<64x128xf32>
      %add3A_377 = arith.addf %add3A_371, %get3A_376 : vector<64x128xf32>
      %get3A_378 = arith.constant 1 : index
      %get3A_379 = arith.constant 1024 : index
      %get3A_380 = arith.constant 0 : index
      %get3A_381 = vector.load %arg2[%get3A_378, %get3A_379, %get3A_380] : memref<10x1600x128xf32, #tpu.memory_space<vmem>>, vector<1x64x128xf32>
      %get3A_382 = vector.shape_cast %get3A_381 : vector<1x64x128xf32> to vector<64x128xf32>
      %add3A_383 = arith.addf %add3A_377, %get3A_382 : vector<64x128xf32>
      %get3A_384 = arith.constant 1 : index
      %get3A_385 = arith.constant 1088 : index
      %get3A_386 = arith.constant 0 : index
      %get3A_387 = vector.load %arg2[%get3A_384, %get3A_385, %get3A_386] : memref<10x1600x128xf32, #tpu.memory_space<vmem>>, vector<1x64x128xf32>
      %get3A_388 = vector.shape_cast %get3A_387 : vector<1x64x128xf32> to vector<64x128xf32>
      %add3A_389 = arith.addf %add3A_383, %get3A_388 : vector<64x128xf32>
      %get3A_390 = arith.constant 1 : index
      %get3A_391 = arith.constant 1152 : index
      %get3A_392 = arith.constant 0 : index
      %get3A_393 = vector.load %arg2[%get3A_390, %get3A_391, %get3A_392] : memref<10x1600x128xf32, #tpu.memory_space<vmem>>, vector<1x64x128xf32>
      %get3A_394 = vector.shape_cast %get3A_393 : vector<1x64x128xf32> to vector<64x128xf32>
      %add3A_395 = arith.addf %add3A_389, %get3A_394 : vector<64x128xf32>
      %get3A_396 = arith.constant 1 : index
      %get3A_397 = arith.constant 1216 : index
      %get3A_398 = arith.constant 0 : index
      %get3A_399 = vector.load %arg2[%get3A_396, %get3A_397, %get3A_398] : memref<10x1600x128xf32, #tpu.memory_space<vmem>>, vector<1x64x128xf32>
      %get3A_400 = vector.shape_cast %get3A_399 : vector<1x64x128xf32> to vector<64x128xf32>
      %add3A_401 = arith.addf %add3A_395, %get3A_400 : vector<64x128xf32>
      %get3A_402 = arith.constant 1 : index
      %get3A_403 = arith.constant 1280 : index
      %get3A_404 = arith.constant 0 : index
      %get3A_405 = vector.load %arg2[%get3A_402, %get3A_403, %get3A_404] : memref<10x1600x128xf32, #tpu.memory_space<vmem>>, vector<1x64x128xf32>
      %get3A_406 = vector.shape_cast %get3A_405 : vector<1x64x128xf32> to vector<64x128xf32>
      %add3A_407 = arith.addf %add3A_401, %get3A_406 : vector<64x128xf32>
      %get3A_408 = arith.constant 1 : index
      %get3A_409 = arith.constant 1344 : index
      %get3A_410 = arith.constant 0 : index
      %get3A_411 = vector.load %arg2[%get3A_408, %get3A_409, %get3A_410] : memref<10x1600x128xf32, #tpu.memory_space<vmem>>, vector<1x64x128xf32>
      %get3A_412 = vector.shape_cast %get3A_411 : vector<1x64x128xf32> to vector<64x128xf32>
      %add3A_413 = arith.addf %add3A_407, %get3A_412 : vector<64x128xf32>
      %get3A_414 = arith.constant 1 : index
      %get3A_415 = arith.constant 1408 : index
      %get3A_416 = arith.constant 0 : index
      %get3A_417 = vector.load %arg2[%get3A_414, %get3A_415, %get3A_416] : memref<10x1600x128xf32, #tpu.memory_space<vmem>>, vector<1x64x128xf32>
      %get3A_418 = vector.shape_cast %get3A_417 : vector<1x64x128xf32> to vector<64x128xf32>
      %add3A_419 = arith.addf %add3A_413, %get3A_418 : vector<64x128xf32>
      %get3A_420 = arith.constant 1 : index
      %get3A_421 = arith.constant 1472 : index
      %get3A_422 = arith.constant 0 : index
      %get3A_423 = vector.load %arg2[%get3A_420, %get3A_421, %get3A_422] : memref<10x1600x128xf32, #tpu.memory_space<vmem>>, vector<1x64x128xf32>
      %get3A_424 = vector.shape_cast %get3A_423 : vector<1x64x128xf32> to vector<64x128xf32>
      %add3A_425 = arith.addf %add3A_419, %get3A_424 : vector<64x128xf32>
      %get3A_426 = arith.constant 1 : index
      %get3A_427 = arith.constant 1536 : index
      %get3A_428 = arith.constant 0 : index
      %get3A_429 = vector.load %arg2[%get3A_426, %get3A_427, %get3A_428] : memref<10x1600x128xf32, #tpu.memory_space<vmem>>, vector<1x64x128xf32>
      %get3A_430 = vector.shape_cast %get3A_429 : vector<1x64x128xf32> to vector<64x128xf32>
      %add3A_431 = arith.addf %add3A_425, %get3A_430 : vector<64x128xf32>
      %add3A_432 = arith.constant 10 : i32
      %add3A_433 = arith.addi %add3A_269, %add3A_432 : i32
      %lt3A_434 = arith.constant 160 : i32
      %lt3A_435 = arith.cmpi slt, %add3A_433, %lt3A_434 : i32
      %convert_element_type3A_436 = arith.extui %lt3A_435 : i1 to i32
      %cond3A_437 = arith.constant 0 : i32
      %cond3A_438 = arith.cmpi ne, %convert_element_type3A_436, %cond3A_437 : i32
      scf.if %cond3A_438 {
        %add3A_1823 = arith.constant 10 : i32
        %add3A_1824 = arith.addi %add3A_269, %add3A_1823 : i32
        %mul3A_1825 = arith.constant 1600 : i32
        %mul3A_1826 = arith.muli %add3A_1824, %mul3A_1825 : i32
        %add3A_1827 = arith.constant 64000 : i32
        %add3A_1828 = arith.addi %add3A_1827, %mul3A_1826 : i32
        %multiple_of3A_1829 = tpu.assume_multiple %add3A_1828, 8 : i32
        %dma_start3A_1830 = arith.constant 1 : i32
        %dma_start3A_1831 = arith.constant 0 : i32
        %dma_start3A_1832 = arith.constant 0 : i32
        %dma_start3A_1833 = tpu.memref_slice %arg2[%dma_start3A_1830, %dma_start3A_1831, %dma_start3A_1832] : memref<10x1600x128xf32, #tpu.memory_space<vmem>> -> memref<1x1600x128xf32, #tpu.memory_space<vmem>>
        %dma_start3A_1834 = tpu.memref_squeeze %dma_start3A_1833 : memref<1x1600x128xf32, #tpu.memory_space<vmem>> -> memref<1600x128xf32, #tpu.memory_space<vmem>>
        %dma_start3A_1835 = arith.constant 0 : i32
        %dma_start3A_1836 = tpu.memref_slice %arg0[%multiple_of3A_1829, %dma_start3A_1835] : memref<320000x128xf32, #tpu.memory_space<hbm>> -> memref<1600x128xf32, #tpu.memory_space<hbm>>
        tpu.enqueue_dma source(%dma_start3A_1836 : memref<1600x128xf32, #tpu.memory_space<hbm>>) target(%dma_start3A_1834 : memref<1600x128xf32, #tpu.memory_space<vmem>>) target_semaphore(%arg4 : memref<!tpu.dma_semaphore, #tpu.memory_space<semaphore_mem>>)
      } else {
      }
      %mul3A_439 = arith.constant 10 : i32
      %mul3A_440 = arith.muli %scan3A_98, %mul3A_439 : i32
      %add3A_441 = arith.constant 2 : i32
      %add3A_442 = arith.addi %mul3A_440, %add3A_441 : i32
      %mul3A_443 = arith.constant 1600 : i32
      %mul3A_444 = arith.muli %add3A_442, %mul3A_443 : i32
      %add3A_445 = arith.constant 64000 : i32
      %add3A_446 = arith.addi %add3A_445, %mul3A_444 : i32
      %multiple_of3A_447 = tpu.assume_multiple %add3A_446, 8 : i32
      %dma_wait3A_448 = arith.constant 2 : i32
      %dma_wait3A_449 = arith.constant 0 : i32
      %dma_wait3A_450 = arith.constant 0 : i32
      %dma_wait3A_451 = tpu.memref_slice %arg2[%dma_wait3A_448, %dma_wait3A_449, %dma_wait3A_450] : memref<10x1600x128xf32, #tpu.memory_space<vmem>> -> memref<1x1600x128xf32, #tpu.memory_space<vmem>>
      %dma_wait3A_452 = tpu.memref_squeeze %dma_wait3A_451 : memref<1x1600x128xf32, #tpu.memory_space<vmem>> -> memref<1600x128xf32, #tpu.memory_space<vmem>>
      %dma_wait3A_453 = arith.constant 0 : i32
      %dma_wait3A_454 = tpu.memref_slice %arg0[%multiple_of3A_447, %dma_wait3A_453] : memref<320000x128xf32, #tpu.memory_space<hbm>> -> memref<1600x128xf32, #tpu.memory_space<hbm>>
      tpu.wait_dma2 semaphore(%arg5 : memref<!tpu.dma_semaphore, #tpu.memory_space<semaphore_mem>>) src(%dma_wait3A_454 : memref<1600x128xf32, #tpu.memory_space<hbm>>) dst(%dma_wait3A_452 : memref<1600x128xf32, #tpu.memory_space<vmem>>)
      %get3A_455 = arith.constant 2 : index
      %get3A_456 = arith.constant 0 : index
      %get3A_457 = arith.constant 0 : index
      %get3A_458 = vector.load %arg2[%get3A_455, %get3A_456, %get3A_457] : memref<10x1600x128xf32, #tpu.memory_space<vmem>>, vector<1x64x128xf32>
      %get3A_459 = vector.shape_cast %get3A_458 : vector<1x64x128xf32> to vector<64x128xf32>
      %add3A_460 = arith.addf %add3A_431, %get3A_459 : vector<64x128xf32>
      %get3A_461 = arith.constant 2 : index
      %get3A_462 = arith.constant 64 : index
      %get3A_463 = arith.constant 0 : index
      %get3A_464 = vector.load %arg2[%get3A_461, %get3A_462, %get3A_463] : memref<10x1600x128xf32, #tpu.memory_space<vmem>>, vector<1x64x128xf32>
      %get3A_465 = vector.shape_cast %get3A_464 : vector<1x64x128xf32> to vector<64x128xf32>
      %add3A_466 = arith.addf %add3A_460, %get3A_465 : vector<64x128xf32>
      %get3A_467 = arith.constant 2 : index
      %get3A_468 = arith.constant 128 : index
      %get3A_469 = arith.constant 0 : index
      %get3A_470 = vector.load %arg2[%get3A_467, %get3A_468, %get3A_469] : memref<10x1600x128xf32, #tpu.memory_space<vmem>>, vector<1x64x128xf32>
      %get3A_471 = vector.shape_cast %get3A_470 : vector<1x64x128xf32> to vector<64x128xf32>
      %add3A_472 = arith.addf %add3A_466, %get3A_471 : vector<64x128xf32>
      %get3A_473 = arith.constant 2 : index
      %get3A_474 = arith.constant 192 : index
      %get3A_475 = arith.constant 0 : index
      %get3A_476 = vector.load %arg2[%get3A_473, %get3A_474, %get3A_475] : memref<10x1600x128xf32, #tpu.memory_space<vmem>>, vector<1x64x128xf32>
      %get3A_477 = vector.shape_cast %get3A_476 : vector<1x64x128xf32> to vector<64x128xf32>
      %add3A_478 = arith.addf %add3A_472, %get3A_477 : vector<64x128xf32>
      %get3A_479 = arith.constant 2 : index
      %get3A_480 = arith.constant 256 : index
      %get3A_481 = arith.constant 0 : index
      %get3A_482 = vector.load %arg2[%get3A_479, %get3A_480, %get3A_481] : memref<10x1600x128xf32, #tpu.memory_space<vmem>>, vector<1x64x128xf32>
      %get3A_483 = vector.shape_cast %get3A_482 : vector<1x64x128xf32> to vector<64x128xf32>
      %add3A_484 = arith.addf %add3A_478, %get3A_483 : vector<64x128xf32>
      %get3A_485 = arith.constant 2 : index
      %get3A_486 = arith.constant 320 : index
      %get3A_487 = arith.constant 0 : index
      %get3A_488 = vector.load %arg2[%get3A_485, %get3A_486, %get3A_487] : memref<10x1600x128xf32, #tpu.memory_space<vmem>>, vector<1x64x128xf32>
      %get3A_489 = vector.shape_cast %get3A_488 : vector<1x64x128xf32> to vector<64x128xf32>
      %add3A_490 = arith.addf %add3A_484, %get3A_489 : vector<64x128xf32>
      %get3A_491 = arith.constant 2 : index
      %get3A_492 = arith.constant 384 : index
      %get3A_493 = arith.constant 0 : index
      %get3A_494 = vector.load %arg2[%get3A_491, %get3A_492, %get3A_493] : memref<10x1600x128xf32, #tpu.memory_space<vmem>>, vector<1x64x128xf32>
      %get3A_495 = vector.shape_cast %get3A_494 : vector<1x64x128xf32> to vector<64x128xf32>
      %add3A_496 = arith.addf %add3A_490, %get3A_495 : vector<64x128xf32>
      %get3A_497 = arith.constant 2 : index
      %get3A_498 = arith.constant 448 : index
      %get3A_499 = arith.constant 0 : index
      %get3A_500 = vector.load %arg2[%get3A_497, %get3A_498, %get3A_499] : memref<10x1600x128xf32, #tpu.memory_space<vmem>>, vector<1x64x128xf32>
      %get3A_501 = vector.shape_cast %get3A_500 : vector<1x64x128xf32> to vector<64x128xf32>
      %add3A_502 = arith.addf %add3A_496, %get3A_501 : vector<64x128xf32>
      %get3A_503 = arith.constant 2 : index
      %get3A_504 = arith.constant 512 : index
      %get3A_505 = arith.constant 0 : index
      %get3A_506 = vector.load %arg2[%get3A_503, %get3A_504, %get3A_505] : memref<10x1600x128xf32, #tpu.memory_space<vmem>>, vector<1x64x128xf32>
      %get3A_507 = vector.shape_cast %get3A_506 : vector<1x64x128xf32> to vector<64x128xf32>
      %add3A_508 = arith.addf %add3A_502, %get3A_507 : vector<64x128xf32>
      %get3A_509 = arith.constant 2 : index
      %get3A_510 = arith.constant 576 : index
      %get3A_511 = arith.constant 0 : index
      %get3A_512 = vector.load %arg2[%get3A_509, %get3A_510, %get3A_511] : memref<10x1600x128xf32, #tpu.memory_space<vmem>>, vector<1x64x128xf32>
      %get3A_513 = vector.shape_cast %get3A_512 : vector<1x64x128xf32> to vector<64x128xf32>
      %add3A_514 = arith.addf %add3A_508, %get3A_513 : vector<64x128xf32>
      %get3A_515 = arith.constant 2 : index
      %get3A_516 = arith.constant 640 : index
      %get3A_517 = arith.constant 0 : index
      %get3A_518 = vector.load %arg2[%get3A_515, %get3A_516, %get3A_517] : memref<10x1600x128xf32, #tpu.memory_space<vmem>>, vector<1x64x128xf32>
      %get3A_519 = vector.shape_cast %get3A_518 : vector<1x64x128xf32> to vector<64x128xf32>
      %add3A_520 = arith.addf %add3A_514, %get3A_519 : vector<64x128xf32>
      %get3A_521 = arith.constant 2 : index
      %get3A_522 = arith.constant 704 : index
      %get3A_523 = arith.constant 0 : index
      %get3A_524 = vector.load %arg2[%get3A_521, %get3A_522, %get3A_523] : memref<10x1600x128xf32, #tpu.memory_space<vmem>>, vector<1x64x128xf32>
      %get3A_525 = vector.shape_cast %get3A_524 : vector<1x64x128xf32> to vector<64x128xf32>
      %add3A_526 = arith.addf %add3A_520, %get3A_525 : vector<64x128xf32>
      %get3A_527 = arith.constant 2 : index
      %get3A_528 = arith.constant 768 : index
      %get3A_529 = arith.constant 0 : index
      %get3A_530 = vector.load %arg2[%get3A_527, %get3A_528, %get3A_529] : memref<10x1600x128xf32, #tpu.memory_space<vmem>>, vector<1x64x128xf32>
      %get3A_531 = vector.shape_cast %get3A_530 : vector<1x64x128xf32> to vector<64x128xf32>
      %add3A_532 = arith.addf %add3A_526, %get3A_531 : vector<64x128xf32>
      %get3A_533 = arith.constant 2 : index
      %get3A_534 = arith.constant 832 : index
      %get3A_535 = arith.constant 0 : index
      %get3A_536 = vector.load %arg2[%get3A_533, %get3A_534, %get3A_535] : memref<10x1600x128xf32, #tpu.memory_space<vmem>>, vector<1x64x128xf32>
      %get3A_537 = vector.shape_cast %get3A_536 : vector<1x64x128xf32> to vector<64x128xf32>
      %add3A_538 = arith.addf %add3A_532, %get3A_537 : vector<64x128xf32>
      %get3A_539 = arith.constant 2 : index
      %get3A_540 = arith.constant 896 : index
      %get3A_541 = arith.constant 0 : index
      %get3A_542 = vector.load %arg2[%get3A_539, %get3A_540, %get3A_541] : memref<10x1600x128xf32, #tpu.memory_space<vmem>>, vector<1x64x128xf32>
      %get3A_543 = vector.shape_cast %get3A_542 : vector<1x64x128xf32> to vector<64x128xf32>
      %add3A_544 = arith.addf %add3A_538, %get3A_543 : vector<64x128xf32>
      %get3A_545 = arith.constant 2 : index
      %get3A_546 = arith.constant 960 : index
      %get3A_547 = arith.constant 0 : index
      %get3A_548 = vector.load %arg2[%get3A_545, %get3A_546, %get3A_547] : memref<10x1600x128xf32, #tpu.memory_space<vmem>>, vector<1x64x128xf32>
      %get3A_549 = vector.shape_cast %get3A_548 : vector<1x64x128xf32> to vector<64x128xf32>
      %add3A_550 = arith.addf %add3A_544, %get3A_549 : vector<64x128xf32>
      %get3A_551 = arith.constant 2 : index
      %get3A_552 = arith.constant 1024 : index
      %get3A_553 = arith.constant 0 : index
      %get3A_554 = vector.load %arg2[%get3A_551, %get3A_552, %get3A_553] : memref<10x1600x128xf32, #tpu.memory_space<vmem>>, vector<1x64x128xf32>
      %get3A_555 = vector.shape_cast %get3A_554 : vector<1x64x128xf32> to vector<64x128xf32>
      %add3A_556 = arith.addf %add3A_550, %get3A_555 : vector<64x128xf32>
      %get3A_557 = arith.constant 2 : index
      %get3A_558 = arith.constant 1088 : index
      %get3A_559 = arith.constant 0 : index
      %get3A_560 = vector.load %arg2[%get3A_557, %get3A_558, %get3A_559] : memref<10x1600x128xf32, #tpu.memory_space<vmem>>, vector<1x64x128xf32>
      %get3A_561 = vector.shape_cast %get3A_560 : vector<1x64x128xf32> to vector<64x128xf32>
      %add3A_562 = arith.addf %add3A_556, %get3A_561 : vector<64x128xf32>
      %get3A_563 = arith.constant 2 : index
      %get3A_564 = arith.constant 1152 : index
      %get3A_565 = arith.constant 0 : index
      %get3A_566 = vector.load %arg2[%get3A_563, %get3A_564, %get3A_565] : memref<10x1600x128xf32, #tpu.memory_space<vmem>>, vector<1x64x128xf32>
      %get3A_567 = vector.shape_cast %get3A_566 : vector<1x64x128xf32> to vector<64x128xf32>
      %add3A_568 = arith.addf %add3A_562, %get3A_567 : vector<64x128xf32>
      %get3A_569 = arith.constant 2 : index
      %get3A_570 = arith.constant 1216 : index
      %get3A_571 = arith.constant 0 : index
      %get3A_572 = vector.load %arg2[%get3A_569, %get3A_570, %get3A_571] : memref<10x1600x128xf32, #tpu.memory_space<vmem>>, vector<1x64x128xf32>
      %get3A_573 = vector.shape_cast %get3A_572 : vector<1x64x128xf32> to vector<64x128xf32>
      %add3A_574 = arith.addf %add3A_568, %get3A_573 : vector<64x128xf32>
      %get3A_575 = arith.constant 2 : index
      %get3A_576 = arith.constant 1280 : index
      %get3A_577 = arith.constant 0 : index
      %get3A_578 = vector.load %arg2[%get3A_575, %get3A_576, %get3A_577] : memref<10x1600x128xf32, #tpu.memory_space<vmem>>, vector<1x64x128xf32>
      %get3A_579 = vector.shape_cast %get3A_578 : vector<1x64x128xf32> to vector<64x128xf32>
      %add3A_580 = arith.addf %add3A_574, %get3A_579 : vector<64x128xf32>
      %get3A_581 = arith.constant 2 : index
      %get3A_582 = arith.constant 1344 : index
      %get3A_583 = arith.constant 0 : index
      %get3A_584 = vector.load %arg2[%get3A_581, %get3A_582, %get3A_583] : memref<10x1600x128xf32, #tpu.memory_space<vmem>>, vector<1x64x128xf32>
      %get3A_585 = vector.shape_cast %get3A_584 : vector<1x64x128xf32> to vector<64x128xf32>
      %add3A_586 = arith.addf %add3A_580, %get3A_585 : vector<64x128xf32>
      %get3A_587 = arith.constant 2 : index
      %get3A_588 = arith.constant 1408 : index
      %get3A_589 = arith.constant 0 : index
      %get3A_590 = vector.load %arg2[%get3A_587, %get3A_588, %get3A_589] : memref<10x1600x128xf32, #tpu.memory_space<vmem>>, vector<1x64x128xf32>
      %get3A_591 = vector.shape_cast %get3A_590 : vector<1x64x128xf32> to vector<64x128xf32>
      %add3A_592 = arith.addf %add3A_586, %get3A_591 : vector<64x128xf32>
      %get3A_593 = arith.constant 2 : index
      %get3A_594 = arith.constant 1472 : index
      %get3A_595 = arith.constant 0 : index
      %get3A_596 = vector.load %arg2[%get3A_593, %get3A_594, %get3A_595] : memref<10x1600x128xf32, #tpu.memory_space<vmem>>, vector<1x64x128xf32>
      %get3A_597 = vector.shape_cast %get3A_596 : vector<1x64x128xf32> to vector<64x128xf32>
      %add3A_598 = arith.addf %add3A_592, %get3A_597 : vector<64x128xf32>
      %get3A_599 = arith.constant 2 : index
      %get3A_600 = arith.constant 1536 : index
      %get3A_601 = arith.constant 0 : index
      %get3A_602 = vector.load %arg2[%get3A_599, %get3A_600, %get3A_601] : memref<10x1600x128xf32, #tpu.memory_space<vmem>>, vector<1x64x128xf32>
      %get3A_603 = vector.shape_cast %get3A_602 : vector<1x64x128xf32> to vector<64x128xf32>
      %add3A_604 = arith.addf %add3A_598, %get3A_603 : vector<64x128xf32>
      %add3A_605 = arith.constant 10 : i32
      %add3A_606 = arith.addi %add3A_442, %add3A_605 : i32
      %lt3A_607 = arith.constant 160 : i32
      %lt3A_608 = arith.cmpi slt, %add3A_606, %lt3A_607 : i32
      %convert_element_type3A_609 = arith.extui %lt3A_608 : i1 to i32
      %cond3A_610 = arith.constant 0 : i32
      %cond3A_611 = arith.cmpi ne, %convert_element_type3A_609, %cond3A_610 : i32
      scf.if %cond3A_611 {
        %add3A_1823 = arith.constant 10 : i32
        %add3A_1824 = arith.addi %add3A_442, %add3A_1823 : i32
        %mul3A_1825 = arith.constant 1600 : i32
        %mul3A_1826 = arith.muli %add3A_1824, %mul3A_1825 : i32
        %add3A_1827 = arith.constant 64000 : i32
        %add3A_1828 = arith.addi %add3A_1827, %mul3A_1826 : i32
        %multiple_of3A_1829 = tpu.assume_multiple %add3A_1828, 8 : i32
        %dma_start3A_1830 = arith.constant 2 : i32
        %dma_start3A_1831 = arith.constant 0 : i32
        %dma_start3A_1832 = arith.constant 0 : i32
        %dma_start3A_1833 = tpu.memref_slice %arg2[%dma_start3A_1830, %dma_start3A_1831, %dma_start3A_1832] : memref<10x1600x128xf32, #tpu.memory_space<vmem>> -> memref<1x1600x128xf32, #tpu.memory_space<vmem>>
        %dma_start3A_1834 = tpu.memref_squeeze %dma_start3A_1833 : memref<1x1600x128xf32, #tpu.memory_space<vmem>> -> memref<1600x128xf32, #tpu.memory_space<vmem>>
        %dma_start3A_1835 = arith.constant 0 : i32
        %dma_start3A_1836 = tpu.memref_slice %arg0[%multiple_of3A_1829, %dma_start3A_1835] : memref<320000x128xf32, #tpu.memory_space<hbm>> -> memref<1600x128xf32, #tpu.memory_space<hbm>>
        tpu.enqueue_dma source(%dma_start3A_1836 : memref<1600x128xf32, #tpu.memory_space<hbm>>) target(%dma_start3A_1834 : memref<1600x128xf32, #tpu.memory_space<vmem>>) target_semaphore(%arg5 : memref<!tpu.dma_semaphore, #tpu.memory_space<semaphore_mem>>)
      } else {
      }
      %mul3A_612 = arith.constant 10 : i32
      %mul3A_613 = arith.muli %scan3A_98, %mul3A_612 : i32
      %add3A_614 = arith.constant 3 : i32
      %add3A_615 = arith.addi %mul3A_613, %add3A_614 : i32
      %mul3A_616 = arith.constant 1600 : i32
      %mul3A_617 = arith.muli %add3A_615, %mul3A_616 : i32
      %add3A_618 = arith.constant 64000 : i32
      %add3A_619 = arith.addi %add3A_618, %mul3A_617 : i32
      %multiple_of3A_620 = tpu.assume_multiple %add3A_619, 8 : i32
      %dma_wait3A_621 = arith.constant 3 : i32
      %dma_wait3A_622 = arith.constant 0 : i32
      %dma_wait3A_623 = arith.constant 0 : i32
      %dma_wait3A_624 = tpu.memref_slice %arg2[%dma_wait3A_621, %dma_wait3A_622, %dma_wait3A_623] : memref<10x1600x128xf32, #tpu.memory_space<vmem>> -> memref<1x1600x128xf32, #tpu.memory_space<vmem>>
      %dma_wait3A_625 = tpu.memref_squeeze %dma_wait3A_624 : memref<1x1600x128xf32, #tpu.memory_space<vmem>> -> memref<1600x128xf32, #tpu.memory_space<vmem>>
      %dma_wait3A_626 = arith.constant 0 : i32
      %dma_wait3A_627 = tpu.memref_slice %arg0[%multiple_of3A_620, %dma_wait3A_626] : memref<320000x128xf32, #tpu.memory_space<hbm>> -> memref<1600x128xf32, #tpu.memory_space<hbm>>
      tpu.wait_dma2 semaphore(%arg6 : memref<!tpu.dma_semaphore, #tpu.memory_space<semaphore_mem>>) src(%dma_wait3A_627 : memref<1600x128xf32, #tpu.memory_space<hbm>>) dst(%dma_wait3A_625 : memref<1600x128xf32, #tpu.memory_space<vmem>>)
      %get3A_628 = arith.constant 3 : index
      %get3A_629 = arith.constant 0 : index
      %get3A_630 = arith.constant 0 : index
      %get3A_631 = vector.load %arg2[%get3A_628, %get3A_629, %get3A_630] : memref<10x1600x128xf32, #tpu.memory_space<vmem>>, vector<1x64x128xf32>
      %get3A_632 = vector.shape_cast %get3A_631 : vector<1x64x128xf32> to vector<64x128xf32>
      %add3A_633 = arith.addf %add3A_604, %get3A_632 : vector<64x128xf32>
      %get3A_634 = arith.constant 3 : index
      %get3A_635 = arith.constant 64 : index
      %get3A_636 = arith.constant 0 : index
      %get3A_637 = vector.load %arg2[%get3A_634, %get3A_635, %get3A_636] : memref<10x1600x128xf32, #tpu.memory_space<vmem>>, vector<1x64x128xf32>
      %get3A_638 = vector.shape_cast %get3A_637 : vector<1x64x128xf32> to vector<64x128xf32>
      %add3A_639 = arith.addf %add3A_633, %get3A_638 : vector<64x128xf32>
      %get3A_640 = arith.constant 3 : index
      %get3A_641 = arith.constant 128 : index
      %get3A_642 = arith.constant 0 : index
      %get3A_643 = vector.load %arg2[%get3A_640, %get3A_641, %get3A_642] : memref<10x1600x128xf32, #tpu.memory_space<vmem>>, vector<1x64x128xf32>
      %get3A_644 = vector.shape_cast %get3A_643 : vector<1x64x128xf32> to vector<64x128xf32>
      %add3A_645 = arith.addf %add3A_639, %get3A_644 : vector<64x128xf32>
      %get3A_646 = arith.constant 3 : index
      %get3A_647 = arith.constant 192 : index
      %get3A_648 = arith.constant 0 : index
      %get3A_649 = vector.load %arg2[%get3A_646, %get3A_647, %get3A_648] : memref<10x1600x128xf32, #tpu.memory_space<vmem>>, vector<1x64x128xf32>
      %get3A_650 = vector.shape_cast %get3A_649 : vector<1x64x128xf32> to vector<64x128xf32>
      %add3A_651 = arith.addf %add3A_645, %get3A_650 : vector<64x128xf32>
      %get3A_652 = arith.constant 3 : index
      %get3A_653 = arith.constant 256 : index
      %get3A_654 = arith.constant 0 : index
      %get3A_655 = vector.load %arg2[%get3A_652, %get3A_653, %get3A_654] : memref<10x1600x128xf32, #tpu.memory_space<vmem>>, vector<1x64x128xf32>
      %get3A_656 = vector.shape_cast %get3A_655 : vector<1x64x128xf32> to vector<64x128xf32>
      %add3A_657 = arith.addf %add3A_651, %get3A_656 : vector<64x128xf32>
      %get3A_658 = arith.constant 3 : index
      %get3A_659 = arith.constant 320 : index
      %get3A_660 = arith.constant 0 : index
      %get3A_661 = vector.load %arg2[%get3A_658, %get3A_659, %get3A_660] : memref<10x1600x128xf32, #tpu.memory_space<vmem>>, vector<1x64x128xf32>
      %get3A_662 = vector.shape_cast %get3A_661 : vector<1x64x128xf32> to vector<64x128xf32>
      %add3A_663 = arith.addf %add3A_657, %get3A_662 : vector<64x128xf32>
      %get3A_664 = arith.constant 3 : index
      %get3A_665 = arith.constant 384 : index
      %get3A_666 = arith.constant 0 : index
      %get3A_667 = vector.load %arg2[%get3A_664, %get3A_665, %get3A_666] : memref<10x1600x128xf32, #tpu.memory_space<vmem>>, vector<1x64x128xf32>
      %get3A_668 = vector.shape_cast %get3A_667 : vector<1x64x128xf32> to vector<64x128xf32>
      %add3A_669 = arith.addf %add3A_663, %get3A_668 : vector<64x128xf32>
      %get3A_670 = arith.constant 3 : index
      %get3A_671 = arith.constant 448 : index
      %get3A_672 = arith.constant 0 : index
      %get3A_673 = vector.load %arg2[%get3A_670, %get3A_671, %get3A_672] : memref<10x1600x128xf32, #tpu.memory_space<vmem>>, vector<1x64x128xf32>
      %get3A_674 = vector.shape_cast %get3A_673 : vector<1x64x128xf32> to vector<64x128xf32>
      %add3A_675 = arith.addf %add3A_669, %get3A_674 : vector<64x128xf32>
      %get3A_676 = arith.constant 3 : index
      %get3A_677 = arith.constant 512 : index
      %get3A_678 = arith.constant 0 : index
      %get3A_679 = vector.load %arg2[%get3A_676, %get3A_677, %get3A_678] : memref<10x1600x128xf32, #tpu.memory_space<vmem>>, vector<1x64x128xf32>
      %get3A_680 = vector.shape_cast %get3A_679 : vector<1x64x128xf32> to vector<64x128xf32>
      %add3A_681 = arith.addf %add3A_675, %get3A_680 : vector<64x128xf32>
      %get3A_682 = arith.constant 3 : index
      %get3A_683 = arith.constant 576 : index
      %get3A_684 = arith.constant 0 : index
      %get3A_685 = vector.load %arg2[%get3A_682, %get3A_683, %get3A_684] : memref<10x1600x128xf32, #tpu.memory_space<vmem>>, vector<1x64x128xf32>
      %get3A_686 = vector.shape_cast %get3A_685 : vector<1x64x128xf32> to vector<64x128xf32>
      %add3A_687 = arith.addf %add3A_681, %get3A_686 : vector<64x128xf32>
      %get3A_688 = arith.constant 3 : index
      %get3A_689 = arith.constant 640 : index
      %get3A_690 = arith.constant 0 : index
      %get3A_691 = vector.load %arg2[%get3A_688, %get3A_689, %get3A_690] : memref<10x1600x128xf32, #tpu.memory_space<vmem>>, vector<1x64x128xf32>
      %get3A_692 = vector.shape_cast %get3A_691 : vector<1x64x128xf32> to vector<64x128xf32>
      %add3A_693 = arith.addf %add3A_687, %get3A_692 : vector<64x128xf32>
      %get3A_694 = arith.constant 3 : index
      %get3A_695 = arith.constant 704 : index
      %get3A_696 = arith.constant 0 : index
      %get3A_697 = vector.load %arg2[%get3A_694, %get3A_695, %get3A_696] : memref<10x1600x128xf32, #tpu.memory_space<vmem>>, vector<1x64x128xf32>
      %get3A_698 = vector.shape_cast %get3A_697 : vector<1x64x128xf32> to vector<64x128xf32>
      %add3A_699 = arith.addf %add3A_693, %get3A_698 : vector<64x128xf32>
      %get3A_700 = arith.constant 3 : index
      %get3A_701 = arith.constant 768 : index
      %get3A_702 = arith.constant 0 : index
      %get3A_703 = vector.load %arg2[%get3A_700, %get3A_701, %get3A_702] : memref<10x1600x128xf32, #tpu.memory_space<vmem>>, vector<1x64x128xf32>
      %get3A_704 = vector.shape_cast %get3A_703 : vector<1x64x128xf32> to vector<64x128xf32>
      %add3A_705 = arith.addf %add3A_699, %get3A_704 : vector<64x128xf32>
      %get3A_706 = arith.constant 3 : index
      %get3A_707 = arith.constant 832 : index
      %get3A_708 = arith.constant 0 : index
      %get3A_709 = vector.load %arg2[%get3A_706, %get3A_707, %get3A_708] : memref<10x1600x128xf32, #tpu.memory_space<vmem>>, vector<1x64x128xf32>
      %get3A_710 = vector.shape_cast %get3A_709 : vector<1x64x128xf32> to vector<64x128xf32>
      %add3A_711 = arith.addf %add3A_705, %get3A_710 : vector<64x128xf32>
      %get3A_712 = arith.constant 3 : index
      %get3A_713 = arith.constant 896 : index
      %get3A_714 = arith.constant 0 : index
      %get3A_715 = vector.load %arg2[%get3A_712, %get3A_713, %get3A_714] : memref<10x1600x128xf32, #tpu.memory_space<vmem>>, vector<1x64x128xf32>
      %get3A_716 = vector.shape_cast %get3A_715 : vector<1x64x128xf32> to vector<64x128xf32>
      %add3A_717 = arith.addf %add3A_711, %get3A_716 : vector<64x128xf32>
      %get3A_718 = arith.constant 3 : index
      %get3A_719 = arith.constant 960 : index
      %get3A_720 = arith.constant 0 : index
      %get3A_721 = vector.load %arg2[%get3A_718, %get3A_719, %get3A_720] : memref<10x1600x128xf32, #tpu.memory_space<vmem>>, vector<1x64x128xf32>
      %get3A_722 = vector.shape_cast %get3A_721 : vector<1x64x128xf32> to vector<64x128xf32>
      %add3A_723 = arith.addf %add3A_717, %get3A_722 : vector<64x128xf32>
      %get3A_724 = arith.constant 3 : index
      %get3A_725 = arith.constant 1024 : index
      %get3A_726 = arith.constant 0 : index
      %get3A_727 = vector.load %arg2[%get3A_724, %get3A_725, %get3A_726] : memref<10x1600x128xf32, #tpu.memory_space<vmem>>, vector<1x64x128xf32>
      %get3A_728 = vector.shape_cast %get3A_727 : vector<1x64x128xf32> to vector<64x128xf32>
      %add3A_729 = arith.addf %add3A_723, %get3A_728 : vector<64x128xf32>
      %get3A_730 = arith.constant 3 : index
      %get3A_731 = arith.constant 1088 : index
      %get3A_732 = arith.constant 0 : index
      %get3A_733 = vector.load %arg2[%get3A_730, %get3A_731, %get3A_732] : memref<10x1600x128xf32, #tpu.memory_space<vmem>>, vector<1x64x128xf32>
      %get3A_734 = vector.shape_cast %get3A_733 : vector<1x64x128xf32> to vector<64x128xf32>
      %add3A_735 = arith.addf %add3A_729, %get3A_734 : vector<64x128xf32>
      %get3A_736 = arith.constant 3 : index
      %get3A_737 = arith.constant 1152 : index
      %get3A_738 = arith.constant 0 : index
      %get3A_739 = vector.load %arg2[%get3A_736, %get3A_737, %get3A_738] : memref<10x1600x128xf32, #tpu.memory_space<vmem>>, vector<1x64x128xf32>
      %get3A_740 = vector.shape_cast %get3A_739 : vector<1x64x128xf32> to vector<64x128xf32>
      %add3A_741 = arith.addf %add3A_735, %get3A_740 : vector<64x128xf32>
      %get3A_742 = arith.constant 3 : index
      %get3A_743 = arith.constant 1216 : index
      %get3A_744 = arith.constant 0 : index
      %get3A_745 = vector.load %arg2[%get3A_742, %get3A_743, %get3A_744] : memref<10x1600x128xf32, #tpu.memory_space<vmem>>, vector<1x64x128xf32>
      %get3A_746 = vector.shape_cast %get3A_745 : vector<1x64x128xf32> to vector<64x128xf32>
      %add3A_747 = arith.addf %add3A_741, %get3A_746 : vector<64x128xf32>
      %get3A_748 = arith.constant 3 : index
      %get3A_749 = arith.constant 1280 : index
      %get3A_750 = arith.constant 0 : index
      %get3A_751 = vector.load %arg2[%get3A_748, %get3A_749, %get3A_750] : memref<10x1600x128xf32, #tpu.memory_space<vmem>>, vector<1x64x128xf32>
      %get3A_752 = vector.shape_cast %get3A_751 : vector<1x64x128xf32> to vector<64x128xf32>
      %add3A_753 = arith.addf %add3A_747, %get3A_752 : vector<64x128xf32>
      %get3A_754 = arith.constant 3 : index
      %get3A_755 = arith.constant 1344 : index
      %get3A_756 = arith.constant 0 : index
      %get3A_757 = vector.load %arg2[%get3A_754, %get3A_755, %get3A_756] : memref<10x1600x128xf32, #tpu.memory_space<vmem>>, vector<1x64x128xf32>
      %get3A_758 = vector.shape_cast %get3A_757 : vector<1x64x128xf32> to vector<64x128xf32>
      %add3A_759 = arith.addf %add3A_753, %get3A_758 : vector<64x128xf32>
      %get3A_760 = arith.constant 3 : index
      %get3A_761 = arith.constant 1408 : index
      %get3A_762 = arith.constant 0 : index
      %get3A_763 = vector.load %arg2[%get3A_760, %get3A_761, %get3A_762] : memref<10x1600x128xf32, #tpu.memory_space<vmem>>, vector<1x64x128xf32>
      %get3A_764 = vector.shape_cast %get3A_763 : vector<1x64x128xf32> to vector<64x128xf32>
      %add3A_765 = arith.addf %add3A_759, %get3A_764 : vector<64x128xf32>
      %get3A_766 = arith.constant 3 : index
      %get3A_767 = arith.constant 1472 : index
      %get3A_768 = arith.constant 0 : index
      %get3A_769 = vector.load %arg2[%get3A_766, %get3A_767, %get3A_768] : memref<10x1600x128xf32, #tpu.memory_space<vmem>>, vector<1x64x128xf32>
      %get3A_770 = vector.shape_cast %get3A_769 : vector<1x64x128xf32> to vector<64x128xf32>
      %add3A_771 = arith.addf %add3A_765, %get3A_770 : vector<64x128xf32>
      %get3A_772 = arith.constant 3 : index
      %get3A_773 = arith.constant 1536 : index
      %get3A_774 = arith.constant 0 : index
      %get3A_775 = vector.load %arg2[%get3A_772, %get3A_773, %get3A_774] : memref<10x1600x128xf32, #tpu.memory_space<vmem>>, vector<1x64x128xf32>
      %get3A_776 = vector.shape_cast %get3A_775 : vector<1x64x128xf32> to vector<64x128xf32>
      %add3A_777 = arith.addf %add3A_771, %get3A_776 : vector<64x128xf32>
      %add3A_778 = arith.constant 10 : i32
      %add3A_779 = arith.addi %add3A_615, %add3A_778 : i32
      %lt3A_780 = arith.constant 160 : i32
      %lt3A_781 = arith.cmpi slt, %add3A_779, %lt3A_780 : i32
      %convert_element_type3A_782 = arith.extui %lt3A_781 : i1 to i32
      %cond3A_783 = arith.constant 0 : i32
      %cond3A_784 = arith.cmpi ne, %convert_element_type3A_782, %cond3A_783 : i32
      scf.if %cond3A_784 {
        %add3A_1823 = arith.constant 10 : i32
        %add3A_1824 = arith.addi %add3A_615, %add3A_1823 : i32
        %mul3A_1825 = arith.constant 1600 : i32
        %mul3A_1826 = arith.muli %add3A_1824, %mul3A_1825 : i32
        %add3A_1827 = arith.constant 64000 : i32
        %add3A_1828 = arith.addi %add3A_1827, %mul3A_1826 : i32
        %multiple_of3A_1829 = tpu.assume_multiple %add3A_1828, 8 : i32
        %dma_start3A_1830 = arith.constant 3 : i32
        %dma_start3A_1831 = arith.constant 0 : i32
        %dma_start3A_1832 = arith.constant 0 : i32
        %dma_start3A_1833 = tpu.memref_slice %arg2[%dma_start3A_1830, %dma_start3A_1831, %dma_start3A_1832] : memref<10x1600x128xf32, #tpu.memory_space<vmem>> -> memref<1x1600x128xf32, #tpu.memory_space<vmem>>
        %dma_start3A_1834 = tpu.memref_squeeze %dma_start3A_1833 : memref<1x1600x128xf32, #tpu.memory_space<vmem>> -> memref<1600x128xf32, #tpu.memory_space<vmem>>
        %dma_start3A_1835 = arith.constant 0 : i32
        %dma_start3A_1836 = tpu.memref_slice %arg0[%multiple_of3A_1829, %dma_start3A_1835] : memref<320000x128xf32, #tpu.memory_space<hbm>> -> memref<1600x128xf32, #tpu.memory_space<hbm>>
        tpu.enqueue_dma source(%dma_start3A_1836 : memref<1600x128xf32, #tpu.memory_space<hbm>>) target(%dma_start3A_1834 : memref<1600x128xf32, #tpu.memory_space<vmem>>) target_semaphore(%arg6 : memref<!tpu.dma_semaphore, #tpu.memory_space<semaphore_mem>>)
      } else {
      }
      %mul3A_785 = arith.constant 10 : i32
      %mul3A_786 = arith.muli %scan3A_98, %mul3A_785 : i32
      %add3A_787 = arith.constant 4 : i32
      %add3A_788 = arith.addi %mul3A_786, %add3A_787 : i32
      %mul3A_789 = arith.constant 1600 : i32
      %mul3A_790 = arith.muli %add3A_788, %mul3A_789 : i32
      %add3A_791 = arith.constant 64000 : i32
      %add3A_792 = arith.addi %add3A_791, %mul3A_790 : i32
      %multiple_of3A_793 = tpu.assume_multiple %add3A_792, 8 : i32
      %dma_wait3A_794 = arith.constant 4 : i32
      %dma_wait3A_795 = arith.constant 0 : i32
      %dma_wait3A_796 = arith.constant 0 : i32
      %dma_wait3A_797 = tpu.memref_slice %arg2[%dma_wait3A_794, %dma_wait3A_795, %dma_wait3A_796] : memref<10x1600x128xf32, #tpu.memory_space<vmem>> -> memref<1x1600x128xf32, #tpu.memory_space<vmem>>
      %dma_wait3A_798 = tpu.memref_squeeze %dma_wait3A_797 : memref<1x1600x128xf32, #tpu.memory_space<vmem>> -> memref<1600x128xf32, #tpu.memory_space<vmem>>
      %dma_wait3A_799 = arith.constant 0 : i32
      %dma_wait3A_800 = tpu.memref_slice %arg0[%multiple_of3A_793, %dma_wait3A_799] : memref<320000x128xf32, #tpu.memory_space<hbm>> -> memref<1600x128xf32, #tpu.memory_space<hbm>>
      tpu.wait_dma2 semaphore(%arg7 : memref<!tpu.dma_semaphore, #tpu.memory_space<semaphore_mem>>) src(%dma_wait3A_800 : memref<1600x128xf32, #tpu.memory_space<hbm>>) dst(%dma_wait3A_798 : memref<1600x128xf32, #tpu.memory_space<vmem>>)
      %get3A_801 = arith.constant 4 : index
      %get3A_802 = arith.constant 0 : index
      %get3A_803 = arith.constant 0 : index
      %get3A_804 = vector.load %arg2[%get3A_801, %get3A_802, %get3A_803] : memref<10x1600x128xf32, #tpu.memory_space<vmem>>, vector<1x64x128xf32>
      %get3A_805 = vector.shape_cast %get3A_804 : vector<1x64x128xf32> to vector<64x128xf32>
      %add3A_806 = arith.addf %add3A_777, %get3A_805 : vector<64x128xf32>
      %get3A_807 = arith.constant 4 : index
      %get3A_808 = arith.constant 64 : index
      %get3A_809 = arith.constant 0 : index
      %get3A_810 = vector.load %arg2[%get3A_807, %get3A_808, %get3A_809] : memref<10x1600x128xf32, #tpu.memory_space<vmem>>, vector<1x64x128xf32>
      %get3A_811 = vector.shape_cast %get3A_810 : vector<1x64x128xf32> to vector<64x128xf32>
      %add3A_812 = arith.addf %add3A_806, %get3A_811 : vector<64x128xf32>
      %get3A_813 = arith.constant 4 : index
      %get3A_814 = arith.constant 128 : index
      %get3A_815 = arith.constant 0 : index
      %get3A_816 = vector.load %arg2[%get3A_813, %get3A_814, %get3A_815] : memref<10x1600x128xf32, #tpu.memory_space<vmem>>, vector<1x64x128xf32>
      %get3A_817 = vector.shape_cast %get3A_816 : vector<1x64x128xf32> to vector<64x128xf32>
      %add3A_818 = arith.addf %add3A_812, %get3A_817 : vector<64x128xf32>
      %get3A_819 = arith.constant 4 : index
      %get3A_820 = arith.constant 192 : index
      %get3A_821 = arith.constant 0 : index
      %get3A_822 = vector.load %arg2[%get3A_819, %get3A_820, %get3A_821] : memref<10x1600x128xf32, #tpu.memory_space<vmem>>, vector<1x64x128xf32>
      %get3A_823 = vector.shape_cast %get3A_822 : vector<1x64x128xf32> to vector<64x128xf32>
      %add3A_824 = arith.addf %add3A_818, %get3A_823 : vector<64x128xf32>
      %get3A_825 = arith.constant 4 : index
      %get3A_826 = arith.constant 256 : index
      %get3A_827 = arith.constant 0 : index
      %get3A_828 = vector.load %arg2[%get3A_825, %get3A_826, %get3A_827] : memref<10x1600x128xf32, #tpu.memory_space<vmem>>, vector<1x64x128xf32>
      %get3A_829 = vector.shape_cast %get3A_828 : vector<1x64x128xf32> to vector<64x128xf32>
      %add3A_830 = arith.addf %add3A_824, %get3A_829 : vector<64x128xf32>
      %get3A_831 = arith.constant 4 : index
      %get3A_832 = arith.constant 320 : index
      %get3A_833 = arith.constant 0 : index
      %get3A_834 = vector.load %arg2[%get3A_831, %get3A_832, %get3A_833] : memref<10x1600x128xf32, #tpu.memory_space<vmem>>, vector<1x64x128xf32>
      %get3A_835 = vector.shape_cast %get3A_834 : vector<1x64x128xf32> to vector<64x128xf32>
      %add3A_836 = arith.addf %add3A_830, %get3A_835 : vector<64x128xf32>
      %get3A_837 = arith.constant 4 : index
      %get3A_838 = arith.constant 384 : index
      %get3A_839 = arith.constant 0 : index
      %get3A_840 = vector.load %arg2[%get3A_837, %get3A_838, %get3A_839] : memref<10x1600x128xf32, #tpu.memory_space<vmem>>, vector<1x64x128xf32>
      %get3A_841 = vector.shape_cast %get3A_840 : vector<1x64x128xf32> to vector<64x128xf32>
      %add3A_842 = arith.addf %add3A_836, %get3A_841 : vector<64x128xf32>
      %get3A_843 = arith.constant 4 : index
      %get3A_844 = arith.constant 448 : index
      %get3A_845 = arith.constant 0 : index
      %get3A_846 = vector.load %arg2[%get3A_843, %get3A_844, %get3A_845] : memref<10x1600x128xf32, #tpu.memory_space<vmem>>, vector<1x64x128xf32>
      %get3A_847 = vector.shape_cast %get3A_846 : vector<1x64x128xf32> to vector<64x128xf32>
      %add3A_848 = arith.addf %add3A_842, %get3A_847 : vector<64x128xf32>
      %get3A_849 = arith.constant 4 : index
      %get3A_850 = arith.constant 512 : index
      %get3A_851 = arith.constant 0 : index
      %get3A_852 = vector.load %arg2[%get3A_849, %get3A_850, %get3A_851] : memref<10x1600x128xf32, #tpu.memory_space<vmem>>, vector<1x64x128xf32>
      %get3A_853 = vector.shape_cast %get3A_852 : vector<1x64x128xf32> to vector<64x128xf32>
      %add3A_854 = arith.addf %add3A_848, %get3A_853 : vector<64x128xf32>
      %get3A_855 = arith.constant 4 : index
      %get3A_856 = arith.constant 576 : index
      %get3A_857 = arith.constant 0 : index
      %get3A_858 = vector.load %arg2[%get3A_855, %get3A_856, %get3A_857] : memref<10x1600x128xf32, #tpu.memory_space<vmem>>, vector<1x64x128xf32>
      %get3A_859 = vector.shape_cast %get3A_858 : vector<1x64x128xf32> to vector<64x128xf32>
      %add3A_860 = arith.addf %add3A_854, %get3A_859 : vector<64x128xf32>
      %get3A_861 = arith.constant 4 : index
      %get3A_862 = arith.constant 640 : index
      %get3A_863 = arith.constant 0 : index
      %get3A_864 = vector.load %arg2[%get3A_861, %get3A_862, %get3A_863] : memref<10x1600x128xf32, #tpu.memory_space<vmem>>, vector<1x64x128xf32>
      %get3A_865 = vector.shape_cast %get3A_864 : vector<1x64x128xf32> to vector<64x128xf32>
      %add3A_866 = arith.addf %add3A_860, %get3A_865 : vector<64x128xf32>
      %get3A_867 = arith.constant 4 : index
      %get3A_868 = arith.constant 704 : index
      %get3A_869 = arith.constant 0 : index
      %get3A_870 = vector.load %arg2[%get3A_867, %get3A_868, %get3A_869] : memref<10x1600x128xf32, #tpu.memory_space<vmem>>, vector<1x64x128xf32>
      %get3A_871 = vector.shape_cast %get3A_870 : vector<1x64x128xf32> to vector<64x128xf32>
      %add3A_872 = arith.addf %add3A_866, %get3A_871 : vector<64x128xf32>
      %get3A_873 = arith.constant 4 : index
      %get3A_874 = arith.constant 768 : index
      %get3A_875 = arith.constant 0 : index
      %get3A_876 = vector.load %arg2[%get3A_873, %get3A_874, %get3A_875] : memref<10x1600x128xf32, #tpu.memory_space<vmem>>, vector<1x64x128xf32>
      %get3A_877 = vector.shape_cast %get3A_876 : vector<1x64x128xf32> to vector<64x128xf32>
      %add3A_878 = arith.addf %add3A_872, %get3A_877 : vector<64x128xf32>
      %get3A_879 = arith.constant 4 : index
      %get3A_880 = arith.constant 832 : index
      %get3A_881 = arith.constant 0 : index
      %get3A_882 = vector.load %arg2[%get3A_879, %get3A_880, %get3A_881] : memref<10x1600x128xf32, #tpu.memory_space<vmem>>, vector<1x64x128xf32>
      %get3A_883 = vector.shape_cast %get3A_882 : vector<1x64x128xf32> to vector<64x128xf32>
      %add3A_884 = arith.addf %add3A_878, %get3A_883 : vector<64x128xf32>
      %get3A_885 = arith.constant 4 : index
      %get3A_886 = arith.constant 896 : index
      %get3A_887 = arith.constant 0 : index
      %get3A_888 = vector.load %arg2[%get3A_885, %get3A_886, %get3A_887] : memref<10x1600x128xf32, #tpu.memory_space<vmem>>, vector<1x64x128xf32>
      %get3A_889 = vector.shape_cast %get3A_888 : vector<1x64x128xf32> to vector<64x128xf32>
      %add3A_890 = arith.addf %add3A_884, %get3A_889 : vector<64x128xf32>
      %get3A_891 = arith.constant 4 : index
      %get3A_892 = arith.constant 960 : index
      %get3A_893 = arith.constant 0 : index
      %get3A_894 = vector.load %arg2[%get3A_891, %get3A_892, %get3A_893] : memref<10x1600x128xf32, #tpu.memory_space<vmem>>, vector<1x64x128xf32>
      %get3A_895 = vector.shape_cast %get3A_894 : vector<1x64x128xf32> to vector<64x128xf32>
      %add3A_896 = arith.addf %add3A_890, %get3A_895 : vector<64x128xf32>
      %get3A_897 = arith.constant 4 : index
      %get3A_898 = arith.constant 1024 : index
      %get3A_899 = arith.constant 0 : index
      %get3A_900 = vector.load %arg2[%get3A_897, %get3A_898, %get3A_899] : memref<10x1600x128xf32, #tpu.memory_space<vmem>>, vector<1x64x128xf32>
      %get3A_901 = vector.shape_cast %get3A_900 : vector<1x64x128xf32> to vector<64x128xf32>
      %add3A_902 = arith.addf %add3A_896, %get3A_901 : vector<64x128xf32>
      %get3A_903 = arith.constant 4 : index
      %get3A_904 = arith.constant 1088 : index
      %get3A_905 = arith.constant 0 : index
      %get3A_906 = vector.load %arg2[%get3A_903, %get3A_904, %get3A_905] : memref<10x1600x128xf32, #tpu.memory_space<vmem>>, vector<1x64x128xf32>
      %get3A_907 = vector.shape_cast %get3A_906 : vector<1x64x128xf32> to vector<64x128xf32>
      %add3A_908 = arith.addf %add3A_902, %get3A_907 : vector<64x128xf32>
      %get3A_909 = arith.constant 4 : index
      %get3A_910 = arith.constant 1152 : index
      %get3A_911 = arith.constant 0 : index
      %get3A_912 = vector.load %arg2[%get3A_909, %get3A_910, %get3A_911] : memref<10x1600x128xf32, #tpu.memory_space<vmem>>, vector<1x64x128xf32>
      %get3A_913 = vector.shape_cast %get3A_912 : vector<1x64x128xf32> to vector<64x128xf32>
      %add3A_914 = arith.addf %add3A_908, %get3A_913 : vector<64x128xf32>
      %get3A_915 = arith.constant 4 : index
      %get3A_916 = arith.constant 1216 : index
      %get3A_917 = arith.constant 0 : index
      %get3A_918 = vector.load %arg2[%get3A_915, %get3A_916, %get3A_917] : memref<10x1600x128xf32, #tpu.memory_space<vmem>>, vector<1x64x128xf32>
      %get3A_919 = vector.shape_cast %get3A_918 : vector<1x64x128xf32> to vector<64x128xf32>
      %add3A_920 = arith.addf %add3A_914, %get3A_919 : vector<64x128xf32>
      %get3A_921 = arith.constant 4 : index
      %get3A_922 = arith.constant 1280 : index
      %get3A_923 = arith.constant 0 : index
      %get3A_924 = vector.load %arg2[%get3A_921, %get3A_922, %get3A_923] : memref<10x1600x128xf32, #tpu.memory_space<vmem>>, vector<1x64x128xf32>
      %get3A_925 = vector.shape_cast %get3A_924 : vector<1x64x128xf32> to vector<64x128xf32>
      %add3A_926 = arith.addf %add3A_920, %get3A_925 : vector<64x128xf32>
      %get3A_927 = arith.constant 4 : index
      %get3A_928 = arith.constant 1344 : index
      %get3A_929 = arith.constant 0 : index
      %get3A_930 = vector.load %arg2[%get3A_927, %get3A_928, %get3A_929] : memref<10x1600x128xf32, #tpu.memory_space<vmem>>, vector<1x64x128xf32>
      %get3A_931 = vector.shape_cast %get3A_930 : vector<1x64x128xf32> to vector<64x128xf32>
      %add3A_932 = arith.addf %add3A_926, %get3A_931 : vector<64x128xf32>
      %get3A_933 = arith.constant 4 : index
      %get3A_934 = arith.constant 1408 : index
      %get3A_935 = arith.constant 0 : index
      %get3A_936 = vector.load %arg2[%get3A_933, %get3A_934, %get3A_935] : memref<10x1600x128xf32, #tpu.memory_space<vmem>>, vector<1x64x128xf32>
      %get3A_937 = vector.shape_cast %get3A_936 : vector<1x64x128xf32> to vector<64x128xf32>
      %add3A_938 = arith.addf %add3A_932, %get3A_937 : vector<64x128xf32>
      %get3A_939 = arith.constant 4 : index
      %get3A_940 = arith.constant 1472 : index
      %get3A_941 = arith.constant 0 : index
      %get3A_942 = vector.load %arg2[%get3A_939, %get3A_940, %get3A_941] : memref<10x1600x128xf32, #tpu.memory_space<vmem>>, vector<1x64x128xf32>
      %get3A_943 = vector.shape_cast %get3A_942 : vector<1x64x128xf32> to vector<64x128xf32>
      %add3A_944 = arith.addf %add3A_938, %get3A_943 : vector<64x128xf32>
      %get3A_945 = arith.constant 4 : index
      %get3A_946 = arith.constant 1536 : index
      %get3A_947 = arith.constant 0 : index
      %get3A_948 = vector.load %arg2[%get3A_945, %get3A_946, %get3A_947] : memref<10x1600x128xf32, #tpu.memory_space<vmem>>, vector<1x64x128xf32>
      %get3A_949 = vector.shape_cast %get3A_948 : vector<1x64x128xf32> to vector<64x128xf32>
      %add3A_950 = arith.addf %add3A_944, %get3A_949 : vector<64x128xf32>
      %add3A_951 = arith.constant 10 : i32
      %add3A_952 = arith.addi %add3A_788, %add3A_951 : i32
      %lt3A_953 = arith.constant 160 : i32
      %lt3A_954 = arith.cmpi slt, %add3A_952, %lt3A_953 : i32
      %convert_element_type3A_955 = arith.extui %lt3A_954 : i1 to i32
      %cond3A_956 = arith.constant 0 : i32
      %cond3A_957 = arith.cmpi ne, %convert_element_type3A_955, %cond3A_956 : i32
      scf.if %cond3A_957 {
        %add3A_1823 = arith.constant 10 : i32
        %add3A_1824 = arith.addi %add3A_788, %add3A_1823 : i32
        %mul3A_1825 = arith.constant 1600 : i32
        %mul3A_1826 = arith.muli %add3A_1824, %mul3A_1825 : i32
        %add3A_1827 = arith.constant 64000 : i32
        %add3A_1828 = arith.addi %add3A_1827, %mul3A_1826 : i32
        %multiple_of3A_1829 = tpu.assume_multiple %add3A_1828, 8 : i32
        %dma_start3A_1830 = arith.constant 4 : i32
        %dma_start3A_1831 = arith.constant 0 : i32
        %dma_start3A_1832 = arith.constant 0 : i32
        %dma_start3A_1833 = tpu.memref_slice %arg2[%dma_start3A_1830, %dma_start3A_1831, %dma_start3A_1832] : memref<10x1600x128xf32, #tpu.memory_space<vmem>> -> memref<1x1600x128xf32, #tpu.memory_space<vmem>>
        %dma_start3A_1834 = tpu.memref_squeeze %dma_start3A_1833 : memref<1x1600x128xf32, #tpu.memory_space<vmem>> -> memref<1600x128xf32, #tpu.memory_space<vmem>>
        %dma_start3A_1835 = arith.constant 0 : i32
        %dma_start3A_1836 = tpu.memref_slice %arg0[%multiple_of3A_1829, %dma_start3A_1835] : memref<320000x128xf32, #tpu.memory_space<hbm>> -> memref<1600x128xf32, #tpu.memory_space<hbm>>
        tpu.enqueue_dma source(%dma_start3A_1836 : memref<1600x128xf32, #tpu.memory_space<hbm>>) target(%dma_start3A_1834 : memref<1600x128xf32, #tpu.memory_space<vmem>>) target_semaphore(%arg7 : memref<!tpu.dma_semaphore, #tpu.memory_space<semaphore_mem>>)
      } else {
      }
      %mul3A_958 = arith.constant 10 : i32
      %mul3A_959 = arith.muli %scan3A_98, %mul3A_958 : i32
      %add3A_960 = arith.constant 5 : i32
      %add3A_961 = arith.addi %mul3A_959, %add3A_960 : i32
      %mul3A_962 = arith.constant 1600 : i32
      %mul3A_963 = arith.muli %add3A_961, %mul3A_962 : i32
      %add3A_964 = arith.constant 64000 : i32
      %add3A_965 = arith.addi %add3A_964, %mul3A_963 : i32
      %multiple_of3A_966 = tpu.assume_multiple %add3A_965, 8 : i32
      %dma_wait3A_967 = arith.constant 5 : i32
      %dma_wait3A_968 = arith.constant 0 : i32
      %dma_wait3A_969 = arith.constant 0 : i32
      %dma_wait3A_970 = tpu.memref_slice %arg2[%dma_wait3A_967, %dma_wait3A_968, %dma_wait3A_969] : memref<10x1600x128xf32, #tpu.memory_space<vmem>> -> memref<1x1600x128xf32, #tpu.memory_space<vmem>>
      %dma_wait3A_971 = tpu.memref_squeeze %dma_wait3A_970 : memref<1x1600x128xf32, #tpu.memory_space<vmem>> -> memref<1600x128xf32, #tpu.memory_space<vmem>>
      %dma_wait3A_972 = arith.constant 0 : i32
      %dma_wait3A_973 = tpu.memref_slice %arg0[%multiple_of3A_966, %dma_wait3A_972] : memref<320000x128xf32, #tpu.memory_space<hbm>> -> memref<1600x128xf32, #tpu.memory_space<hbm>>
      tpu.wait_dma2 semaphore(%arg8 : memref<!tpu.dma_semaphore, #tpu.memory_space<semaphore_mem>>) src(%dma_wait3A_973 : memref<1600x128xf32, #tpu.memory_space<hbm>>) dst(%dma_wait3A_971 : memref<1600x128xf32, #tpu.memory_space<vmem>>)
      %get3A_974 = arith.constant 5 : index
      %get3A_975 = arith.constant 0 : index
      %get3A_976 = arith.constant 0 : index
      %get3A_977 = vector.load %arg2[%get3A_974, %get3A_975, %get3A_976] : memref<10x1600x128xf32, #tpu.memory_space<vmem>>, vector<1x64x128xf32>
      %get3A_978 = vector.shape_cast %get3A_977 : vector<1x64x128xf32> to vector<64x128xf32>
      %add3A_979 = arith.addf %add3A_950, %get3A_978 : vector<64x128xf32>
      %get3A_980 = arith.constant 5 : index
      %get3A_981 = arith.constant 64 : index
      %get3A_982 = arith.constant 0 : index
      %get3A_983 = vector.load %arg2[%get3A_980, %get3A_981, %get3A_982] : memref<10x1600x128xf32, #tpu.memory_space<vmem>>, vector<1x64x128xf32>
      %get3A_984 = vector.shape_cast %get3A_983 : vector<1x64x128xf32> to vector<64x128xf32>
      %add3A_985 = arith.addf %add3A_979, %get3A_984 : vector<64x128xf32>
      %get3A_986 = arith.constant 5 : index
      %get3A_987 = arith.constant 128 : index
      %get3A_988 = arith.constant 0 : index
      %get3A_989 = vector.load %arg2[%get3A_986, %get3A_987, %get3A_988] : memref<10x1600x128xf32, #tpu.memory_space<vmem>>, vector<1x64x128xf32>
      %get3A_990 = vector.shape_cast %get3A_989 : vector<1x64x128xf32> to vector<64x128xf32>
      %add3A_991 = arith.addf %add3A_985, %get3A_990 : vector<64x128xf32>
      %get3A_992 = arith.constant 5 : index
      %get3A_993 = arith.constant 192 : index
      %get3A_994 = arith.constant 0 : index
      %get3A_995 = vector.load %arg2[%get3A_992, %get3A_993, %get3A_994] : memref<10x1600x128xf32, #tpu.memory_space<vmem>>, vector<1x64x128xf32>
      %get3A_996 = vector.shape_cast %get3A_995 : vector<1x64x128xf32> to vector<64x128xf32>
      %add3A_997 = arith.addf %add3A_991, %get3A_996 : vector<64x128xf32>
      %get3A_998 = arith.constant 5 : index
      %get3A_999 = arith.constant 256 : index
      %get3A_1000 = arith.constant 0 : index
      %get3A_1001 = vector.load %arg2[%get3A_998, %get3A_999, %get3A_1000] : memref<10x1600x128xf32, #tpu.memory_space<vmem>>, vector<1x64x128xf32>
      %get3A_1002 = vector.shape_cast %get3A_1001 : vector<1x64x128xf32> to vector<64x128xf32>
      %add3A_1003 = arith.addf %add3A_997, %get3A_1002 : vector<64x128xf32>
      %get3A_1004 = arith.constant 5 : index
      %get3A_1005 = arith.constant 320 : index
      %get3A_1006 = arith.constant 0 : index
      %get3A_1007 = vector.load %arg2[%get3A_1004, %get3A_1005, %get3A_1006] : memref<10x1600x128xf32, #tpu.memory_space<vmem>>, vector<1x64x128xf32>
      %get3A_1008 = vector.shape_cast %get3A_1007 : vector<1x64x128xf32> to vector<64x128xf32>
      %add3A_1009 = arith.addf %add3A_1003, %get3A_1008 : vector<64x128xf32>
      %get3A_1010 = arith.constant 5 : index
      %get3A_1011 = arith.constant 384 : index
      %get3A_1012 = arith.constant 0 : index
      %get3A_1013 = vector.load %arg2[%get3A_1010, %get3A_1011, %get3A_1012] : memref<10x1600x128xf32, #tpu.memory_space<vmem>>, vector<1x64x128xf32>
      %get3A_1014 = vector.shape_cast %get3A_1013 : vector<1x64x128xf32> to vector<64x128xf32>
      %add3A_1015 = arith.addf %add3A_1009, %get3A_1014 : vector<64x128xf32>
      %get3A_1016 = arith.constant 5 : index
      %get3A_1017 = arith.constant 448 : index
      %get3A_1018 = arith.constant 0 : index
      %get3A_1019 = vector.load %arg2[%get3A_1016, %get3A_1017, %get3A_1018] : memref<10x1600x128xf32, #tpu.memory_space<vmem>>, vector<1x64x128xf32>
      %get3A_1020 = vector.shape_cast %get3A_1019 : vector<1x64x128xf32> to vector<64x128xf32>
      %add3A_1021 = arith.addf %add3A_1015, %get3A_1020 : vector<64x128xf32>
      %get3A_1022 = arith.constant 5 : index
      %get3A_1023 = arith.constant 512 : index
      %get3A_1024 = arith.constant 0 : index
      %get3A_1025 = vector.load %arg2[%get3A_1022, %get3A_1023, %get3A_1024] : memref<10x1600x128xf32, #tpu.memory_space<vmem>>, vector<1x64x128xf32>
      %get3A_1026 = vector.shape_cast %get3A_1025 : vector<1x64x128xf32> to vector<64x128xf32>
      %add3A_1027 = arith.addf %add3A_1021, %get3A_1026 : vector<64x128xf32>
      %get3A_1028 = arith.constant 5 : index
      %get3A_1029 = arith.constant 576 : index
      %get3A_1030 = arith.constant 0 : index
      %get3A_1031 = vector.load %arg2[%get3A_1028, %get3A_1029, %get3A_1030] : memref<10x1600x128xf32, #tpu.memory_space<vmem>>, vector<1x64x128xf32>
      %get3A_1032 = vector.shape_cast %get3A_1031 : vector<1x64x128xf32> to vector<64x128xf32>
      %add3A_1033 = arith.addf %add3A_1027, %get3A_1032 : vector<64x128xf32>
      %get3A_1034 = arith.constant 5 : index
      %get3A_1035 = arith.constant 640 : index
      %get3A_1036 = arith.constant 0 : index
      %get3A_1037 = vector.load %arg2[%get3A_1034, %get3A_1035, %get3A_1036] : memref<10x1600x128xf32, #tpu.memory_space<vmem>>, vector<1x64x128xf32>
      %get3A_1038 = vector.shape_cast %get3A_1037 : vector<1x64x128xf32> to vector<64x128xf32>
      %add3A_1039 = arith.addf %add3A_1033, %get3A_1038 : vector<64x128xf32>
      %get3A_1040 = arith.constant 5 : index
      %get3A_1041 = arith.constant 704 : index
      %get3A_1042 = arith.constant 0 : index
      %get3A_1043 = vector.load %arg2[%get3A_1040, %get3A_1041, %get3A_1042] : memref<10x1600x128xf32, #tpu.memory_space<vmem>>, vector<1x64x128xf32>
      %get3A_1044 = vector.shape_cast %get3A_1043 : vector<1x64x128xf32> to vector<64x128xf32>
      %add3A_1045 = arith.addf %add3A_1039, %get3A_1044 : vector<64x128xf32>
      %get3A_1046 = arith.constant 5 : index
      %get3A_1047 = arith.constant 768 : index
      %get3A_1048 = arith.constant 0 : index
      %get3A_1049 = vector.load %arg2[%get3A_1046, %get3A_1047, %get3A_1048] : memref<10x1600x128xf32, #tpu.memory_space<vmem>>, vector<1x64x128xf32>
      %get3A_1050 = vector.shape_cast %get3A_1049 : vector<1x64x128xf32> to vector<64x128xf32>
      %add3A_1051 = arith.addf %add3A_1045, %get3A_1050 : vector<64x128xf32>
      %get3A_1052 = arith.constant 5 : index
      %get3A_1053 = arith.constant 832 : index
      %get3A_1054 = arith.constant 0 : index
      %get3A_1055 = vector.load %arg2[%get3A_1052, %get3A_1053, %get3A_1054] : memref<10x1600x128xf32, #tpu.memory_space<vmem>>, vector<1x64x128xf32>
      %get3A_1056 = vector.shape_cast %get3A_1055 : vector<1x64x128xf32> to vector<64x128xf32>
      %add3A_1057 = arith.addf %add3A_1051, %get3A_1056 : vector<64x128xf32>
      %get3A_1058 = arith.constant 5 : index
      %get3A_1059 = arith.constant 896 : index
      %get3A_1060 = arith.constant 0 : index
      %get3A_1061 = vector.load %arg2[%get3A_1058, %get3A_1059, %get3A_1060] : memref<10x1600x128xf32, #tpu.memory_space<vmem>>, vector<1x64x128xf32>
      %get3A_1062 = vector.shape_cast %get3A_1061 : vector<1x64x128xf32> to vector<64x128xf32>
      %add3A_1063 = arith.addf %add3A_1057, %get3A_1062 : vector<64x128xf32>
      %get3A_1064 = arith.constant 5 : index
      %get3A_1065 = arith.constant 960 : index
      %get3A_1066 = arith.constant 0 : index
      %get3A_1067 = vector.load %arg2[%get3A_1064, %get3A_1065, %get3A_1066] : memref<10x1600x128xf32, #tpu.memory_space<vmem>>, vector<1x64x128xf32>
      %get3A_1068 = vector.shape_cast %get3A_1067 : vector<1x64x128xf32> to vector<64x128xf32>
      %add3A_1069 = arith.addf %add3A_1063, %get3A_1068 : vector<64x128xf32>
      %get3A_1070 = arith.constant 5 : index
      %get3A_1071 = arith.constant 1024 : index
      %get3A_1072 = arith.constant 0 : index
      %get3A_1073 = vector.load %arg2[%get3A_1070, %get3A_1071, %get3A_1072] : memref<10x1600x128xf32, #tpu.memory_space<vmem>>, vector<1x64x128xf32>
      %get3A_1074 = vector.shape_cast %get3A_1073 : vector<1x64x128xf32> to vector<64x128xf32>
      %add3A_1075 = arith.addf %add3A_1069, %get3A_1074 : vector<64x128xf32>
      %get3A_1076 = arith.constant 5 : index
      %get3A_1077 = arith.constant 1088 : index
      %get3A_1078 = arith.constant 0 : index
      %get3A_1079 = vector.load %arg2[%get3A_1076, %get3A_1077, %get3A_1078] : memref<10x1600x128xf32, #tpu.memory_space<vmem>>, vector<1x64x128xf32>
      %get3A_1080 = vector.shape_cast %get3A_1079 : vector<1x64x128xf32> to vector<64x128xf32>
      %add3A_1081 = arith.addf %add3A_1075, %get3A_1080 : vector<64x128xf32>
      %get3A_1082 = arith.constant 5 : index
      %get3A_1083 = arith.constant 1152 : index
      %get3A_1084 = arith.constant 0 : index
      %get3A_1085 = vector.load %arg2[%get3A_1082, %get3A_1083, %get3A_1084] : memref<10x1600x128xf32, #tpu.memory_space<vmem>>, vector<1x64x128xf32>
      %get3A_1086 = vector.shape_cast %get3A_1085 : vector<1x64x128xf32> to vector<64x128xf32>
      %add3A_1087 = arith.addf %add3A_1081, %get3A_1086 : vector<64x128xf32>
      %get3A_1088 = arith.constant 5 : index
      %get3A_1089 = arith.constant 1216 : index
      %get3A_1090 = arith.constant 0 : index
      %get3A_1091 = vector.load %arg2[%get3A_1088, %get3A_1089, %get3A_1090] : memref<10x1600x128xf32, #tpu.memory_space<vmem>>, vector<1x64x128xf32>
      %get3A_1092 = vector.shape_cast %get3A_1091 : vector<1x64x128xf32> to vector<64x128xf32>
      %add3A_1093 = arith.addf %add3A_1087, %get3A_1092 : vector<64x128xf32>
      %get3A_1094 = arith.constant 5 : index
      %get3A_1095 = arith.constant 1280 : index
      %get3A_1096 = arith.constant 0 : index
      %get3A_1097 = vector.load %arg2[%get3A_1094, %get3A_1095, %get3A_1096] : memref<10x1600x128xf32, #tpu.memory_space<vmem>>, vector<1x64x128xf32>
      %get3A_1098 = vector.shape_cast %get3A_1097 : vector<1x64x128xf32> to vector<64x128xf32>
      %add3A_1099 = arith.addf %add3A_1093, %get3A_1098 : vector<64x128xf32>
      %get3A_1100 = arith.constant 5 : index
      %get3A_1101 = arith.constant 1344 : index
      %get3A_1102 = arith.constant 0 : index
      %get3A_1103 = vector.load %arg2[%get3A_1100, %get3A_1101, %get3A_1102] : memref<10x1600x128xf32, #tpu.memory_space<vmem>>, vector<1x64x128xf32>
      %get3A_1104 = vector.shape_cast %get3A_1103 : vector<1x64x128xf32> to vector<64x128xf32>
      %add3A_1105 = arith.addf %add3A_1099, %get3A_1104 : vector<64x128xf32>
      %get3A_1106 = arith.constant 5 : index
      %get3A_1107 = arith.constant 1408 : index
      %get3A_1108 = arith.constant 0 : index
      %get3A_1109 = vector.load %arg2[%get3A_1106, %get3A_1107, %get3A_1108] : memref<10x1600x128xf32, #tpu.memory_space<vmem>>, vector<1x64x128xf32>
      %get3A_1110 = vector.shape_cast %get3A_1109 : vector<1x64x128xf32> to vector<64x128xf32>
      %add3A_1111 = arith.addf %add3A_1105, %get3A_1110 : vector<64x128xf32>
      %get3A_1112 = arith.constant 5 : index
      %get3A_1113 = arith.constant 1472 : index
      %get3A_1114 = arith.constant 0 : index
      %get3A_1115 = vector.load %arg2[%get3A_1112, %get3A_1113, %get3A_1114] : memref<10x1600x128xf32, #tpu.memory_space<vmem>>, vector<1x64x128xf32>
      %get3A_1116 = vector.shape_cast %get3A_1115 : vector<1x64x128xf32> to vector<64x128xf32>
      %add3A_1117 = arith.addf %add3A_1111, %get3A_1116 : vector<64x128xf32>
      %get3A_1118 = arith.constant 5 : index
      %get3A_1119 = arith.constant 1536 : index
      %get3A_1120 = arith.constant 0 : index
      %get3A_1121 = vector.load %arg2[%get3A_1118, %get3A_1119, %get3A_1120] : memref<10x1600x128xf32, #tpu.memory_space<vmem>>, vector<1x64x128xf32>
      %get3A_1122 = vector.shape_cast %get3A_1121 : vector<1x64x128xf32> to vector<64x128xf32>
      %add3A_1123 = arith.addf %add3A_1117, %get3A_1122 : vector<64x128xf32>
      %add3A_1124 = arith.constant 10 : i32
      %add3A_1125 = arith.addi %add3A_961, %add3A_1124 : i32
      %lt3A_1126 = arith.constant 160 : i32
      %lt3A_1127 = arith.cmpi slt, %add3A_1125, %lt3A_1126 : i32
      %convert_element_type3A_1128 = arith.extui %lt3A_1127 : i1 to i32
      %cond3A_1129 = arith.constant 0 : i32
      %cond3A_1130 = arith.cmpi ne, %convert_element_type3A_1128, %cond3A_1129 : i32
      scf.if %cond3A_1130 {
        %add3A_1823 = arith.constant 10 : i32
        %add3A_1824 = arith.addi %add3A_961, %add3A_1823 : i32
        %mul3A_1825 = arith.constant 1600 : i32
        %mul3A_1826 = arith.muli %add3A_1824, %mul3A_1825 : i32
        %add3A_1827 = arith.constant 64000 : i32
        %add3A_1828 = arith.addi %add3A_1827, %mul3A_1826 : i32
        %multiple_of3A_1829 = tpu.assume_multiple %add3A_1828, 8 : i32
        %dma_start3A_1830 = arith.constant 5 : i32
        %dma_start3A_1831 = arith.constant 0 : i32
        %dma_start3A_1832 = arith.constant 0 : i32
        %dma_start3A_1833 = tpu.memref_slice %arg2[%dma_start3A_1830, %dma_start3A_1831, %dma_start3A_1832] : memref<10x1600x128xf32, #tpu.memory_space<vmem>> -> memref<1x1600x128xf32, #tpu.memory_space<vmem>>
        %dma_start3A_1834 = tpu.memref_squeeze %dma_start3A_1833 : memref<1x1600x128xf32, #tpu.memory_space<vmem>> -> memref<1600x128xf32, #tpu.memory_space<vmem>>
        %dma_start3A_1835 = arith.constant 0 : i32
        %dma_start3A_1836 = tpu.memref_slice %arg0[%multiple_of3A_1829, %dma_start3A_1835] : memref<320000x128xf32, #tpu.memory_space<hbm>> -> memref<1600x128xf32, #tpu.memory_space<hbm>>
        tpu.enqueue_dma source(%dma_start3A_1836 : memref<1600x128xf32, #tpu.memory_space<hbm>>) target(%dma_start3A_1834 : memref<1600x128xf32, #tpu.memory_space<vmem>>) target_semaphore(%arg8 : memref<!tpu.dma_semaphore, #tpu.memory_space<semaphore_mem>>)
      } else {
      }
      %mul3A_1131 = arith.constant 10 : i32
      %mul3A_1132 = arith.muli %scan3A_98, %mul3A_1131 : i32
      %add3A_1133 = arith.constant 6 : i32
      %add3A_1134 = arith.addi %mul3A_1132, %add3A_1133 : i32
      %mul3A_1135 = arith.constant 1600 : i32
      %mul3A_1136 = arith.muli %add3A_1134, %mul3A_1135 : i32
      %add3A_1137 = arith.constant 64000 : i32
      %add3A_1138 = arith.addi %add3A_1137, %mul3A_1136 : i32
      %multiple_of3A_1139 = tpu.assume_multiple %add3A_1138, 8 : i32
      %dma_wait3A_1140 = arith.constant 6 : i32
      %dma_wait3A_1141 = arith.constant 0 : i32
      %dma_wait3A_1142 = arith.constant 0 : i32
      %dma_wait3A_1143 = tpu.memref_slice %arg2[%dma_wait3A_1140, %dma_wait3A_1141, %dma_wait3A_1142] : memref<10x1600x128xf32, #tpu.memory_space<vmem>> -> memref<1x1600x128xf32, #tpu.memory_space<vmem>>
      %dma_wait3A_1144 = tpu.memref_squeeze %dma_wait3A_1143 : memref<1x1600x128xf32, #tpu.memory_space<vmem>> -> memref<1600x128xf32, #tpu.memory_space<vmem>>
      %dma_wait3A_1145 = arith.constant 0 : i32
      %dma_wait3A_1146 = tpu.memref_slice %arg0[%multiple_of3A_1139, %dma_wait3A_1145] : memref<320000x128xf32, #tpu.memory_space<hbm>> -> memref<1600x128xf32, #tpu.memory_space<hbm>>
      tpu.wait_dma2 semaphore(%arg9 : memref<!tpu.dma_semaphore, #tpu.memory_space<semaphore_mem>>) src(%dma_wait3A_1146 : memref<1600x128xf32, #tpu.memory_space<hbm>>) dst(%dma_wait3A_1144 : memref<1600x128xf32, #tpu.memory_space<vmem>>)
      %get3A_1147 = arith.constant 6 : index
      %get3A_1148 = arith.constant 0 : index
      %get3A_1149 = arith.constant 0 : index
      %get3A_1150 = vector.load %arg2[%get3A_1147, %get3A_1148, %get3A_1149] : memref<10x1600x128xf32, #tpu.memory_space<vmem>>, vector<1x64x128xf32>
      %get3A_1151 = vector.shape_cast %get3A_1150 : vector<1x64x128xf32> to vector<64x128xf32>
      %add3A_1152 = arith.addf %add3A_1123, %get3A_1151 : vector<64x128xf32>
      %get3A_1153 = arith.constant 6 : index
      %get3A_1154 = arith.constant 64 : index
      %get3A_1155 = arith.constant 0 : index
      %get3A_1156 = vector.load %arg2[%get3A_1153, %get3A_1154, %get3A_1155] : memref<10x1600x128xf32, #tpu.memory_space<vmem>>, vector<1x64x128xf32>
      %get3A_1157 = vector.shape_cast %get3A_1156 : vector<1x64x128xf32> to vector<64x128xf32>
      %add3A_1158 = arith.addf %add3A_1152, %get3A_1157 : vector<64x128xf32>
      %get3A_1159 = arith.constant 6 : index
      %get3A_1160 = arith.constant 128 : index
      %get3A_1161 = arith.constant 0 : index
      %get3A_1162 = vector.load %arg2[%get3A_1159, %get3A_1160, %get3A_1161] : memref<10x1600x128xf32, #tpu.memory_space<vmem>>, vector<1x64x128xf32>
      %get3A_1163 = vector.shape_cast %get3A_1162 : vector<1x64x128xf32> to vector<64x128xf32>
      %add3A_1164 = arith.addf %add3A_1158, %get3A_1163 : vector<64x128xf32>
      %get3A_1165 = arith.constant 6 : index
      %get3A_1166 = arith.constant 192 : index
      %get3A_1167 = arith.constant 0 : index
      %get3A_1168 = vector.load %arg2[%get3A_1165, %get3A_1166, %get3A_1167] : memref<10x1600x128xf32, #tpu.memory_space<vmem>>, vector<1x64x128xf32>
      %get3A_1169 = vector.shape_cast %get3A_1168 : vector<1x64x128xf32> to vector<64x128xf32>
      %add3A_1170 = arith.addf %add3A_1164, %get3A_1169 : vector<64x128xf32>
      %get3A_1171 = arith.constant 6 : index
      %get3A_1172 = arith.constant 256 : index
      %get3A_1173 = arith.constant 0 : index
      %get3A_1174 = vector.load %arg2[%get3A_1171, %get3A_1172, %get3A_1173] : memref<10x1600x128xf32, #tpu.memory_space<vmem>>, vector<1x64x128xf32>
      %get3A_1175 = vector.shape_cast %get3A_1174 : vector<1x64x128xf32> to vector<64x128xf32>
      %add3A_1176 = arith.addf %add3A_1170, %get3A_1175 : vector<64x128xf32>
      %get3A_1177 = arith.constant 6 : index
      %get3A_1178 = arith.constant 320 : index
      %get3A_1179 = arith.constant 0 : index
      %get3A_1180 = vector.load %arg2[%get3A_1177, %get3A_1178, %get3A_1179] : memref<10x1600x128xf32, #tpu.memory_space<vmem>>, vector<1x64x128xf32>
      %get3A_1181 = vector.shape_cast %get3A_1180 : vector<1x64x128xf32> to vector<64x128xf32>
      %add3A_1182 = arith.addf %add3A_1176, %get3A_1181 : vector<64x128xf32>
      %get3A_1183 = arith.constant 6 : index
      %get3A_1184 = arith.constant 384 : index
      %get3A_1185 = arith.constant 0 : index
      %get3A_1186 = vector.load %arg2[%get3A_1183, %get3A_1184, %get3A_1185] : memref<10x1600x128xf32, #tpu.memory_space<vmem>>, vector<1x64x128xf32>
      %get3A_1187 = vector.shape_cast %get3A_1186 : vector<1x64x128xf32> to vector<64x128xf32>
      %add3A_1188 = arith.addf %add3A_1182, %get3A_1187 : vector<64x128xf32>
      %get3A_1189 = arith.constant 6 : index
      %get3A_1190 = arith.constant 448 : index
      %get3A_1191 = arith.constant 0 : index
      %get3A_1192 = vector.load %arg2[%get3A_1189, %get3A_1190, %get3A_1191] : memref<10x1600x128xf32, #tpu.memory_space<vmem>>, vector<1x64x128xf32>
      %get3A_1193 = vector.shape_cast %get3A_1192 : vector<1x64x128xf32> to vector<64x128xf32>
      %add3A_1194 = arith.addf %add3A_1188, %get3A_1193 : vector<64x128xf32>
      %get3A_1195 = arith.constant 6 : index
      %get3A_1196 = arith.constant 512 : index
      %get3A_1197 = arith.constant 0 : index
      %get3A_1198 = vector.load %arg2[%get3A_1195, %get3A_1196, %get3A_1197] : memref<10x1600x128xf32, #tpu.memory_space<vmem>>, vector<1x64x128xf32>
      %get3A_1199 = vector.shape_cast %get3A_1198 : vector<1x64x128xf32> to vector<64x128xf32>
      %add3A_1200 = arith.addf %add3A_1194, %get3A_1199 : vector<64x128xf32>
      %get3A_1201 = arith.constant 6 : index
      %get3A_1202 = arith.constant 576 : index
      %get3A_1203 = arith.constant 0 : index
      %get3A_1204 = vector.load %arg2[%get3A_1201, %get3A_1202, %get3A_1203] : memref<10x1600x128xf32, #tpu.memory_space<vmem>>, vector<1x64x128xf32>
      %get3A_1205 = vector.shape_cast %get3A_1204 : vector<1x64x128xf32> to vector<64x128xf32>
      %add3A_1206 = arith.addf %add3A_1200, %get3A_1205 : vector<64x128xf32>
      %get3A_1207 = arith.constant 6 : index
      %get3A_1208 = arith.constant 640 : index
      %get3A_1209 = arith.constant 0 : index
      %get3A_1210 = vector.load %arg2[%get3A_1207, %get3A_1208, %get3A_1209] : memref<10x1600x128xf32, #tpu.memory_space<vmem>>, vector<1x64x128xf32>
      %get3A_1211 = vector.shape_cast %get3A_1210 : vector<1x64x128xf32> to vector<64x128xf32>
      %add3A_1212 = arith.addf %add3A_1206, %get3A_1211 : vector<64x128xf32>
      %get3A_1213 = arith.constant 6 : index
      %get3A_1214 = arith.constant 704 : index
      %get3A_1215 = arith.constant 0 : index
      %get3A_1216 = vector.load %arg2[%get3A_1213, %get3A_1214, %get3A_1215] : memref<10x1600x128xf32, #tpu.memory_space<vmem>>, vector<1x64x128xf32>
      %get3A_1217 = vector.shape_cast %get3A_1216 : vector<1x64x128xf32> to vector<64x128xf32>
      %add3A_1218 = arith.addf %add3A_1212, %get3A_1217 : vector<64x128xf32>
      %get3A_1219 = arith.constant 6 : index
      %get3A_1220 = arith.constant 768 : index
      %get3A_1221 = arith.constant 0 : index
      %get3A_1222 = vector.load %arg2[%get3A_1219, %get3A_1220, %get3A_1221] : memref<10x1600x128xf32, #tpu.memory_space<vmem>>, vector<1x64x128xf32>
      %get3A_1223 = vector.shape_cast %get3A_1222 : vector<1x64x128xf32> to vector<64x128xf32>
      %add3A_1224 = arith.addf %add3A_1218, %get3A_1223 : vector<64x128xf32>
      %get3A_1225 = arith.constant 6 : index
      %get3A_1226 = arith.constant 832 : index
      %get3A_1227 = arith.constant 0 : index
      %get3A_1228 = vector.load %arg2[%get3A_1225, %get3A_1226, %get3A_1227] : memref<10x1600x128xf32, #tpu.memory_space<vmem>>, vector<1x64x128xf32>
      %get3A_1229 = vector.shape_cast %get3A_1228 : vector<1x64x128xf32> to vector<64x128xf32>
      %add3A_1230 = arith.addf %add3A_1224, %get3A_1229 : vector<64x128xf32>
      %get3A_1231 = arith.constant 6 : index
      %get3A_1232 = arith.constant 896 : index
      %get3A_1233 = arith.constant 0 : index
      %get3A_1234 = vector.load %arg2[%get3A_1231, %get3A_1232, %get3A_1233] : memref<10x1600x128xf32, #tpu.memory_space<vmem>>, vector<1x64x128xf32>
      %get3A_1235 = vector.shape_cast %get3A_1234 : vector<1x64x128xf32> to vector<64x128xf32>
      %add3A_1236 = arith.addf %add3A_1230, %get3A_1235 : vector<64x128xf32>
      %get3A_1237 = arith.constant 6 : index
      %get3A_1238 = arith.constant 960 : index
      %get3A_1239 = arith.constant 0 : index
      %get3A_1240 = vector.load %arg2[%get3A_1237, %get3A_1238, %get3A_1239] : memref<10x1600x128xf32, #tpu.memory_space<vmem>>, vector<1x64x128xf32>
      %get3A_1241 = vector.shape_cast %get3A_1240 : vector<1x64x128xf32> to vector<64x128xf32>
      %add3A_1242 = arith.addf %add3A_1236, %get3A_1241 : vector<64x128xf32>
      %get3A_1243 = arith.constant 6 : index
      %get3A_1244 = arith.constant 1024 : index
      %get3A_1245 = arith.constant 0 : index
      %get3A_1246 = vector.load %arg2[%get3A_1243, %get3A_1244, %get3A_1245] : memref<10x1600x128xf32, #tpu.memory_space<vmem>>, vector<1x64x128xf32>
      %get3A_1247 = vector.shape_cast %get3A_1246 : vector<1x64x128xf32> to vector<64x128xf32>
      %add3A_1248 = arith.addf %add3A_1242, %get3A_1247 : vector<64x128xf32>
      %get3A_1249 = arith.constant 6 : index
      %get3A_1250 = arith.constant 1088 : index
      %get3A_1251 = arith.constant 0 : index
      %get3A_1252 = vector.load %arg2[%get3A_1249, %get3A_1250, %get3A_1251] : memref<10x1600x128xf32, #tpu.memory_space<vmem>>, vector<1x64x128xf32>
      %get3A_1253 = vector.shape_cast %get3A_1252 : vector<1x64x128xf32> to vector<64x128xf32>
      %add3A_1254 = arith.addf %add3A_1248, %get3A_1253 : vector<64x128xf32>
      %get3A_1255 = arith.constant 6 : index
      %get3A_1256 = arith.constant 1152 : index
      %get3A_1257 = arith.constant 0 : index
      %get3A_1258 = vector.load %arg2[%get3A_1255, %get3A_1256, %get3A_1257] : memref<10x1600x128xf32, #tpu.memory_space<vmem>>, vector<1x64x128xf32>
      %get3A_1259 = vector.shape_cast %get3A_1258 : vector<1x64x128xf32> to vector<64x128xf32>
      %add3A_1260 = arith.addf %add3A_1254, %get3A_1259 : vector<64x128xf32>
      %get3A_1261 = arith.constant 6 : index
      %get3A_1262 = arith.constant 1216 : index
      %get3A_1263 = arith.constant 0 : index
      %get3A_1264 = vector.load %arg2[%get3A_1261, %get3A_1262, %get3A_1263] : memref<10x1600x128xf32, #tpu.memory_space<vmem>>, vector<1x64x128xf32>
      %get3A_1265 = vector.shape_cast %get3A_1264 : vector<1x64x128xf32> to vector<64x128xf32>
      %add3A_1266 = arith.addf %add3A_1260, %get3A_1265 : vector<64x128xf32>
      %get3A_1267 = arith.constant 6 : index
      %get3A_1268 = arith.constant 1280 : index
      %get3A_1269 = arith.constant 0 : index
      %get3A_1270 = vector.load %arg2[%get3A_1267, %get3A_1268, %get3A_1269] : memref<10x1600x128xf32, #tpu.memory_space<vmem>>, vector<1x64x128xf32>
      %get3A_1271 = vector.shape_cast %get3A_1270 : vector<1x64x128xf32> to vector<64x128xf32>
      %add3A_1272 = arith.addf %add3A_1266, %get3A_1271 : vector<64x128xf32>
      %get3A_1273 = arith.constant 6 : index
      %get3A_1274 = arith.constant 1344 : index
      %get3A_1275 = arith.constant 0 : index
      %get3A_1276 = vector.load %arg2[%get3A_1273, %get3A_1274, %get3A_1275] : memref<10x1600x128xf32, #tpu.memory_space<vmem>>, vector<1x64x128xf32>
      %get3A_1277 = vector.shape_cast %get3A_1276 : vector<1x64x128xf32> to vector<64x128xf32>
      %add3A_1278 = arith.addf %add3A_1272, %get3A_1277 : vector<64x128xf32>
      %get3A_1279 = arith.constant 6 : index
      %get3A_1280 = arith.constant 1408 : index
      %get3A_1281 = arith.constant 0 : index
      %get3A_1282 = vector.load %arg2[%get3A_1279, %get3A_1280, %get3A_1281] : memref<10x1600x128xf32, #tpu.memory_space<vmem>>, vector<1x64x128xf32>
      %get3A_1283 = vector.shape_cast %get3A_1282 : vector<1x64x128xf32> to vector<64x128xf32>
      %add3A_1284 = arith.addf %add3A_1278, %get3A_1283 : vector<64x128xf32>
      %get3A_1285 = arith.constant 6 : index
      %get3A_1286 = arith.constant 1472 : index
      %get3A_1287 = arith.constant 0 : index
      %get3A_1288 = vector.load %arg2[%get3A_1285, %get3A_1286, %get3A_1287] : memref<10x1600x128xf32, #tpu.memory_space<vmem>>, vector<1x64x128xf32>
      %get3A_1289 = vector.shape_cast %get3A_1288 : vector<1x64x128xf32> to vector<64x128xf32>
      %add3A_1290 = arith.addf %add3A_1284, %get3A_1289 : vector<64x128xf32>
      %get3A_1291 = arith.constant 6 : index
      %get3A_1292 = arith.constant 1536 : index
      %get3A_1293 = arith.constant 0 : index
      %get3A_1294 = vector.load %arg2[%get3A_1291, %get3A_1292, %get3A_1293] : memref<10x1600x128xf32, #tpu.memory_space<vmem>>, vector<1x64x128xf32>
      %get3A_1295 = vector.shape_cast %get3A_1294 : vector<1x64x128xf32> to vector<64x128xf32>
      %add3A_1296 = arith.addf %add3A_1290, %get3A_1295 : vector<64x128xf32>
      %add3A_1297 = arith.constant 10 : i32
      %add3A_1298 = arith.addi %add3A_1134, %add3A_1297 : i32
      %lt3A_1299 = arith.constant 160 : i32
      %lt3A_1300 = arith.cmpi slt, %add3A_1298, %lt3A_1299 : i32
      %convert_element_type3A_1301 = arith.extui %lt3A_1300 : i1 to i32
      %cond3A_1302 = arith.constant 0 : i32
      %cond3A_1303 = arith.cmpi ne, %convert_element_type3A_1301, %cond3A_1302 : i32
      scf.if %cond3A_1303 {
        %add3A_1823 = arith.constant 10 : i32
        %add3A_1824 = arith.addi %add3A_1134, %add3A_1823 : i32
        %mul3A_1825 = arith.constant 1600 : i32
        %mul3A_1826 = arith.muli %add3A_1824, %mul3A_1825 : i32
        %add3A_1827 = arith.constant 64000 : i32
        %add3A_1828 = arith.addi %add3A_1827, %mul3A_1826 : i32
        %multiple_of3A_1829 = tpu.assume_multiple %add3A_1828, 8 : i32
        %dma_start3A_1830 = arith.constant 6 : i32
        %dma_start3A_1831 = arith.constant 0 : i32
        %dma_start3A_1832 = arith.constant 0 : i32
        %dma_start3A_1833 = tpu.memref_slice %arg2[%dma_start3A_1830, %dma_start3A_1831, %dma_start3A_1832] : memref<10x1600x128xf32, #tpu.memory_space<vmem>> -> memref<1x1600x128xf32, #tpu.memory_space<vmem>>
        %dma_start3A_1834 = tpu.memref_squeeze %dma_start3A_1833 : memref<1x1600x128xf32, #tpu.memory_space<vmem>> -> memref<1600x128xf32, #tpu.memory_space<vmem>>
        %dma_start3A_1835 = arith.constant 0 : i32
        %dma_start3A_1836 = tpu.memref_slice %arg0[%multiple_of3A_1829, %dma_start3A_1835] : memref<320000x128xf32, #tpu.memory_space<hbm>> -> memref<1600x128xf32, #tpu.memory_space<hbm>>
        tpu.enqueue_dma source(%dma_start3A_1836 : memref<1600x128xf32, #tpu.memory_space<hbm>>) target(%dma_start3A_1834 : memref<1600x128xf32, #tpu.memory_space<vmem>>) target_semaphore(%arg9 : memref<!tpu.dma_semaphore, #tpu.memory_space<semaphore_mem>>)
      } else {
      }
      %mul3A_1304 = arith.constant 10 : i32
      %mul3A_1305 = arith.muli %scan3A_98, %mul3A_1304 : i32
      %add3A_1306 = arith.constant 7 : i32
      %add3A_1307 = arith.addi %mul3A_1305, %add3A_1306 : i32
      %mul3A_1308 = arith.constant 1600 : i32
      %mul3A_1309 = arith.muli %add3A_1307, %mul3A_1308 : i32
      %add3A_1310 = arith.constant 64000 : i32
      %add3A_1311 = arith.addi %add3A_1310, %mul3A_1309 : i32
      %multiple_of3A_1312 = tpu.assume_multiple %add3A_1311, 8 : i32
      %dma_wait3A_1313 = arith.constant 7 : i32
      %dma_wait3A_1314 = arith.constant 0 : i32
      %dma_wait3A_1315 = arith.constant 0 : i32
      %dma_wait3A_1316 = tpu.memref_slice %arg2[%dma_wait3A_1313, %dma_wait3A_1314, %dma_wait3A_1315] : memref<10x1600x128xf32, #tpu.memory_space<vmem>> -> memref<1x1600x128xf32, #tpu.memory_space<vmem>>
      %dma_wait3A_1317 = tpu.memref_squeeze %dma_wait3A_1316 : memref<1x1600x128xf32, #tpu.memory_space<vmem>> -> memref<1600x128xf32, #tpu.memory_space<vmem>>
      %dma_wait3A_1318 = arith.constant 0 : i32
      %dma_wait3A_1319 = tpu.memref_slice %arg0[%multiple_of3A_1312, %dma_wait3A_1318] : memref<320000x128xf32, #tpu.memory_space<hbm>> -> memref<1600x128xf32, #tpu.memory_space<hbm>>
      tpu.wait_dma2 semaphore(%arg10 : memref<!tpu.dma_semaphore, #tpu.memory_space<semaphore_mem>>) src(%dma_wait3A_1319 : memref<1600x128xf32, #tpu.memory_space<hbm>>) dst(%dma_wait3A_1317 : memref<1600x128xf32, #tpu.memory_space<vmem>>)
      %get3A_1320 = arith.constant 7 : index
      %get3A_1321 = arith.constant 0 : index
      %get3A_1322 = arith.constant 0 : index
      %get3A_1323 = vector.load %arg2[%get3A_1320, %get3A_1321, %get3A_1322] : memref<10x1600x128xf32, #tpu.memory_space<vmem>>, vector<1x64x128xf32>
      %get3A_1324 = vector.shape_cast %get3A_1323 : vector<1x64x128xf32> to vector<64x128xf32>
      %add3A_1325 = arith.addf %add3A_1296, %get3A_1324 : vector<64x128xf32>
      %get3A_1326 = arith.constant 7 : index
      %get3A_1327 = arith.constant 64 : index
      %get3A_1328 = arith.constant 0 : index
      %get3A_1329 = vector.load %arg2[%get3A_1326, %get3A_1327, %get3A_1328] : memref<10x1600x128xf32, #tpu.memory_space<vmem>>, vector<1x64x128xf32>
      %get3A_1330 = vector.shape_cast %get3A_1329 : vector<1x64x128xf32> to vector<64x128xf32>
      %add3A_1331 = arith.addf %add3A_1325, %get3A_1330 : vector<64x128xf32>
      %get3A_1332 = arith.constant 7 : index
      %get3A_1333 = arith.constant 128 : index
      %get3A_1334 = arith.constant 0 : index
      %get3A_1335 = vector.load %arg2[%get3A_1332, %get3A_1333, %get3A_1334] : memref<10x1600x128xf32, #tpu.memory_space<vmem>>, vector<1x64x128xf32>
      %get3A_1336 = vector.shape_cast %get3A_1335 : vector<1x64x128xf32> to vector<64x128xf32>
      %add3A_1337 = arith.addf %add3A_1331, %get3A_1336 : vector<64x128xf32>
      %get3A_1338 = arith.constant 7 : index
      %get3A_1339 = arith.constant 192 : index
      %get3A_1340 = arith.constant 0 : index
      %get3A_1341 = vector.load %arg2[%get3A_1338, %get3A_1339, %get3A_1340] : memref<10x1600x128xf32, #tpu.memory_space<vmem>>, vector<1x64x128xf32>
      %get3A_1342 = vector.shape_cast %get3A_1341 : vector<1x64x128xf32> to vector<64x128xf32>
      %add3A_1343 = arith.addf %add3A_1337, %get3A_1342 : vector<64x128xf32>
      %get3A_1344 = arith.constant 7 : index
      %get3A_1345 = arith.constant 256 : index
      %get3A_1346 = arith.constant 0 : index
      %get3A_1347 = vector.load %arg2[%get3A_1344, %get3A_1345, %get3A_1346] : memref<10x1600x128xf32, #tpu.memory_space<vmem>>, vector<1x64x128xf32>
      %get3A_1348 = vector.shape_cast %get3A_1347 : vector<1x64x128xf32> to vector<64x128xf32>
      %add3A_1349 = arith.addf %add3A_1343, %get3A_1348 : vector<64x128xf32>
      %get3A_1350 = arith.constant 7 : index
      %get3A_1351 = arith.constant 320 : index
      %get3A_1352 = arith.constant 0 : index
      %get3A_1353 = vector.load %arg2[%get3A_1350, %get3A_1351, %get3A_1352] : memref<10x1600x128xf32, #tpu.memory_space<vmem>>, vector<1x64x128xf32>
      %get3A_1354 = vector.shape_cast %get3A_1353 : vector<1x64x128xf32> to vector<64x128xf32>
      %add3A_1355 = arith.addf %add3A_1349, %get3A_1354 : vector<64x128xf32>
      %get3A_1356 = arith.constant 7 : index
      %get3A_1357 = arith.constant 384 : index
      %get3A_1358 = arith.constant 0 : index
      %get3A_1359 = vector.load %arg2[%get3A_1356, %get3A_1357, %get3A_1358] : memref<10x1600x128xf32, #tpu.memory_space<vmem>>, vector<1x64x128xf32>
      %get3A_1360 = vector.shape_cast %get3A_1359 : vector<1x64x128xf32> to vector<64x128xf32>
      %add3A_1361 = arith.addf %add3A_1355, %get3A_1360 : vector<64x128xf32>
      %get3A_1362 = arith.constant 7 : index
      %get3A_1363 = arith.constant 448 : index
      %get3A_1364 = arith.constant 0 : index
      %get3A_1365 = vector.load %arg2[%get3A_1362, %get3A_1363, %get3A_1364] : memref<10x1600x128xf32, #tpu.memory_space<vmem>>, vector<1x64x128xf32>
      %get3A_1366 = vector.shape_cast %get3A_1365 : vector<1x64x128xf32> to vector<64x128xf32>
      %add3A_1367 = arith.addf %add3A_1361, %get3A_1366 : vector<64x128xf32>
      %get3A_1368 = arith.constant 7 : index
      %get3A_1369 = arith.constant 512 : index
      %get3A_1370 = arith.constant 0 : index
      %get3A_1371 = vector.load %arg2[%get3A_1368, %get3A_1369, %get3A_1370] : memref<10x1600x128xf32, #tpu.memory_space<vmem>>, vector<1x64x128xf32>
      %get3A_1372 = vector.shape_cast %get3A_1371 : vector<1x64x128xf32> to vector<64x128xf32>
      %add3A_1373 = arith.addf %add3A_1367, %get3A_1372 : vector<64x128xf32>
      %get3A_1374 = arith.constant 7 : index
      %get3A_1375 = arith.constant 576 : index
      %get3A_1376 = arith.constant 0 : index
      %get3A_1377 = vector.load %arg2[%get3A_1374, %get3A_1375, %get3A_1376] : memref<10x1600x128xf32, #tpu.memory_space<vmem>>, vector<1x64x128xf32>
      %get3A_1378 = vector.shape_cast %get3A_1377 : vector<1x64x128xf32> to vector<64x128xf32>
      %add3A_1379 = arith.addf %add3A_1373, %get3A_1378 : vector<64x128xf32>
      %get3A_1380 = arith.constant 7 : index
      %get3A_1381 = arith.constant 640 : index
      %get3A_1382 = arith.constant 0 : index
      %get3A_1383 = vector.load %arg2[%get3A_1380, %get3A_1381, %get3A_1382] : memref<10x1600x128xf32, #tpu.memory_space<vmem>>, vector<1x64x128xf32>
      %get3A_1384 = vector.shape_cast %get3A_1383 : vector<1x64x128xf32> to vector<64x128xf32>
      %add3A_1385 = arith.addf %add3A_1379, %get3A_1384 : vector<64x128xf32>
      %get3A_1386 = arith.constant 7 : index
      %get3A_1387 = arith.constant 704 : index
      %get3A_1388 = arith.constant 0 : index
      %get3A_1389 = vector.load %arg2[%get3A_1386, %get3A_1387, %get3A_1388] : memref<10x1600x128xf32, #tpu.memory_space<vmem>>, vector<1x64x128xf32>
      %get3A_1390 = vector.shape_cast %get3A_1389 : vector<1x64x128xf32> to vector<64x128xf32>
      %add3A_1391 = arith.addf %add3A_1385, %get3A_1390 : vector<64x128xf32>
      %get3A_1392 = arith.constant 7 : index
      %get3A_1393 = arith.constant 768 : index
      %get3A_1394 = arith.constant 0 : index
      %get3A_1395 = vector.load %arg2[%get3A_1392, %get3A_1393, %get3A_1394] : memref<10x1600x128xf32, #tpu.memory_space<vmem>>, vector<1x64x128xf32>
      %get3A_1396 = vector.shape_cast %get3A_1395 : vector<1x64x128xf32> to vector<64x128xf32>
      %add3A_1397 = arith.addf %add3A_1391, %get3A_1396 : vector<64x128xf32>
      %get3A_1398 = arith.constant 7 : index
      %get3A_1399 = arith.constant 832 : index
      %get3A_1400 = arith.constant 0 : index
      %get3A_1401 = vector.load %arg2[%get3A_1398, %get3A_1399, %get3A_1400] : memref<10x1600x128xf32, #tpu.memory_space<vmem>>, vector<1x64x128xf32>
      %get3A_1402 = vector.shape_cast %get3A_1401 : vector<1x64x128xf32> to vector<64x128xf32>
      %add3A_1403 = arith.addf %add3A_1397, %get3A_1402 : vector<64x128xf32>
      %get3A_1404 = arith.constant 7 : index
      %get3A_1405 = arith.constant 896 : index
      %get3A_1406 = arith.constant 0 : index
      %get3A_1407 = vector.load %arg2[%get3A_1404, %get3A_1405, %get3A_1406] : memref<10x1600x128xf32, #tpu.memory_space<vmem>>, vector<1x64x128xf32>
      %get3A_1408 = vector.shape_cast %get3A_1407 : vector<1x64x128xf32> to vector<64x128xf32>
      %add3A_1409 = arith.addf %add3A_1403, %get3A_1408 : vector<64x128xf32>
      %get3A_1410 = arith.constant 7 : index
      %get3A_1411 = arith.constant 960 : index
      %get3A_1412 = arith.constant 0 : index
      %get3A_1413 = vector.load %arg2[%get3A_1410, %get3A_1411, %get3A_1412] : memref<10x1600x128xf32, #tpu.memory_space<vmem>>, vector<1x64x128xf32>
      %get3A_1414 = vector.shape_cast %get3A_1413 : vector<1x64x128xf32> to vector<64x128xf32>
      %add3A_1415 = arith.addf %add3A_1409, %get3A_1414 : vector<64x128xf32>
      %get3A_1416 = arith.constant 7 : index
      %get3A_1417 = arith.constant 1024 : index
      %get3A_1418 = arith.constant 0 : index
      %get3A_1419 = vector.load %arg2[%get3A_1416, %get3A_1417, %get3A_1418] : memref<10x1600x128xf32, #tpu.memory_space<vmem>>, vector<1x64x128xf32>
      %get3A_1420 = vector.shape_cast %get3A_1419 : vector<1x64x128xf32> to vector<64x128xf32>
      %add3A_1421 = arith.addf %add3A_1415, %get3A_1420 : vector<64x128xf32>
      %get3A_1422 = arith.constant 7 : index
      %get3A_1423 = arith.constant 1088 : index
      %get3A_1424 = arith.constant 0 : index
      %get3A_1425 = vector.load %arg2[%get3A_1422, %get3A_1423, %get3A_1424] : memref<10x1600x128xf32, #tpu.memory_space<vmem>>, vector<1x64x128xf32>
      %get3A_1426 = vector.shape_cast %get3A_1425 : vector<1x64x128xf32> to vector<64x128xf32>
      %add3A_1427 = arith.addf %add3A_1421, %get3A_1426 : vector<64x128xf32>
      %get3A_1428 = arith.constant 7 : index
      %get3A_1429 = arith.constant 1152 : index
      %get3A_1430 = arith.constant 0 : index
      %get3A_1431 = vector.load %arg2[%get3A_1428, %get3A_1429, %get3A_1430] : memref<10x1600x128xf32, #tpu.memory_space<vmem>>, vector<1x64x128xf32>
      %get3A_1432 = vector.shape_cast %get3A_1431 : vector<1x64x128xf32> to vector<64x128xf32>
      %add3A_1433 = arith.addf %add3A_1427, %get3A_1432 : vector<64x128xf32>
      %get3A_1434 = arith.constant 7 : index
      %get3A_1435 = arith.constant 1216 : index
      %get3A_1436 = arith.constant 0 : index
      %get3A_1437 = vector.load %arg2[%get3A_1434, %get3A_1435, %get3A_1436] : memref<10x1600x128xf32, #tpu.memory_space<vmem>>, vector<1x64x128xf32>
      %get3A_1438 = vector.shape_cast %get3A_1437 : vector<1x64x128xf32> to vector<64x128xf32>
      %add3A_1439 = arith.addf %add3A_1433, %get3A_1438 : vector<64x128xf32>
      %get3A_1440 = arith.constant 7 : index
      %get3A_1441 = arith.constant 1280 : index
      %get3A_1442 = arith.constant 0 : index
      %get3A_1443 = vector.load %arg2[%get3A_1440, %get3A_1441, %get3A_1442] : memref<10x1600x128xf32, #tpu.memory_space<vmem>>, vector<1x64x128xf32>
      %get3A_1444 = vector.shape_cast %get3A_1443 : vector<1x64x128xf32> to vector<64x128xf32>
      %add3A_1445 = arith.addf %add3A_1439, %get3A_1444 : vector<64x128xf32>
      %get3A_1446 = arith.constant 7 : index
      %get3A_1447 = arith.constant 1344 : index
      %get3A_1448 = arith.constant 0 : index
      %get3A_1449 = vector.load %arg2[%get3A_1446, %get3A_1447, %get3A_1448] : memref<10x1600x128xf32, #tpu.memory_space<vmem>>, vector<1x64x128xf32>
      %get3A_1450 = vector.shape_cast %get3A_1449 : vector<1x64x128xf32> to vector<64x128xf32>
      %add3A_1451 = arith.addf %add3A_1445, %get3A_1450 : vector<64x128xf32>
      %get3A_1452 = arith.constant 7 : index
      %get3A_1453 = arith.constant 1408 : index
      %get3A_1454 = arith.constant 0 : index
      %get3A_1455 = vector.load %arg2[%get3A_1452, %get3A_1453, %get3A_1454] : memref<10x1600x128xf32, #tpu.memory_space<vmem>>, vector<1x64x128xf32>
      %get3A_1456 = vector.shape_cast %get3A_1455 : vector<1x64x128xf32> to vector<64x128xf32>
      %add3A_1457 = arith.addf %add3A_1451, %get3A_1456 : vector<64x128xf32>
      %get3A_1458 = arith.constant 7 : index
      %get3A_1459 = arith.constant 1472 : index
      %get3A_1460 = arith.constant 0 : index
      %get3A_1461 = vector.load %arg2[%get3A_1458, %get3A_1459, %get3A_1460] : memref<10x1600x128xf32, #tpu.memory_space<vmem>>, vector<1x64x128xf32>
      %get3A_1462 = vector.shape_cast %get3A_1461 : vector<1x64x128xf32> to vector<64x128xf32>
      %add3A_1463 = arith.addf %add3A_1457, %get3A_1462 : vector<64x128xf32>
      %get3A_1464 = arith.constant 7 : index
      %get3A_1465 = arith.constant 1536 : index
      %get3A_1466 = arith.constant 0 : index
      %get3A_1467 = vector.load %arg2[%get3A_1464, %get3A_1465, %get3A_1466] : memref<10x1600x128xf32, #tpu.memory_space<vmem>>, vector<1x64x128xf32>
      %get3A_1468 = vector.shape_cast %get3A_1467 : vector<1x64x128xf32> to vector<64x128xf32>
      %add3A_1469 = arith.addf %add3A_1463, %get3A_1468 : vector<64x128xf32>
      %add3A_1470 = arith.constant 10 : i32
      %add3A_1471 = arith.addi %add3A_1307, %add3A_1470 : i32
      %lt3A_1472 = arith.constant 160 : i32
      %lt3A_1473 = arith.cmpi slt, %add3A_1471, %lt3A_1472 : i32
      %convert_element_type3A_1474 = arith.extui %lt3A_1473 : i1 to i32
      %cond3A_1475 = arith.constant 0 : i32
      %cond3A_1476 = arith.cmpi ne, %convert_element_type3A_1474, %cond3A_1475 : i32
      scf.if %cond3A_1476 {
        %add3A_1823 = arith.constant 10 : i32
        %add3A_1824 = arith.addi %add3A_1307, %add3A_1823 : i32
        %mul3A_1825 = arith.constant 1600 : i32
        %mul3A_1826 = arith.muli %add3A_1824, %mul3A_1825 : i32
        %add3A_1827 = arith.constant 64000 : i32
        %add3A_1828 = arith.addi %add3A_1827, %mul3A_1826 : i32
        %multiple_of3A_1829 = tpu.assume_multiple %add3A_1828, 8 : i32
        %dma_start3A_1830 = arith.constant 7 : i32
        %dma_start3A_1831 = arith.constant 0 : i32
        %dma_start3A_1832 = arith.constant 0 : i32
        %dma_start3A_1833 = tpu.memref_slice %arg2[%dma_start3A_1830, %dma_start3A_1831, %dma_start3A_1832] : memref<10x1600x128xf32, #tpu.memory_space<vmem>> -> memref<1x1600x128xf32, #tpu.memory_space<vmem>>
        %dma_start3A_1834 = tpu.memref_squeeze %dma_start3A_1833 : memref<1x1600x128xf32, #tpu.memory_space<vmem>> -> memref<1600x128xf32, #tpu.memory_space<vmem>>
        %dma_start3A_1835 = arith.constant 0 : i32
        %dma_start3A_1836 = tpu.memref_slice %arg0[%multiple_of3A_1829, %dma_start3A_1835] : memref<320000x128xf32, #tpu.memory_space<hbm>> -> memref<1600x128xf32, #tpu.memory_space<hbm>>
        tpu.enqueue_dma source(%dma_start3A_1836 : memref<1600x128xf32, #tpu.memory_space<hbm>>) target(%dma_start3A_1834 : memref<1600x128xf32, #tpu.memory_space<vmem>>) target_semaphore(%arg10 : memref<!tpu.dma_semaphore, #tpu.memory_space<semaphore_mem>>)
      } else {
      }
      %mul3A_1477 = arith.constant 10 : i32
      %mul3A_1478 = arith.muli %scan3A_98, %mul3A_1477 : i32
      %add3A_1479 = arith.constant 8 : i32
      %add3A_1480 = arith.addi %mul3A_1478, %add3A_1479 : i32
      %mul3A_1481 = arith.constant 1600 : i32
      %mul3A_1482 = arith.muli %add3A_1480, %mul3A_1481 : i32
      %add3A_1483 = arith.constant 64000 : i32
      %add3A_1484 = arith.addi %add3A_1483, %mul3A_1482 : i32
      %multiple_of3A_1485 = tpu.assume_multiple %add3A_1484, 8 : i32
      %dma_wait3A_1486 = arith.constant 8 : i32
      %dma_wait3A_1487 = arith.constant 0 : i32
      %dma_wait3A_1488 = arith.constant 0 : i32
      %dma_wait3A_1489 = tpu.memref_slice %arg2[%dma_wait3A_1486, %dma_wait3A_1487, %dma_wait3A_1488] : memref<10x1600x128xf32, #tpu.memory_space<vmem>> -> memref<1x1600x128xf32, #tpu.memory_space<vmem>>
      %dma_wait3A_1490 = tpu.memref_squeeze %dma_wait3A_1489 : memref<1x1600x128xf32, #tpu.memory_space<vmem>> -> memref<1600x128xf32, #tpu.memory_space<vmem>>
      %dma_wait3A_1491 = arith.constant 0 : i32
      %dma_wait3A_1492 = tpu.memref_slice %arg0[%multiple_of3A_1485, %dma_wait3A_1491] : memref<320000x128xf32, #tpu.memory_space<hbm>> -> memref<1600x128xf32, #tpu.memory_space<hbm>>
      tpu.wait_dma2 semaphore(%arg11 : memref<!tpu.dma_semaphore, #tpu.memory_space<semaphore_mem>>) src(%dma_wait3A_1492 : memref<1600x128xf32, #tpu.memory_space<hbm>>) dst(%dma_wait3A_1490 : memref<1600x128xf32, #tpu.memory_space<vmem>>)
      %get3A_1493 = arith.constant 8 : index
      %get3A_1494 = arith.constant 0 : index
      %get3A_1495 = arith.constant 0 : index
      %get3A_1496 = vector.load %arg2[%get3A_1493, %get3A_1494, %get3A_1495] : memref<10x1600x128xf32, #tpu.memory_space<vmem>>, vector<1x64x128xf32>
      %get3A_1497 = vector.shape_cast %get3A_1496 : vector<1x64x128xf32> to vector<64x128xf32>
      %add3A_1498 = arith.addf %add3A_1469, %get3A_1497 : vector<64x128xf32>
      %get3A_1499 = arith.constant 8 : index
      %get3A_1500 = arith.constant 64 : index
      %get3A_1501 = arith.constant 0 : index
      %get3A_1502 = vector.load %arg2[%get3A_1499, %get3A_1500, %get3A_1501] : memref<10x1600x128xf32, #tpu.memory_space<vmem>>, vector<1x64x128xf32>
      %get3A_1503 = vector.shape_cast %get3A_1502 : vector<1x64x128xf32> to vector<64x128xf32>
      %add3A_1504 = arith.addf %add3A_1498, %get3A_1503 : vector<64x128xf32>
      %get3A_1505 = arith.constant 8 : index
      %get3A_1506 = arith.constant 128 : index
      %get3A_1507 = arith.constant 0 : index
      %get3A_1508 = vector.load %arg2[%get3A_1505, %get3A_1506, %get3A_1507] : memref<10x1600x128xf32, #tpu.memory_space<vmem>>, vector<1x64x128xf32>
      %get3A_1509 = vector.shape_cast %get3A_1508 : vector<1x64x128xf32> to vector<64x128xf32>
      %add3A_1510 = arith.addf %add3A_1504, %get3A_1509 : vector<64x128xf32>
      %get3A_1511 = arith.constant 8 : index
      %get3A_1512 = arith.constant 192 : index
      %get3A_1513 = arith.constant 0 : index
      %get3A_1514 = vector.load %arg2[%get3A_1511, %get3A_1512, %get3A_1513] : memref<10x1600x128xf32, #tpu.memory_space<vmem>>, vector<1x64x128xf32>
      %get3A_1515 = vector.shape_cast %get3A_1514 : vector<1x64x128xf32> to vector<64x128xf32>
      %add3A_1516 = arith.addf %add3A_1510, %get3A_1515 : vector<64x128xf32>
      %get3A_1517 = arith.constant 8 : index
      %get3A_1518 = arith.constant 256 : index
      %get3A_1519 = arith.constant 0 : index
      %get3A_1520 = vector.load %arg2[%get3A_1517, %get3A_1518, %get3A_1519] : memref<10x1600x128xf32, #tpu.memory_space<vmem>>, vector<1x64x128xf32>
      %get3A_1521 = vector.shape_cast %get3A_1520 : vector<1x64x128xf32> to vector<64x128xf32>
      %add3A_1522 = arith.addf %add3A_1516, %get3A_1521 : vector<64x128xf32>
      %get3A_1523 = arith.constant 8 : index
      %get3A_1524 = arith.constant 320 : index
      %get3A_1525 = arith.constant 0 : index
      %get3A_1526 = vector.load %arg2[%get3A_1523, %get3A_1524, %get3A_1525] : memref<10x1600x128xf32, #tpu.memory_space<vmem>>, vector<1x64x128xf32>
      %get3A_1527 = vector.shape_cast %get3A_1526 : vector<1x64x128xf32> to vector<64x128xf32>
      %add3A_1528 = arith.addf %add3A_1522, %get3A_1527 : vector<64x128xf32>
      %get3A_1529 = arith.constant 8 : index
      %get3A_1530 = arith.constant 384 : index
      %get3A_1531 = arith.constant 0 : index
      %get3A_1532 = vector.load %arg2[%get3A_1529, %get3A_1530, %get3A_1531] : memref<10x1600x128xf32, #tpu.memory_space<vmem>>, vector<1x64x128xf32>
      %get3A_1533 = vector.shape_cast %get3A_1532 : vector<1x64x128xf32> to vector<64x128xf32>
      %add3A_1534 = arith.addf %add3A_1528, %get3A_1533 : vector<64x128xf32>
      %get3A_1535 = arith.constant 8 : index
      %get3A_1536 = arith.constant 448 : index
      %get3A_1537 = arith.constant 0 : index
      %get3A_1538 = vector.load %arg2[%get3A_1535, %get3A_1536, %get3A_1537] : memref<10x1600x128xf32, #tpu.memory_space<vmem>>, vector<1x64x128xf32>
      %get3A_1539 = vector.shape_cast %get3A_1538 : vector<1x64x128xf32> to vector<64x128xf32>
      %add3A_1540 = arith.addf %add3A_1534, %get3A_1539 : vector<64x128xf32>
      %get3A_1541 = arith.constant 8 : index
      %get3A_1542 = arith.constant 512 : index
      %get3A_1543 = arith.constant 0 : index
      %get3A_1544 = vector.load %arg2[%get3A_1541, %get3A_1542, %get3A_1543] : memref<10x1600x128xf32, #tpu.memory_space<vmem>>, vector<1x64x128xf32>
      %get3A_1545 = vector.shape_cast %get3A_1544 : vector<1x64x128xf32> to vector<64x128xf32>
      %add3A_1546 = arith.addf %add3A_1540, %get3A_1545 : vector<64x128xf32>
      %get3A_1547 = arith.constant 8 : index
      %get3A_1548 = arith.constant 576 : index
      %get3A_1549 = arith.constant 0 : index
      %get3A_1550 = vector.load %arg2[%get3A_1547, %get3A_1548, %get3A_1549] : memref<10x1600x128xf32, #tpu.memory_space<vmem>>, vector<1x64x128xf32>
      %get3A_1551 = vector.shape_cast %get3A_1550 : vector<1x64x128xf32> to vector<64x128xf32>
      %add3A_1552 = arith.addf %add3A_1546, %get3A_1551 : vector<64x128xf32>
      %get3A_1553 = arith.constant 8 : index
      %get3A_1554 = arith.constant 640 : index
      %get3A_1555 = arith.constant 0 : index
      %get3A_1556 = vector.load %arg2[%get3A_1553, %get3A_1554, %get3A_1555] : memref<10x1600x128xf32, #tpu.memory_space<vmem>>, vector<1x64x128xf32>
      %get3A_1557 = vector.shape_cast %get3A_1556 : vector<1x64x128xf32> to vector<64x128xf32>
      %add3A_1558 = arith.addf %add3A_1552, %get3A_1557 : vector<64x128xf32>
      %get3A_1559 = arith.constant 8 : index
      %get3A_1560 = arith.constant 704 : index
      %get3A_1561 = arith.constant 0 : index
      %get3A_1562 = vector.load %arg2[%get3A_1559, %get3A_1560, %get3A_1561] : memref<10x1600x128xf32, #tpu.memory_space<vmem>>, vector<1x64x128xf32>
      %get3A_1563 = vector.shape_cast %get3A_1562 : vector<1x64x128xf32> to vector<64x128xf32>
      %add3A_1564 = arith.addf %add3A_1558, %get3A_1563 : vector<64x128xf32>
      %get3A_1565 = arith.constant 8 : index
      %get3A_1566 = arith.constant 768 : index
      %get3A_1567 = arith.constant 0 : index
      %get3A_1568 = vector.load %arg2[%get3A_1565, %get3A_1566, %get3A_1567] : memref<10x1600x128xf32, #tpu.memory_space<vmem>>, vector<1x64x128xf32>
      %get3A_1569 = vector.shape_cast %get3A_1568 : vector<1x64x128xf32> to vector<64x128xf32>
      %add3A_1570 = arith.addf %add3A_1564, %get3A_1569 : vector<64x128xf32>
      %get3A_1571 = arith.constant 8 : index
      %get3A_1572 = arith.constant 832 : index
      %get3A_1573 = arith.constant 0 : index
      %get3A_1574 = vector.load %arg2[%get3A_1571, %get3A_1572, %get3A_1573] : memref<10x1600x128xf32, #tpu.memory_space<vmem>>, vector<1x64x128xf32>
      %get3A_1575 = vector.shape_cast %get3A_1574 : vector<1x64x128xf32> to vector<64x128xf32>
      %add3A_1576 = arith.addf %add3A_1570, %get3A_1575 : vector<64x128xf32>
      %get3A_1577 = arith.constant 8 : index
      %get3A_1578 = arith.constant 896 : index
      %get3A_1579 = arith.constant 0 : index
      %get3A_1580 = vector.load %arg2[%get3A_1577, %get3A_1578, %get3A_1579] : memref<10x1600x128xf32, #tpu.memory_space<vmem>>, vector<1x64x128xf32>
      %get3A_1581 = vector.shape_cast %get3A_1580 : vector<1x64x128xf32> to vector<64x128xf32>
      %add3A_1582 = arith.addf %add3A_1576, %get3A_1581 : vector<64x128xf32>
      %get3A_1583 = arith.constant 8 : index
      %get3A_1584 = arith.constant 960 : index
      %get3A_1585 = arith.constant 0 : index
      %get3A_1586 = vector.load %arg2[%get3A_1583, %get3A_1584, %get3A_1585] : memref<10x1600x128xf32, #tpu.memory_space<vmem>>, vector<1x64x128xf32>
      %get3A_1587 = vector.shape_cast %get3A_1586 : vector<1x64x128xf32> to vector<64x128xf32>
      %add3A_1588 = arith.addf %add3A_1582, %get3A_1587 : vector<64x128xf32>
      %get3A_1589 = arith.constant 8 : index
      %get3A_1590 = arith.constant 1024 : index
      %get3A_1591 = arith.constant 0 : index
      %get3A_1592 = vector.load %arg2[%get3A_1589, %get3A_1590, %get3A_1591] : memref<10x1600x128xf32, #tpu.memory_space<vmem>>, vector<1x64x128xf32>
      %get3A_1593 = vector.shape_cast %get3A_1592 : vector<1x64x128xf32> to vector<64x128xf32>
      %add3A_1594 = arith.addf %add3A_1588, %get3A_1593 : vector<64x128xf32>
      %get3A_1595 = arith.constant 8 : index
      %get3A_1596 = arith.constant 1088 : index
      %get3A_1597 = arith.constant 0 : index
      %get3A_1598 = vector.load %arg2[%get3A_1595, %get3A_1596, %get3A_1597] : memref<10x1600x128xf32, #tpu.memory_space<vmem>>, vector<1x64x128xf32>
      %get3A_1599 = vector.shape_cast %get3A_1598 : vector<1x64x128xf32> to vector<64x128xf32>
      %add3A_1600 = arith.addf %add3A_1594, %get3A_1599 : vector<64x128xf32>
      %get3A_1601 = arith.constant 8 : index
      %get3A_1602 = arith.constant 1152 : index
      %get3A_1603 = arith.constant 0 : index
      %get3A_1604 = vector.load %arg2[%get3A_1601, %get3A_1602, %get3A_1603] : memref<10x1600x128xf32, #tpu.memory_space<vmem>>, vector<1x64x128xf32>
      %get3A_1605 = vector.shape_cast %get3A_1604 : vector<1x64x128xf32> to vector<64x128xf32>
      %add3A_1606 = arith.addf %add3A_1600, %get3A_1605 : vector<64x128xf32>
      %get3A_1607 = arith.constant 8 : index
      %get3A_1608 = arith.constant 1216 : index
      %get3A_1609 = arith.constant 0 : index
      %get3A_1610 = vector.load %arg2[%get3A_1607, %get3A_1608, %get3A_1609] : memref<10x1600x128xf32, #tpu.memory_space<vmem>>, vector<1x64x128xf32>
      %get3A_1611 = vector.shape_cast %get3A_1610 : vector<1x64x128xf32> to vector<64x128xf32>
      %add3A_1612 = arith.addf %add3A_1606, %get3A_1611 : vector<64x128xf32>
      %get3A_1613 = arith.constant 8 : index
      %get3A_1614 = arith.constant 1280 : index
      %get3A_1615 = arith.constant 0 : index
      %get3A_1616 = vector.load %arg2[%get3A_1613, %get3A_1614, %get3A_1615] : memref<10x1600x128xf32, #tpu.memory_space<vmem>>, vector<1x64x128xf32>
      %get3A_1617 = vector.shape_cast %get3A_1616 : vector<1x64x128xf32> to vector<64x128xf32>
      %add3A_1618 = arith.addf %add3A_1612, %get3A_1617 : vector<64x128xf32>
      %get3A_1619 = arith.constant 8 : index
      %get3A_1620 = arith.constant 1344 : index
      %get3A_1621 = arith.constant 0 : index
      %get3A_1622 = vector.load %arg2[%get3A_1619, %get3A_1620, %get3A_1621] : memref<10x1600x128xf32, #tpu.memory_space<vmem>>, vector<1x64x128xf32>
      %get3A_1623 = vector.shape_cast %get3A_1622 : vector<1x64x128xf32> to vector<64x128xf32>
      %add3A_1624 = arith.addf %add3A_1618, %get3A_1623 : vector<64x128xf32>
      %get3A_1625 = arith.constant 8 : index
      %get3A_1626 = arith.constant 1408 : index
      %get3A_1627 = arith.constant 0 : index
      %get3A_1628 = vector.load %arg2[%get3A_1625, %get3A_1626, %get3A_1627] : memref<10x1600x128xf32, #tpu.memory_space<vmem>>, vector<1x64x128xf32>
      %get3A_1629 = vector.shape_cast %get3A_1628 : vector<1x64x128xf32> to vector<64x128xf32>
      %add3A_1630 = arith.addf %add3A_1624, %get3A_1629 : vector<64x128xf32>
      %get3A_1631 = arith.constant 8 : index
      %get3A_1632 = arith.constant 1472 : index
      %get3A_1633 = arith.constant 0 : index
      %get3A_1634 = vector.load %arg2[%get3A_1631, %get3A_1632, %get3A_1633] : memref<10x1600x128xf32, #tpu.memory_space<vmem>>, vector<1x64x128xf32>
      %get3A_1635 = vector.shape_cast %get3A_1634 : vector<1x64x128xf32> to vector<64x128xf32>
      %add3A_1636 = arith.addf %add3A_1630, %get3A_1635 : vector<64x128xf32>
      %get3A_1637 = arith.constant 8 : index
      %get3A_1638 = arith.constant 1536 : index
      %get3A_1639 = arith.constant 0 : index
      %get3A_1640 = vector.load %arg2[%get3A_1637, %get3A_1638, %get3A_1639] : memref<10x1600x128xf32, #tpu.memory_space<vmem>>, vector<1x64x128xf32>
      %get3A_1641 = vector.shape_cast %get3A_1640 : vector<1x64x128xf32> to vector<64x128xf32>
      %add3A_1642 = arith.addf %add3A_1636, %get3A_1641 : vector<64x128xf32>
      %add3A_1643 = arith.constant 10 : i32
      %add3A_1644 = arith.addi %add3A_1480, %add3A_1643 : i32
      %lt3A_1645 = arith.constant 160 : i32
      %lt3A_1646 = arith.cmpi slt, %add3A_1644, %lt3A_1645 : i32
      %convert_element_type3A_1647 = arith.extui %lt3A_1646 : i1 to i32
      %cond3A_1648 = arith.constant 0 : i32
      %cond3A_1649 = arith.cmpi ne, %convert_element_type3A_1647, %cond3A_1648 : i32
      scf.if %cond3A_1649 {
        %add3A_1823 = arith.constant 10 : i32
        %add3A_1824 = arith.addi %add3A_1480, %add3A_1823 : i32
        %mul3A_1825 = arith.constant 1600 : i32
        %mul3A_1826 = arith.muli %add3A_1824, %mul3A_1825 : i32
        %add3A_1827 = arith.constant 64000 : i32
        %add3A_1828 = arith.addi %add3A_1827, %mul3A_1826 : i32
        %multiple_of3A_1829 = tpu.assume_multiple %add3A_1828, 8 : i32
        %dma_start3A_1830 = arith.constant 8 : i32
        %dma_start3A_1831 = arith.constant 0 : i32
        %dma_start3A_1832 = arith.constant 0 : i32
        %dma_start3A_1833 = tpu.memref_slice %arg2[%dma_start3A_1830, %dma_start3A_1831, %dma_start3A_1832] : memref<10x1600x128xf32, #tpu.memory_space<vmem>> -> memref<1x1600x128xf32, #tpu.memory_space<vmem>>
        %dma_start3A_1834 = tpu.memref_squeeze %dma_start3A_1833 : memref<1x1600x128xf32, #tpu.memory_space<vmem>> -> memref<1600x128xf32, #tpu.memory_space<vmem>>
        %dma_start3A_1835 = arith.constant 0 : i32
        %dma_start3A_1836 = tpu.memref_slice %arg0[%multiple_of3A_1829, %dma_start3A_1835] : memref<320000x128xf32, #tpu.memory_space<hbm>> -> memref<1600x128xf32, #tpu.memory_space<hbm>>
        tpu.enqueue_dma source(%dma_start3A_1836 : memref<1600x128xf32, #tpu.memory_space<hbm>>) target(%dma_start3A_1834 : memref<1600x128xf32, #tpu.memory_space<vmem>>) target_semaphore(%arg11 : memref<!tpu.dma_semaphore, #tpu.memory_space<semaphore_mem>>)
      } else {
      }
      %mul3A_1650 = arith.constant 10 : i32
      %mul3A_1651 = arith.muli %scan3A_98, %mul3A_1650 : i32
      %add3A_1652 = arith.constant 9 : i32
      %add3A_1653 = arith.addi %mul3A_1651, %add3A_1652 : i32
      %mul3A_1654 = arith.constant 1600 : i32
      %mul3A_1655 = arith.muli %add3A_1653, %mul3A_1654 : i32
      %add3A_1656 = arith.constant 64000 : i32
      %add3A_1657 = arith.addi %add3A_1656, %mul3A_1655 : i32
      %multiple_of3A_1658 = tpu.assume_multiple %add3A_1657, 8 : i32
      %dma_wait3A_1659 = arith.constant 9 : i32
      %dma_wait3A_1660 = arith.constant 0 : i32
      %dma_wait3A_1661 = arith.constant 0 : i32
      %dma_wait3A_1662 = tpu.memref_slice %arg2[%dma_wait3A_1659, %dma_wait3A_1660, %dma_wait3A_1661] : memref<10x1600x128xf32, #tpu.memory_space<vmem>> -> memref<1x1600x128xf32, #tpu.memory_space<vmem>>
      %dma_wait3A_1663 = tpu.memref_squeeze %dma_wait3A_1662 : memref<1x1600x128xf32, #tpu.memory_space<vmem>> -> memref<1600x128xf32, #tpu.memory_space<vmem>>
      %dma_wait3A_1664 = arith.constant 0 : i32
      %dma_wait3A_1665 = tpu.memref_slice %arg0[%multiple_of3A_1658, %dma_wait3A_1664] : memref<320000x128xf32, #tpu.memory_space<hbm>> -> memref<1600x128xf32, #tpu.memory_space<hbm>>
      tpu.wait_dma2 semaphore(%arg12 : memref<!tpu.dma_semaphore, #tpu.memory_space<semaphore_mem>>) src(%dma_wait3A_1665 : memref<1600x128xf32, #tpu.memory_space<hbm>>) dst(%dma_wait3A_1663 : memref<1600x128xf32, #tpu.memory_space<vmem>>)
      %get3A_1666 = arith.constant 9 : index
      %get3A_1667 = arith.constant 0 : index
      %get3A_1668 = arith.constant 0 : index
      %get3A_1669 = vector.load %arg2[%get3A_1666, %get3A_1667, %get3A_1668] : memref<10x1600x128xf32, #tpu.memory_space<vmem>>, vector<1x64x128xf32>
      %get3A_1670 = vector.shape_cast %get3A_1669 : vector<1x64x128xf32> to vector<64x128xf32>
      %add3A_1671 = arith.addf %add3A_1642, %get3A_1670 : vector<64x128xf32>
      %get3A_1672 = arith.constant 9 : index
      %get3A_1673 = arith.constant 64 : index
      %get3A_1674 = arith.constant 0 : index
      %get3A_1675 = vector.load %arg2[%get3A_1672, %get3A_1673, %get3A_1674] : memref<10x1600x128xf32, #tpu.memory_space<vmem>>, vector<1x64x128xf32>
      %get3A_1676 = vector.shape_cast %get3A_1675 : vector<1x64x128xf32> to vector<64x128xf32>
      %add3A_1677 = arith.addf %add3A_1671, %get3A_1676 : vector<64x128xf32>
      %get3A_1678 = arith.constant 9 : index
      %get3A_1679 = arith.constant 128 : index
      %get3A_1680 = arith.constant 0 : index
      %get3A_1681 = vector.load %arg2[%get3A_1678, %get3A_1679, %get3A_1680] : memref<10x1600x128xf32, #tpu.memory_space<vmem>>, vector<1x64x128xf32>
      %get3A_1682 = vector.shape_cast %get3A_1681 : vector<1x64x128xf32> to vector<64x128xf32>
      %add3A_1683 = arith.addf %add3A_1677, %get3A_1682 : vector<64x128xf32>
      %get3A_1684 = arith.constant 9 : index
      %get3A_1685 = arith.constant 192 : index
      %get3A_1686 = arith.constant 0 : index
      %get3A_1687 = vector.load %arg2[%get3A_1684, %get3A_1685, %get3A_1686] : memref<10x1600x128xf32, #tpu.memory_space<vmem>>, vector<1x64x128xf32>
      %get3A_1688 = vector.shape_cast %get3A_1687 : vector<1x64x128xf32> to vector<64x128xf32>
      %add3A_1689 = arith.addf %add3A_1683, %get3A_1688 : vector<64x128xf32>
      %get3A_1690 = arith.constant 9 : index
      %get3A_1691 = arith.constant 256 : index
      %get3A_1692 = arith.constant 0 : index
      %get3A_1693 = vector.load %arg2[%get3A_1690, %get3A_1691, %get3A_1692] : memref<10x1600x128xf32, #tpu.memory_space<vmem>>, vector<1x64x128xf32>
      %get3A_1694 = vector.shape_cast %get3A_1693 : vector<1x64x128xf32> to vector<64x128xf32>
      %add3A_1695 = arith.addf %add3A_1689, %get3A_1694 : vector<64x128xf32>
      %get3A_1696 = arith.constant 9 : index
      %get3A_1697 = arith.constant 320 : index
      %get3A_1698 = arith.constant 0 : index
      %get3A_1699 = vector.load %arg2[%get3A_1696, %get3A_1697, %get3A_1698] : memref<10x1600x128xf32, #tpu.memory_space<vmem>>, vector<1x64x128xf32>
      %get3A_1700 = vector.shape_cast %get3A_1699 : vector<1x64x128xf32> to vector<64x128xf32>
      %add3A_1701 = arith.addf %add3A_1695, %get3A_1700 : vector<64x128xf32>
      %get3A_1702 = arith.constant 9 : index
      %get3A_1703 = arith.constant 384 : index
      %get3A_1704 = arith.constant 0 : index
      %get3A_1705 = vector.load %arg2[%get3A_1702, %get3A_1703, %get3A_1704] : memref<10x1600x128xf32, #tpu.memory_space<vmem>>, vector<1x64x128xf32>
      %get3A_1706 = vector.shape_cast %get3A_1705 : vector<1x64x128xf32> to vector<64x128xf32>
      %add3A_1707 = arith.addf %add3A_1701, %get3A_1706 : vector<64x128xf32>
      %get3A_1708 = arith.constant 9 : index
      %get3A_1709 = arith.constant 448 : index
      %get3A_1710 = arith.constant 0 : index
      %get3A_1711 = vector.load %arg2[%get3A_1708, %get3A_1709, %get3A_1710] : memref<10x1600x128xf32, #tpu.memory_space<vmem>>, vector<1x64x128xf32>
      %get3A_1712 = vector.shape_cast %get3A_1711 : vector<1x64x128xf32> to vector<64x128xf32>
      %add3A_1713 = arith.addf %add3A_1707, %get3A_1712 : vector<64x128xf32>
      %get3A_1714 = arith.constant 9 : index
      %get3A_1715 = arith.constant 512 : index
      %get3A_1716 = arith.constant 0 : index
      %get3A_1717 = vector.load %arg2[%get3A_1714, %get3A_1715, %get3A_1716] : memref<10x1600x128xf32, #tpu.memory_space<vmem>>, vector<1x64x128xf32>
      %get3A_1718 = vector.shape_cast %get3A_1717 : vector<1x64x128xf32> to vector<64x128xf32>
      %add3A_1719 = arith.addf %add3A_1713, %get3A_1718 : vector<64x128xf32>
      %get3A_1720 = arith.constant 9 : index
      %get3A_1721 = arith.constant 576 : index
      %get3A_1722 = arith.constant 0 : index
      %get3A_1723 = vector.load %arg2[%get3A_1720, %get3A_1721, %get3A_1722] : memref<10x1600x128xf32, #tpu.memory_space<vmem>>, vector<1x64x128xf32>
      %get3A_1724 = vector.shape_cast %get3A_1723 : vector<1x64x128xf32> to vector<64x128xf32>
      %add3A_1725 = arith.addf %add3A_1719, %get3A_1724 : vector<64x128xf32>
      %get3A_1726 = arith.constant 9 : index
      %get3A_1727 = arith.constant 640 : index
      %get3A_1728 = arith.constant 0 : index
      %get3A_1729 = vector.load %arg2[%get3A_1726, %get3A_1727, %get3A_1728] : memref<10x1600x128xf32, #tpu.memory_space<vmem>>, vector<1x64x128xf32>
      %get3A_1730 = vector.shape_cast %get3A_1729 : vector<1x64x128xf32> to vector<64x128xf32>
      %add3A_1731 = arith.addf %add3A_1725, %get3A_1730 : vector<64x128xf32>
      %get3A_1732 = arith.constant 9 : index
      %get3A_1733 = arith.constant 704 : index
      %get3A_1734 = arith.constant 0 : index
      %get3A_1735 = vector.load %arg2[%get3A_1732, %get3A_1733, %get3A_1734] : memref<10x1600x128xf32, #tpu.memory_space<vmem>>, vector<1x64x128xf32>
      %get3A_1736 = vector.shape_cast %get3A_1735 : vector<1x64x128xf32> to vector<64x128xf32>
      %add3A_1737 = arith.addf %add3A_1731, %get3A_1736 : vector<64x128xf32>
      %get3A_1738 = arith.constant 9 : index
      %get3A_1739 = arith.constant 768 : index
      %get3A_1740 = arith.constant 0 : index
      %get3A_1741 = vector.load %arg2[%get3A_1738, %get3A_1739, %get3A_1740] : memref<10x1600x128xf32, #tpu.memory_space<vmem>>, vector<1x64x128xf32>
      %get3A_1742 = vector.shape_cast %get3A_1741 : vector<1x64x128xf32> to vector<64x128xf32>
      %add3A_1743 = arith.addf %add3A_1737, %get3A_1742 : vector<64x128xf32>
      %get3A_1744 = arith.constant 9 : index
      %get3A_1745 = arith.constant 832 : index
      %get3A_1746 = arith.constant 0 : index
      %get3A_1747 = vector.load %arg2[%get3A_1744, %get3A_1745, %get3A_1746] : memref<10x1600x128xf32, #tpu.memory_space<vmem>>, vector<1x64x128xf32>
      %get3A_1748 = vector.shape_cast %get3A_1747 : vector<1x64x128xf32> to vector<64x128xf32>
      %add3A_1749 = arith.addf %add3A_1743, %get3A_1748 : vector<64x128xf32>
      %get3A_1750 = arith.constant 9 : index
      %get3A_1751 = arith.constant 896 : index
      %get3A_1752 = arith.constant 0 : index
      %get3A_1753 = vector.load %arg2[%get3A_1750, %get3A_1751, %get3A_1752] : memref<10x1600x128xf32, #tpu.memory_space<vmem>>, vector<1x64x128xf32>
      %get3A_1754 = vector.shape_cast %get3A_1753 : vector<1x64x128xf32> to vector<64x128xf32>
      %add3A_1755 = arith.addf %add3A_1749, %get3A_1754 : vector<64x128xf32>
      %get3A_1756 = arith.constant 9 : index
      %get3A_1757 = arith.constant 960 : index
      %get3A_1758 = arith.constant 0 : index
      %get3A_1759 = vector.load %arg2[%get3A_1756, %get3A_1757, %get3A_1758] : memref<10x1600x128xf32, #tpu.memory_space<vmem>>, vector<1x64x128xf32>
      %get3A_1760 = vector.shape_cast %get3A_1759 : vector<1x64x128xf32> to vector<64x128xf32>
      %add3A_1761 = arith.addf %add3A_1755, %get3A_1760 : vector<64x128xf32>
      %get3A_1762 = arith.constant 9 : index
      %get3A_1763 = arith.constant 1024 : index
      %get3A_1764 = arith.constant 0 : index
      %get3A_1765 = vector.load %arg2[%get3A_1762, %get3A_1763, %get3A_1764] : memref<10x1600x128xf32, #tpu.memory_space<vmem>>, vector<1x64x128xf32>
      %get3A_1766 = vector.shape_cast %get3A_1765 : vector<1x64x128xf32> to vector<64x128xf32>
      %add3A_1767 = arith.addf %add3A_1761, %get3A_1766 : vector<64x128xf32>
      %get3A_1768 = arith.constant 9 : index
      %get3A_1769 = arith.constant 1088 : index
      %get3A_1770 = arith.constant 0 : index
      %get3A_1771 = vector.load %arg2[%get3A_1768, %get3A_1769, %get3A_1770] : memref<10x1600x128xf32, #tpu.memory_space<vmem>>, vector<1x64x128xf32>
      %get3A_1772 = vector.shape_cast %get3A_1771 : vector<1x64x128xf32> to vector<64x128xf32>
      %add3A_1773 = arith.addf %add3A_1767, %get3A_1772 : vector<64x128xf32>
      %get3A_1774 = arith.constant 9 : index
      %get3A_1775 = arith.constant 1152 : index
      %get3A_1776 = arith.constant 0 : index
      %get3A_1777 = vector.load %arg2[%get3A_1774, %get3A_1775, %get3A_1776] : memref<10x1600x128xf32, #tpu.memory_space<vmem>>, vector<1x64x128xf32>
      %get3A_1778 = vector.shape_cast %get3A_1777 : vector<1x64x128xf32> to vector<64x128xf32>
      %add3A_1779 = arith.addf %add3A_1773, %get3A_1778 : vector<64x128xf32>
      %get3A_1780 = arith.constant 9 : index
      %get3A_1781 = arith.constant 1216 : index
      %get3A_1782 = arith.constant 0 : index
      %get3A_1783 = vector.load %arg2[%get3A_1780, %get3A_1781, %get3A_1782] : memref<10x1600x128xf32, #tpu.memory_space<vmem>>, vector<1x64x128xf32>
      %get3A_1784 = vector.shape_cast %get3A_1783 : vector<1x64x128xf32> to vector<64x128xf32>
      %add3A_1785 = arith.addf %add3A_1779, %get3A_1784 : vector<64x128xf32>
      %get3A_1786 = arith.constant 9 : index
      %get3A_1787 = arith.constant 1280 : index
      %get3A_1788 = arith.constant 0 : index
      %get3A_1789 = vector.load %arg2[%get3A_1786, %get3A_1787, %get3A_1788] : memref<10x1600x128xf32, #tpu.memory_space<vmem>>, vector<1x64x128xf32>
      %get3A_1790 = vector.shape_cast %get3A_1789 : vector<1x64x128xf32> to vector<64x128xf32>
      %add3A_1791 = arith.addf %add3A_1785, %get3A_1790 : vector<64x128xf32>
      %get3A_1792 = arith.constant 9 : index
      %get3A_1793 = arith.constant 1344 : index
      %get3A_1794 = arith.constant 0 : index
      %get3A_1795 = vector.load %arg2[%get3A_1792, %get3A_1793, %get3A_1794] : memref<10x1600x128xf32, #tpu.memory_space<vmem>>, vector<1x64x128xf32>
      %get3A_1796 = vector.shape_cast %get3A_1795 : vector<1x64x128xf32> to vector<64x128xf32>
      %add3A_1797 = arith.addf %add3A_1791, %get3A_1796 : vector<64x128xf32>
      %get3A_1798 = arith.constant 9 : index
      %get3A_1799 = arith.constant 1408 : index
      %get3A_1800 = arith.constant 0 : index
      %get3A_1801 = vector.load %arg2[%get3A_1798, %get3A_1799, %get3A_1800] : memref<10x1600x128xf32, #tpu.memory_space<vmem>>, vector<1x64x128xf32>
      %get3A_1802 = vector.shape_cast %get3A_1801 : vector<1x64x128xf32> to vector<64x128xf32>
      %add3A_1803 = arith.addf %add3A_1797, %get3A_1802 : vector<64x128xf32>
      %get3A_1804 = arith.constant 9 : index
      %get3A_1805 = arith.constant 1472 : index
      %get3A_1806 = arith.constant 0 : index
      %get3A_1807 = vector.load %arg2[%get3A_1804, %get3A_1805, %get3A_1806] : memref<10x1600x128xf32, #tpu.memory_space<vmem>>, vector<1x64x128xf32>
      %get3A_1808 = vector.shape_cast %get3A_1807 : vector<1x64x128xf32> to vector<64x128xf32>
      %add3A_1809 = arith.addf %add3A_1803, %get3A_1808 : vector<64x128xf32>
      %get3A_1810 = arith.constant 9 : index
      %get3A_1811 = arith.constant 1536 : index
      %get3A_1812 = arith.constant 0 : index
      %get3A_1813 = vector.load %arg2[%get3A_1810, %get3A_1811, %get3A_1812] : memref<10x1600x128xf32, #tpu.memory_space<vmem>>, vector<1x64x128xf32>
      %get3A_1814 = vector.shape_cast %get3A_1813 : vector<1x64x128xf32> to vector<64x128xf32>
      %add3A_1815 = arith.addf %add3A_1809, %get3A_1814 : vector<64x128xf32>
      %add3A_1816 = arith.constant 10 : i32
      %add3A_1817 = arith.addi %add3A_1653, %add3A_1816 : i32
      %lt3A_1818 = arith.constant 160 : i32
      %lt3A_1819 = arith.cmpi slt, %add3A_1817, %lt3A_1818 : i32
      %convert_element_type3A_1820 = arith.extui %lt3A_1819 : i1 to i32
      %cond3A_1821 = arith.constant 0 : i32
      %cond3A_1822 = arith.cmpi ne, %convert_element_type3A_1820, %cond3A_1821 : i32
      scf.if %cond3A_1822 {
        %add3A_1823 = arith.constant 10 : i32
        %add3A_1824 = arith.addi %add3A_1653, %add3A_1823 : i32
        %mul3A_1825 = arith.constant 1600 : i32
        %mul3A_1826 = arith.muli %add3A_1824, %mul3A_1825 : i32
        %add3A_1827 = arith.constant 64000 : i32
        %add3A_1828 = arith.addi %add3A_1827, %mul3A_1826 : i32
        %multiple_of3A_1829 = tpu.assume_multiple %add3A_1828, 8 : i32
        %dma_start3A_1830 = arith.constant 9 : i32
        %dma_start3A_1831 = arith.constant 0 : i32
        %dma_start3A_1832 = arith.constant 0 : i32
        %dma_start3A_1833 = tpu.memref_slice %arg2[%dma_start3A_1830, %dma_start3A_1831, %dma_start3A_1832] : memref<10x1600x128xf32, #tpu.memory_space<vmem>> -> memref<1x1600x128xf32, #tpu.memory_space<vmem>>
        %dma_start3A_1834 = tpu.memref_squeeze %dma_start3A_1833 : memref<1x1600x128xf32, #tpu.memory_space<vmem>> -> memref<1600x128xf32, #tpu.memory_space<vmem>>
        %dma_start3A_1835 = arith.constant 0 : i32
        %dma_start3A_1836 = tpu.memref_slice %arg0[%multiple_of3A_1829, %dma_start3A_1835] : memref<320000x128xf32, #tpu.memory_space<hbm>> -> memref<1600x128xf32, #tpu.memory_space<hbm>>
        tpu.enqueue_dma source(%dma_start3A_1836 : memref<1600x128xf32, #tpu.memory_space<hbm>>) target(%dma_start3A_1834 : memref<1600x128xf32, #tpu.memory_space<vmem>>) target_semaphore(%arg12 : memref<!tpu.dma_semaphore, #tpu.memory_space<semaphore_mem>>)
      } else {
      }
      scf.yield %add3A_1815 : vector<64x128xf32>
    }
    %scan3A_93 = arith.constant 16 : i32
    %reduce_sum3A = arith.constant dense<0.000000e+00> : vector<128xf32>
    %reduce_sum3A_94 = vector.multi_reduction <add>, %scan3A_92, %reduce_sum3A [0] : vector<64x128xf32> to vector<128xf32>
    %broadcast_in_dim3A_95 = vector.shape_cast %reduce_sum3A_94 : vector<128xf32> to vector<1x128xf32>
    %swap3A = arith.constant 0 : index
    %swap3A_96 = arith.constant 0 : index
    %swap3A_97 = vector.load %arg1[%swap3A, %swap3A_96] : memref<1x128xf32, #tpu.memory_space<vmem>>, vector<1x128xf32>
    tpu.vector_store %arg1[%swap3A, %swap3A_96], %broadcast_in_dim3A_95 {strides = array<i32>} : memref<1x128xf32, #tpu.memory_space<vmem>>, vector<1x128xf32>,
    return
  }
}

</mosaic_0001>

<sc_bundles>
// kernel: kernel.5.cloned.1.call-start
scs
__scs_entry_jumppad:
0x0: {  	(pc) =	sbr.rel $0x88, $3  }
0x1: {  	(tag) =	ssettag $0x0;
	lr =	simm.s32 $0x1  }
0x2: {  	[smem:$0x3FA0] =	sst lr;
	_ =	strace $0xD0000000  }
0x3: {  	_ = 	snop  }
0x4: {  	_ = 	snop  }
0x5: {  	_ = 	snop  }
0x6: {  	_ = 	snop  }
0x7: {  	_ = 	snop  }
__scs_overlays_trampoline_lowered:
0x8: {  	[smem:$0x3FAF] =	sst s0  }
0x9: {  	[smem:$0x3FB0] =	sst s1  }
0xa: {  	[smem:$0x3FB1] =	sst s2  }
0xb: {  	[smem:$0x3FB2] =	sst s3  }
0xc: {  	[smem:$0x3FB3] =	sst s4  }
0xd: {  	[smem:$0x3FB4] =	sst s5  }
0xe: {  	[smem:$0x3FB5] =	sst s6  }
0xf: {  	[smem:$0x3FB6] =	sst s7  }
0x10: {  	[smem:$0x3FB7] =	sst s8  }
0x11: {  	[smem:$0x3FB8] =	sst s9;
	s0 =	simm.s32 @!p0 $0x0  }
0x12: {  	s1 =	sld [smem:$0x3F9E];
	s0 =	simm.s32 @p0 $0x1  }
0x13: {  	[smem:$0x3FB9] =	sst s0;
	s0 =	simm.s32 @!p1 $0x0  }
0x14: {  	s2 =	sld [smem:$0x3F9D];
	s0 =	simm.s32 @p1 $0x1  }
0x15: {  	[smem:$0x3FBA] =	sst s0;
	s0 =	simm.s32 @!p2 $0x0  }
0x16: {  	s3 =	sld [smem:$0x3FDB];
	s0 =	simm.s32 @p2 $0x1  }
0x17: {  	s4 =	simm.s32 $0x1BF5;
	[smem:$0x3FBC] =	sst s0  }
0x18: {  	s0 =	sld [smem:$0x3F9F];
	_ =	swait.ge [sflag:s4], $0x0  }
0x19: {  	s7 =	sld [smem:$0x3FA0]  }
0x1a: {  	s8 =	sadd.s32 $0xFFFFE003, lr  }
0x1b: {  	s9 =	sadd.s32 $0xFFFFFEF7, lr;
	s5 =	simm.s32 $0xFFFFFFFF;
	p2 =	slt.u32 s8, $0xFFFFF086  }
0x1c: {  	p1 =	slt.u32 s9, $0xF7A;
	s5 =	simm.s32 @!p2 $0x0  }
0x1d: {  	s5 =	simm.s32 @p1 $0x1;
	p0 =	seq.s32 s7, s2  }
0x1e: {  	s7 =	smul.u32 @!p0 $0xF7A, s2;
	p2 =	seq.s32 @!p0 s5, $0x0  }
0x1f: {  	s9 =	smul.u32 $0xF7A, s1;
	s8 =	simm.s32 @!p0 $0x1BF5;
	p2 =	por !p2, p0  }
0x20: {  	[sflag:s8] =	ssyncset.s32 @!p0 $0xFFFFF086;
	s6 =	sadd.s32 @!p0 s3, s7;
	s7 =	simm.s32 @!p0 $0x108  }
0x21: {  	s3 =	sadd.s32 s3, s9;
	s6 =	sadd.s32 @!p0 $0x88, s6;
	s7 =	simm.s32 @p2 $0x1082  }
0x22: {  	[simem:s7], [sflag:s8] =	dma.local @!p0 [hbm:s6], $0xF7A  }
0x23: {  	s9 =	sor.u32 $0xD0000000, s2;
	s6 =	simm.s32 $0x108;
	_ =	swait.ge @!p0 [sflag:s8], $0x0  }
0x24: {  	s3 =	sadd.s32 $0x88, s3;
	s6 =	simm.s32 @!p1 $0x1082;
	[sflag:s4] =	ssyncset.s32 $0xFFFFF086  }
0x25: {  	[simem:s6], [sflag:s4] =	dma.local [hbm:s3], $0xF7A  }
0x26: {  	[smem:$0x3FA0] =	sst s1;
	(tag) =	ssettag s2;
	_ =	strace s9  }
0x27: {  	s1 =	sld [smem:$0x3FB0]  }
0x28: {  	s2 =	sld [smem:$0x3FB1]  }
0x29: {  	s4 =	sld [smem:$0x3FB3]  }
0x2a: {  	p0 =	seq.s32 s5, $0x0;
	s5 =	sld [smem:$0x3FB4]  }
0x2b: {  	s6 =	sld [smem:$0x3FB5]  }
0x2c: {  	s7 =	sld [smem:$0x3FB6]  }
0x2d: {  	s3 =	simm.s32 $0x108;
	s8 =	sld [smem:$0x3FB7]  }
0x2e: {  	s3 =	simm.s32 @!p0 $0x1082;
	s9 =	sld [smem:$0x3FB8]  }
0x2f: {  	lr =	sadd.s32 s0, s3;
	s0 =	sld [smem:$0x3FAF]  }
0x30: {  	s3 =	sld [smem:$0x3FB2]  }
0x31: {  	[smem:$0x3FBB] =	sst s10  }
0x32: {  	s10 =	sld [smem:$0x3FB9];
	_ =	sdelay $0x3  }
0x33: {  	p0 =	seq.s32 s10, $0x1;
	s10 =	sld [smem:$0x3FBB];
	_ =	sdelay $0x3  }
0x34: {  	[smem:$0x3FBB] =	sst s10  }
0x35: {  	s10 =	sld [smem:$0x3FBA];
	_ =	sdelay $0x3  }
0x36: {  	p1 =	seq.s32 s10, $0x1;
	s10 =	sld [smem:$0x3FBB];
	_ =	sdelay $0x3  }
0x37: {  	[smem:$0x3FBB] =	sst s10  }
0x38: {  	s10 =	sld [smem:$0x3FBC]  }
0x39: {  	_ = 	snop;
	(pc) =	sbr.ind lr, $3  }
0x3a: {  	_ = 	snop  }
0x3b: {  	_ = 	snop  }
0x3c: {  	p2 =	seq.s32 s10, $0x1;
	s10 =	sld [smem:$0x3FBB]  }
0x3d: {  	_ =	shalt  }
0x3e: {  	_ =	shalt  }
0x3f: {  	_ =	shalt  }
0x40: {  	_ =	shalt  }
0x41: {  	_ =	shalt  }
0x42: {  	_ =	shalt  }
0x43: {  	_ =	shalt  }
0x44: {  	_ =	shalt  }
0x45: {  	_ =	shalt  }
0x46: {  	_ =	shalt  }
0x47: {  	_ =	shalt  }
0x48: {  	_ =	shalt  }
0x49: {  	_ =	shalt  }
0x4a: {  	_ =	shalt  }
0x4b: {  	_ =	shalt  }
0x4c: {  	_ =	shalt  }
0x4d: {  	_ =	shalt  }
0x4e: {  	_ =	shalt  }
0x4f: {  	_ =	shalt  }
0x50: {  	_ =	shalt  }
0x51: {  	_ =	shalt  }
0x52: {  	_ =	shalt  }
0x53: {  	_ =	shalt  }
0x54: {  	_ =	shalt  }
0x55: {  	_ =	shalt  }
0x56: {  	_ =	shalt  }
0x57: {  	_ =	shalt  }
0x58: {  	_ =	shalt  }
0x59: {  	_ =	shalt  }
0x5a: {  	_ =	shalt  }
0x5b: {  	_ =	shalt  }
0x5c: {  	_ =	shalt  }
0x5d: {  	_ =	shalt  }
0x5e: {  	_ =	shalt  }
0x5f: {  	_ =	shalt  }
0x60: {  	_ =	shalt  }
0x61: {  	_ =	shalt  }
0x62: {  	_ =	shalt  }
0x63: {  	_ =	shalt  }
0x64: {  	_ =	shalt  }
0x65: {  	_ =	shalt  }
0x66: {  	_ =	shalt  }
0x67: {  	_ =	shalt  }
0x68: {  	_ =	shalt  }
0x69: {  	_ =	shalt  }
0x6a: {  	_ =	shalt  }
0x6b: {  	_ =	shalt  }
0x6c: {  	_ =	shalt  }
0x6d: {  	_ =	shalt  }
0x6e: {  	_ =	shalt  }
0x6f: {  	_ =	shalt  }
0x70: {  	_ =	shalt  }
0x71: {  	_ =	shalt  }
0x72: {  	_ =	shalt  }
0x73: {  	_ =	shalt  }
0x74: {  	_ =	shalt  }
0x75: {  	_ =	shalt  }
0x76: {  	_ =	shalt  }
0x77: {  	_ =	shalt  }
0x78: {  	_ =	shalt  }
0x79: {  	_ =	shalt  }
0x7a: {  	_ =	shalt  }
0x7b: {  	_ =	shalt  }
0x7c: {  	_ =	shalt  }
0x7d: {  	_ =	shalt  }
0x7e: {  	_ =	shalt  }
0x7f: {  	_ =	shalt  }
0x80: {  	_ =	shalt  }
0x81: {  	_ =	shalt  }
0x82: {  	_ =	shalt  }
0x83: {  	_ =	shalt  }
0x84: {  	_ =	shalt  }
0x85: {  	_ =	shalt  }
0x86: {  	_ =	shalt  }
0x87: {  	_ =	shalt  }
.Lfunc_end0:
.L_simem_size_0:
called_computation_lowered:
.L_overlay_start_0:
0x88: {  	s2 =	sld [smem:$0x3FD9]  }
0x89: {  	s3 =	sld [smem:$0x3FFE];
	_ =	sdelay $0x1  }
0x8a: {  	s1 =	srdreg.scid  }
0x8b: {  	s0 =	sand.u32 $0x1, s1  }
0x8c: {  	s17 =	sshll.u32 s0, $0xA;
	s2 =	sadd.s32 s3, s2  }
0x8d: {  	s2 =	sadd.s32 s2, s17  }
0x8e: {  	[smem:$0x3FC7] =	sst s2  }
0x8f: {  	_ = 	snop  }
0x90: {  	s2 =	sld [smem:$0x3FC9];
	(tm) =	ssettm $0x1  }
0x91: {  	s18 =	sld [smem:$0x3FFB];
	_ =	sdelay $0x3  }
0x92: {  	_ =	strace s18  }
0x93: {  	s3 =	sld [smem:$0x3FFC];
	_ =	sdelay $0x3  }
0x94: {  	_ =	strace s3  }
0x95: {  	s3 =	sld [smem:$0x3FFD];
	_ =	sdelay $0x3  }
0x96: {  	_ =	strace s3  }
0x97: {  	_ =	strace $0x8FFFFFFF  }
0x98: {  	s19 =	sld [smem:$0x3FDB];
	_ =	sdelay $0x1  }
0x99: {  	s4 =	simm.s32 $_scs_section_size  }
0x9a: {  	s5 =	simm.s32 $_size__tile_overlayer_lowered;
	s6 =	simm.s32 $_tile_overlayer_lowered  }
0x9b: {  	s22 =	simm.s32 $0x1BFF;
	s21 =	sshll.u32 s6, $0x1;
	s3 =	sadd.s32 s4, s19  }
0x9c: {  	s7 =	simm.s32 $0x0;
	s20 =	sshll.u32 s5, $0x1;
	s5 =	sadd.s32 s21, s3  }
0x9d: {  	[timem:s7], [sflag:s22] =	dma.local [hbm:s5], s20  }
0x9e: {  	_ =	swait.ge [sflag:s22], s20  }
0x9f: {  	s4 =	ssub.s32 $0x0, s20;
	[sflag:s22] =	ssyncset.done $0x0  }
0xa0: {  	[sflag:s22] =	ssyncadd.s32 s4;
	_ =	sdelay $0x1  }
0xa1: {  	s23 =	simm.s32 $0x1B8B  }
0xa2: {  	_ =	swait.ge [sflag:s23], $0x1  }
0xa3: {  	[sflag:s23] =	ssyncset.done $0x0  }
0xa4: {  	s25 =	simm.s32 $0x1B8E;
	s24 =	sld [smem:$0x3FFE];
	[sflag:s23] =	ssyncadd.s32 $0xFFFFFFFF  }
0xa5: {  	s26 =	simm.s32 $execute0_lowered;
	[smem:$0x3FD2] =	sst s25  }
0xa6: {  	s5 =	sshll.u32 s26, $0x1;
	_ =	strace $0x80000046;
	[dreg:$0x1] =	wrdreg $0xFFFFFFFF  }
0xa7: {  	s28 =	simm.s32 $_size_execute0_lowered;
	s3 =	sadd.s32 s3, s5;
	[dreg:$0x0] =	wrdreg $0x0  }
0xa8: {  	s5 =	sshll.u32 s28, $0x1;
	[dreg:$0x2] =	wrdreg s3  }
0xa9: {  	[dreg:$0x3] =	wrdreg s5  }
0xaa: {  	[dreg:$0x4] =	wrdreg $0xC0  }
0xab: {  	_ =	task [dreg:s7], $0x5FFFF  }
0xac: {  	[dreg:$0x1] =	wrdreg $0xFFFFFFFF  }
0xad: {  	[dreg:$0x0] =	wrdreg $0x60  }
0xae: {  	[dreg:$0x2] =	wrdreg s2  }
0xaf: {  	[dreg:$0x3] =	wrdreg s24  }
0xb0: {  	[dreg:$0x4] =	wrdreg $0x9  }
0xb1: {  	_ =	task.clear_ibuf [dreg:s7], $0x5FFFF;
	_ =	strace $0x90000046  }
0xb2: {  	s29 =	simm.s32 $0x9;
	_ =	strace $0x80000048  }
0xb3: {  	_ =	swait.ge [sflag:s29], $0x1  }
0xb4: {  	[sflag:s29] =	ssyncadd.s32 $0xFFFFFFFF  }
0xb5: {  	_ =	strace $0x90000048  }
0xb6: {  	_ =	sfence  }
0xb7: {  	s30 =	sld [smem:$0x0];
	_ =	sdelay $0x2  }
0xb8: {  	s31 =	sshll.u32 s1, $0xD;
	s1 =	sshrl.u32 s1, $0x2  }
0xb9: {  	s3 =	sand.u32 $0x4000, s31;
	s1 =	sadd.s32 s1, s30  }
0xba: {  	s0 =	sor.u32 s3, s0;
	s1 =	sshll.u32 s1, $0x11  }
0xbb: {  	s0 =	sor.u32 s1, s0  }
0xbc: {  	s0 =	sadd.s32 $0x8F2B, s0  }
0xbd: {  	[sflag:s0] =	ssyncadd.remote.s32 $0x1  }
0xbe: {  	_ =	sfence.sel $0xFFFF  }
0xbf: {  	[dreg:$0x0] =	wrdreg $0xFFFFFFFF;
	(pc) =	sbr.abs _section_cstart, $3  }
0xc0: {  	[dreg:$0x1] =	wrdreg $0xFFFFFFFF  }
0xc1: {  	_ =	task.clear_ibuf [dreg:s7], $0x2FFFF;
	_ =	strace $0x9FFFFFFF  }
0xc2: {  	(tm) =	ssettm $0x7FFFFFFF  }
0xc3: {  	_ =	shalt  }
tec
execute0_lowered:
.L_overlay_start_1:
0x0: {  	(tag) =	ssettag $0x1  }
0x1: {  	s2 =	rddreg [dreg:$0x0]  }
0x2: {  	s4 =	rddreg [dreg:$0x1]  }
0x3: {  	s5 =	srdreg.scid;
	s1 =	stileid.u32  }
0x4: {  	s0 =	rddreg [dreg:$0x2];
	s5 =	sand.u32 $0x1, s5;
	s6 =	sshll.u32 s1, $0x1  }
0x5: {  	s3 =	simm.s32 $0x0;
	s11 =	simm.s32 $0x1;
	s6 =	sor.u32 s5, s6  }
0x6: {  	s12 =	simm.s32 $0x2;
	s13 =	simm.s32 $0xC800;
	s7 =	smul.u32 $0x3E800, s6  }
0x7: {  	s14 =	simm.s32 $0x3;
	s15 =	simm.s32 $0x0;
	s9 =	smul.u32 $0x7D0, s6  }
0x8: {  	s5 =	ssub.s32 $0x2, s5;
	s8 =	sshll.u32 s6, $0x4;
	s6 =	smul.u32 $0x7D00, s6  }
.Ltmp0:
0x9: {  	[smem:$0x7FF] =	sst s3;
	s10 =	sshrl.u32 s5, $0x1;
	(pc) =	sbr.rel .LBB2_1-.Ltmp0, $4  }
0xa: {  	_ =	strace $0x80000047;
	s8 =	sadd.s32 s8, s4;
	s10 =	ssub.s32 s5, s10  }
0xb: {  	s7 =	sshrl.u32 s7, $0x3;
	s4 =	sadd.s32 s2, s6;
	s6 =	sadd.s32 $0x190, s9  }
0xc: {  	s8 =	sadd.s32 $0x600, s8;
	s31 =	sadd.s32 s2, s7;
	s7 =	sadd.s32 $0x258, s9  }
0xd: {  	s9 =	smax.u32 s10, $0x1;
	s10 =	simm.s32 $0x6400;
	s5 =	sadd.s32 $0xC80, s31  }
.LBB2_8:
0xe: {  	[tilespmem:$0xC800] =	vst v30  }
0xf: {  	[tilespmem:$0xC810] =	vst v29  }
0x10: {  	[tilespmem:$0xC820] =	vst v20  }
0x11: {  	[tilespmem:$0xC830] =	vst v17  }
0x12: {  	[tilespmem:$0xC840] =	vst v11  }
0x13: {  	[tilespmem:$0xC850] =	vst v10;
	s15 =	sadd.s32 $0x1, s15  }
0x14: {  	[tilespmem:$0xC860] =	vst v9;
	p0 =	sne.s32 s15, s9  }
.Ltmp1:
0x15: {  	[tilespmem:$0xC870] =	vst v8;
	(pc) =	sbr.rel @!p0 .LBB2_9-.Ltmp1, $4  }
0x16: {  	[hbm4b:s8+s3] =	stream.linear.scatter [tilespmem:s13], [sflag:$0x3], $0x80, $0x38;
	[tilespmem:$0xC880] =	vst v63  }
0x17: {  	_ =	swait.ge [sflag:s14], $0x80  }
0x18: {  	[sflag:s14] =	ssyncset.done $0x0  }
0x19: {  	[sflag:s14] =	ssyncadd.s32 $0xFFFFFF80  }
.LBB2_1:
0x1a: {  	[tilespmem:s3], [sflag:$0x1] =	stream.linear.gather [hbm4b:s4+s3], $0x6400, $0x38;
	v8 =	vimm.f32 $0.0e+00;
	v9 =	vimm.f32 $0.0e+00;
	[tilespmem:$0xC880] =	vst v63  }
0x1b: {  	v10 =	vimm.f32 $0.0e+00;
	v11 =	vimm.f32 $0.0e+00;
	v17 =	vimm.f32 $0.0e+00;
	s16 =	simm.s32 $0x0  }
0x1c: {  	v20 =	vimm.f32 $0.0e+00;
	v29 =	vimm.f32 $0.0e+00;
	v30 =	vimm.f32 $0.0e+00;
	[tilespmem:s10], [sflag:$0x2] =	stream.linear.gather [hbm4b:s5+s3], $0x6400, $0x38;
	[tilespmem:$0xC880] =	vst v63  }
.LBB2_2:
0x1d: {  	_ =	swait.ge [sflag:s11], $0x6400  }
0x1e: {  	[sflag:s11] =	ssyncset.done $0x0  }
0x1f: {  	s17 =	simm.s32 $0x0;
	[sflag:s11] =	ssyncadd.s32 $0xFFFF9C00  }
0x20: {  	v16 =	vld [tilespmem:s17+$0x380]  }
0x21: {  	v18 =	vld [tilespmem:s17+$0x390]  }
0x22: {  	v19 =	vld [tilespmem:s17+$0x3A0]  }
0x23: {  	v22 =	vld [tilespmem:s17+$0x3B0]  }
0x24: {  	v0 =	vld [tilespmem:s17+$0x3C0]  }
0x25: {  	v1 =	vld [tilespmem:s17+$0x3D0]  }
0x26: {  	v15 =	vld [tilespmem:s17+$0x300]  }
0x27: {  	v28 =	vld [tilespmem:s17+$0x310]  }
0x28: {  	v26 =	vld [tilespmem:s17+$0x320]  }
0x29: {  	v27 =	vld [tilespmem:s17+$0x330]  }
0x2a: {  	v4 =	vld [tilespmem:s17+$0x340]  }
0x2b: {  	v5 =	vld [tilespmem:s17+$0x350]  }
0x2c: {  	v2 =	vld [tilespmem:s17+$0x280]  }
0x2d: {  	v3 =	vld [tilespmem:s17+$0x290]  }
0x2e: {  	v6 =	vld [tilespmem:s17+$0x2A0]  }
0x2f: {  	v7 =	vld [tilespmem:s17+$0x2B0]  }
0x30: {  	v12 =	vld [tilespmem:s17+$0x2C0]  }
0x31: {  	v13 =	vld [tilespmem:s17+$0x2D0]  }
0x32: {  	v14 =	vld [tilespmem:s17+$0x200]  }
0x33: {  	v21 =	vld [tilespmem:s17+$0x210]  }
0x34: {  	v25 =	vld [tilespmem:s17+$0x220]  }
0x35: {  	v31 =	vld [tilespmem:s17+$0x230]  }
0x36: {  	v23 =	vld [tilespmem:s17+$0x240]  }
0x37: {  	v24 =	vld [tilespmem:s17+$0x250]  }
0x38: {  	v32 =	vld [tilespmem:s17+$0x180]  }
0x39: {  	v37 =	vld [tilespmem:s17+$0x190]  }
0x3a: {  	v34 =	vld [tilespmem:s17+$0x100]  }
0x3b: {  	v35 =	vld [tilespmem:s17+$0x110]  }
0x3c: {  	v33 =	vld [tilespmem:s17+$0x80]  }
0x3d: {  	v36 =	vld [tilespmem:s17+$0x90]  }
0x3e: {  	v38 =	vld [tilespmem:s17+$0x0]  }
0x3f: {  	v39 =	vld [tilespmem:s17+$0x10]  }
0x40: {  	v40 =	vld [tilespmem:s17+$0x20]  }
0x41: {  	v41 =	vld [tilespmem:s17+$0x30]  }
0x42: {  	v42 =	vld [tilespmem:s17+$0xA0]  }
0x43: {  	v43 =	vld [tilespmem:s17+$0xB0]  }
0x44: {  	v44 =	vld [tilespmem:s17+$0x120]  }
0x45: {  	v61 =	vld [tilespmem:s17+$0x130];
	v30 =	vadd.f32 v38, v30;
	v29 =	vadd.f32 v39, v29  }
0x46: {  	v62 =	vld [tilespmem:s17+$0x1A0];
	v20 =	vadd.f32 v40, v20;
	v17 =	vadd.f32 v41, v17  }
0x47: {  	v63 =	vld [tilespmem:s17+$0x1B0];
	v30 =	vadd.f32 v33, v30;
	v29 =	vadd.f32 v36, v29  }
0x48: {  	v38 =	vld [tilespmem:s17+$0xD0];
	v20 =	vadd.f32 v42, v20;
	v17 =	vadd.f32 v43, v17  }
0x49: {  	v39 =	vld [tilespmem:s17+$0x40];
	v30 =	vadd.f32 v34, v30;
	v29 =	vadd.f32 v35, v29  }
0x4a: {  	v40 =	vld [tilespmem:s17+$0x50];
	v20 =	vadd.f32 v44, v20;
	v17 =	vadd.f32 v61, v17  }
0x4b: {  	v41 =	vld [tilespmem:s17+$0x60];
	v30 =	vadd.f32 v32, v30;
	v29 =	vadd.f32 v37, v29  }
0x4c: {  	v33 =	vld [tilespmem:s17+$0x1C0];
	v20 =	vadd.f32 v62, v20;
	v17 =	vadd.f32 v63, v17  }
0x4d: {  	v36 =	vld [tilespmem:s17+$0x150];
	v14 =	vadd.f32 v14, v30;
	v21 =	vadd.f32 v21, v29  }
0x4e: {  	v34 =	vld [tilespmem:s17+$0x1D0];
	v20 =	vadd.f32 v25, v20;
	v17 =	vadd.f32 v31, v17  }
0x4f: {  	v35 =	vld [tilespmem:s17+$0x140];
	v42 =	vadd.f32 v2, v14;
	v43 =	vadd.f32 v3, v21  }
0x50: {  	s18 =	simm.s32 $0x1000;
	v37 =	vld [tilespmem:s17+$0xC0];
	v44 =	vadd.f32 v6, v20;
	v45 =	vadd.f32 v7, v17  }
.LBB2_3:
0x51: {  	p0 =	sne.s32 s18, $0x18000;
	v14 =	vld [tilespmem:s17+$0x70];
	v2 =	vadd.f32 v15, v42;
	v3 =	vadd.f32 v28, v43  }
0x52: {  	v15 =	vld [tilespmem:s17+$0xE0];
	v6 =	vadd.f32 v26, v44;
	v7 =	vadd.f32 v27, v45  }
0x53: {  	v17 =	vld [tilespmem:s17+$0xF0];
	v2 =	vadd.f32 v16, v2;
	v3 =	vadd.f32 v18, v3  }
0x54: {  	v16 =	vld [tilespmem:s17+$0x160];
	v6 =	vadd.f32 v19, v6;
	v7 =	vadd.f32 v22, v7  }
0x55: {  	v11 =	vadd.f32 v39, v11;
	v10 =	vadd.f32 v40, v10;
	v18 =	vld [tilespmem:s17+$0x170]  }
0x56: {  	v9 =	vadd.f32 v41, v9;
	v8 =	vadd.f32 v14, v8;
	v14 =	vld [tilespmem:s17+$0x1E0]  }
0x57: {  	v11 =	vadd.f32 v37, v11;
	v10 =	vadd.f32 v38, v10;
	v19 =	vld [tilespmem:s17+$0x1F0]  }
0x58: {  	v9 =	vadd.f32 v15, v9;
	v8 =	vadd.f32 v17, v8;
	v15 =	vld [tilespmem:s17+$0x260]  }
0x59: {  	v11 =	vadd.f32 v35, v11;
	v10 =	vadd.f32 v36, v10;
	v17 =	vld [tilespmem:s17+$0x270]  }
0x5a: {  	v9 =	vadd.f32 v16, v9;
	v8 =	vadd.f32 v18, v8;
	v18 =	vld [tilespmem:s17+$0x2E0]  }
0x5b: {  	v11 =	vadd.f32 v33, v11;
	v10 =	vadd.f32 v34, v10;
	v20 =	vld [tilespmem:s17+$0x2F0]  }
0x5c: {  	v9 =	vadd.f32 v14, v9;
	v8 =	vadd.f32 v19, v8;
	v14 =	vld [tilespmem:s17+$0x360]  }
0x5d: {  	v11 =	vadd.f32 v23, v11;
	v10 =	vadd.f32 v24, v10;
	v21 =	vld [tilespmem:s17+$0x370]  }
0x5e: {  	v9 =	vadd.f32 v15, v9;
	v8 =	vadd.f32 v17, v8;
	v15 =	vld [tilespmem:s17+$0x3E0]  }
0x5f: {  	v11 =	vadd.f32 v12, v11;
	v10 =	vadd.f32 v13, v10;
	v12 =	vld [tilespmem:s17+$0x3F0];
	s17 =	sshra.s32 s18, $0x2  }
0x60: {  	v9 =	vadd.f32 v18, v9;
	v16 =	vld [tilespmem:s17+$0x380];
	v8 =	vadd.f32 v20, v8  }
0x61: {  	v4 =	vadd.f32 v4, v11;
	v5 =	vadd.f32 v5, v10;
	v18 =	vld [tilespmem:s17+$0x390]  }
0x62: {  	v9 =	vadd.f32 v14, v9;
	v19 =	vld [tilespmem:s17+$0x3A0];
	v8 =	vadd.f32 v21, v8  }
0x63: {  	v11 =	vadd.f32 v0, v4;
	v10 =	vadd.f32 v1, v5;
	v22 =	vld [tilespmem:s17+$0x3B0]  }
0x64: {  	v9 =	vadd.f32 v15, v9;
	v0 =	vld [tilespmem:s17+$0x3C0];
	v8 =	vadd.f32 v12, v8  }
0x65: {  	v1 =	vld [tilespmem:s17+$0x3D0]  }
0x66: {  	v15 =	vld [tilespmem:s17+$0x300]  }
0x67: {  	v28 =	vld [tilespmem:s17+$0x310]  }
0x68: {  	v26 =	vld [tilespmem:s17+$0x320]  }
0x69: {  	v27 =	vld [tilespmem:s17+$0x330]  }
0x6a: {  	v4 =	vld [tilespmem:s17+$0x340]  }
0x6b: {  	v5 =	vld [tilespmem:s17+$0x350]  }
0x6c: {  	v14 =	vld [tilespmem:s17+$0x280]  }
0x6d: {  	v17 =	vld [tilespmem:s17+$0x290]  }
0x6e: {  	v20 =	vld [tilespmem:s17+$0x2A0]  }
0x6f: {  	v21 =	vld [tilespmem:s17+$0x2B0]  }
0x70: {  	v12 =	vld [tilespmem:s17+$0x2C0]  }
0x71: {  	v13 =	vld [tilespmem:s17+$0x2D0]  }
0x72: {  	v25 =	vld [tilespmem:s17+$0x200]  }
0x73: {  	v29 =	vld [tilespmem:s17+$0x210]  }
0x74: {  	v30 =	vld [tilespmem:s17+$0x220]  }
0x75: {  	v31 =	vld [tilespmem:s17+$0x230]  }
0x76: {  	v23 =	vld [tilespmem:s17+$0x240]  }
0x77: {  	v24 =	vld [tilespmem:s17+$0x250]  }
0x78: {  	v32 =	vld [tilespmem:s17+$0x180]  }
0x79: {  	v37 =	vld [tilespmem:s17+$0x190]  }
0x7a: {  	v34 =	vld [tilespmem:s17+$0x100]  }
0x7b: {  	v35 =	vld [tilespmem:s17+$0x110]  }
0x7c: {  	v33 =	vld [tilespmem:s17+$0x80]  }
0x7d: {  	v36 =	vld [tilespmem:s17+$0x90]  }
0x7e: {  	v38 =	vld [tilespmem:s17+$0x0]  }
0x7f: {  	v39 =	vld [tilespmem:s17+$0x10]  }
0x80: {  	v40 =	vld [tilespmem:s17+$0x20]  }
0x81: {  	v41 =	vld [tilespmem:s17+$0x30]  }
0x82: {  	v42 =	vld [tilespmem:s17+$0xA0]  }
0x83: {  	v43 =	vld [tilespmem:s17+$0xB0]  }
0x84: {  	v44 =	vld [tilespmem:s17+$0x120]  }
0x85: {  	v2 =	vadd.f32 v38, v2;
	v3 =	vadd.f32 v39, v3;
	v38 =	vld [tilespmem:s17+$0x130]  }
0x86: {  	v6 =	vadd.f32 v40, v6;
	v7 =	vadd.f32 v41, v7;
	v39 =	vld [tilespmem:s17+$0x1A0]  }
0x87: {  	v2 =	vadd.f32 v33, v2;
	v3 =	vadd.f32 v36, v3;
	v40 =	vld [tilespmem:s17+$0x1B0]  }
0x88: {  	v6 =	vadd.f32 v42, v6;
	v7 =	vadd.f32 v43, v7;
	v33 =	vld [tilespmem:s17+$0x1C0]  }
0x89: {  	v2 =	vadd.f32 v34, v2;
	v3 =	vadd.f32 v35, v3;
	v34 =	vld [tilespmem:s17+$0x1D0]  }
0x8a: {  	v6 =	vadd.f32 v44, v6;
	v7 =	vadd.f32 v38, v7;
	v35 =	vld [tilespmem:s17+$0x140]  }
0x8b: {  	v2 =	vadd.f32 v32, v2;
	v3 =	vadd.f32 v37, v3;
	v36 =	vld [tilespmem:s17+$0x150]  }
.Ltmp2:
0x8c: {  	v6 =	vadd.f32 v39, v6;
	v37 =	vld [tilespmem:s17+$0xC0];
	v7 =	vadd.f32 v40, v7;
	(pc) =	sbr.rel @p0 .LBB2_3-.Ltmp2, $4  }
0x8d: {  	v2 =	vadd.f32 v25, v2;
	v3 =	vadd.f32 v29, v3;
	v38 =	vld [tilespmem:s17+$0xD0]  }
0x8e: {  	v6 =	vadd.f32 v30, v6;
	v39 =	vld [tilespmem:s17+$0x40];
	v7 =	vadd.f32 v31, v7  }
0x8f: {  	v42 =	vadd.f32 v14, v2;
	v43 =	vadd.f32 v17, v3;
	v40 =	vld [tilespmem:s17+$0x50]  }
0x90: {  	s18 =	sadd.s32 $0x1000, s18;
	v44 =	vadd.f32 v20, v6;
	v41 =	vld [tilespmem:s17+$0x60];
	v45 =	vadd.f32 v21, v7  }
0x91: {  	v46 =	vld [tilespmem:s17+$0x70]  }
0x92: {  	v47 =	vld [tilespmem:s17+$0xE0]  }
0x93: {  	v48 =	vld [tilespmem:s17+$0xF0]  }
0x94: {  	v49 =	vld [tilespmem:s17+$0x160]  }
0x95: {  	v50 =	vld [tilespmem:s17+$0x170]  }
0x96: {  	v51 =	vld [tilespmem:s17+$0x1E0]  }
0x97: {  	v52 =	vld [tilespmem:s17+$0x1F0]  }
0x98: {  	v53 =	vld [tilespmem:s17+$0x260]  }
0x99: {  	v54 =	vld [tilespmem:s17+$0x270]  }
0x9a: {  	v55 =	vld [tilespmem:s17+$0x2E0];
	p0 =	seq.s32 s16, $0x4  }
0x9b: {  	v56 =	vld [tilespmem:s17+$0x2F0];
	s18 =	smul.u32 @!p0 $0x190, s16  }
0x9c: {  	v57 =	vld [tilespmem:s17+$0x360]  }
0x9d: {  	v58 =	vld [tilespmem:s17+$0x370];
	s18 =	sadd.s32 @!p0 s18, s6  }
0x9e: {  	v59 =	vld [tilespmem:s17+$0x3E0];
	s18 =	sshll.u32 @!p0 s18, $0x4  }
0x9f: {  	v60 =	vld [tilespmem:s17+$0x3F0];
	s17 =	sadd.s32 @!p0 s2, s18;
	s18 =	simm.s32 @!p0 $0x0  }
0xa0: {  	[tilespmem:s18], [sflag:$0x1] =	stream.linear.gather @!p0 [hbm4b:s17+s18], $0x6400, $0x38;
	[tilespmem:$0xC880] =	vst v63  }
0xa1: {  	_ =	swait.ge [sflag:s12], $0x6400  }
0xa2: {  	[sflag:s12] =	ssyncset.done $0x0  }
0xa3: {  	s17 =	simm.s32 $0x0;
	[sflag:s12] =	ssyncadd.s32 $0xFFFF9C00  }
0xa4: {  	v17 =	vld [tilespmem:s17+$0x6780]  }
0xa5: {  	v20 =	vld [tilespmem:s17+$0x6790]  }
0xa6: {  	v21 =	vld [tilespmem:s17+$0x67A0]  }
0xa7: {  	v25 =	vld [tilespmem:s17+$0x67B0]  }
0xa8: {  	v2 =	vld [tilespmem:s17+$0x67C0]  }
0xa9: {  	v3 =	vld [tilespmem:s17+$0x67D0]  }
0xaa: {  	v30 =	vld [tilespmem:s17+$0x6700]  }
0xab: {  	v32 =	vld [tilespmem:s17+$0x6710]  }
0xac: {  	v29 =	vld [tilespmem:s17+$0x6720]  }
0xad: {  	v31 =	vld [tilespmem:s17+$0x6730]  }
0xae: {  	v6 =	vld [tilespmem:s17+$0x6740]  }
0xaf: {  	v7 =	vld [tilespmem:s17+$0x6750]  }
0xb0: {  	v61 =	vld [tilespmem:s17+$0x6680]  }
0xb1: {  	v62 =	vld [tilespmem:s17+$0x6690]  }
0xb2: {  	v63 =	vld [tilespmem:s17+$0x66A0]  }
0xb3: {  	v42 =	vadd.f32 v15, v42;
	v28 =	vadd.f32 v28, v43;
	v14 =	vld [tilespmem:s17+$0x66B0]  }
0xb4: {  	v26 =	vadd.f32 v26, v44;
	v27 =	vadd.f32 v27, v45;
	v15 =	vld [tilespmem:s17+$0x66D0]  }
0xb5: {  	v16 =	vadd.f32 v16, v42;
	v18 =	vadd.f32 v18, v28;
	v43 =	vld [tilespmem:s17+$0x6600]  }
0xb6: {  	v11 =	vadd.f32 v39, v11;
	v19 =	vadd.f32 v19, v26;
	v28 =	vld [tilespmem:s17+$0x6610]  }
0xb7: {  	v22 =	vadd.f32 v22, v27;
	v10 =	vadd.f32 v40, v10;
	v27 =	vld [tilespmem:s17+$0x6620]  }
0xb8: {  	v26 =	vadd.f32 v41, v9;
	v44 =	vadd.f32 v46, v8;
	v39 =	vld [tilespmem:s17+$0x6630]  }
0xb9: {  	v11 =	vadd.f32 v37, v11;
	v10 =	vadd.f32 v38, v10;
	v8 =	vld [tilespmem:s17+$0x6640]  }
0xba: {  	v26 =	vadd.f32 v47, v26;
	v45 =	vadd.f32 v48, v44;
	v9 =	vld [tilespmem:s17+$0x6650]  }
0xbb: {  	v11 =	vadd.f32 v35, v11;
	v10 =	vadd.f32 v36, v10;
	v46 =	vld [tilespmem:s17+$0x6580]  }
0xbc: {  	v26 =	vadd.f32 v49, v26;
	v48 =	vadd.f32 v50, v45;
	v47 =	vld [tilespmem:s17+$0x6590]  }
0xbd: {  	v11 =	vadd.f32 v33, v11;
	v10 =	vadd.f32 v34, v10;
	v49 =	vld [tilespmem:s17+$0x6500]  }
0xbe: {  	v50 =	vld [tilespmem:s17+$0x6510];
	v26 =	vadd.f32 v51, v26;
	v51 =	vadd.f32 v52, v48  }
0xbf: {  	v11 =	vadd.f32 v23, v11;
	v23 =	vld [tilespmem:s17+$0x6490];
	v10 =	vadd.f32 v24, v10  }
0xc0: {  	v52 =	vld [tilespmem:s17+$0x6480];
	v24 =	vadd.f32 v53, v26;
	v26 =	vadd.f32 v54, v51  }
0xc1: {  	v11 =	vadd.f32 v12, v11;
	v54 =	vld [tilespmem:s17+$0x6400];
	v10 =	vadd.f32 v13, v10  }
0xc2: {  	v12 =	vld [tilespmem:s17+$0x6410];
	v13 =	vadd.f32 v55, v24;
	v24 =	vadd.f32 v56, v26  }
0xc3: {  	v4 =	vadd.f32 v4, v11;
	v5 =	vadd.f32 v5, v10;
	v10 =	vld [tilespmem:s17+$0x6430]  }
0xc4: {  	[tilespmem:$0x1FFF0] =	vst v14;
	v14 =	vld [tilespmem:s17+$0x66C0];
	v11 =	vadd.f32 v57, v13;
	v13 =	vadd.f32 v58, v24  }
0xc5: {  	v56 =	vld [tilespmem:s17+$0x64B0];
	v1 =	vadd.f32 v1, v5  }
0xc6: {  	v26 =	vld [tilespmem:s17+$0x6420];
	v5 =	vadd.f32 v60, v13;
	v13 =	vadd.f32 v54, v16  }
0xc7: {  	v0 =	vadd.f32 v0, v4;
	v57 =	vld [tilespmem:s17+$0x6530]  }
0xc8: {  	v24 =	vld [tilespmem:s17+$0x64A0];
	v10 =	vadd.f32 v10, v22;
	v13 =	vadd.f32 v52, v13  }
0xc9: {  	v12 =	vadd.f32 v12, v18;
	v58 =	vld [tilespmem:s17+$0x65B0];
	v4 =	vadd.f32 v59, v11  }
0xca: {  	v11 =	vld [tilespmem:s17+$0x6520];
	v10 =	vadd.f32 v56, v10;
	v13 =	vadd.f32 v49, v13  }
0xcb: {  	v18 =	vld [tilespmem:s17+$0x65D0];
	v12 =	vadd.f32 v23, v12;
	v16 =	vadd.f32 v26, v19  }
0xcc: {  	v26 =	vld [tilespmem:s17+$0x65A0];
	v10 =	vadd.f32 v57, v10;
	v13 =	vadd.f32 v46, v13  }
0xcd: {  	v23 =	vld [tilespmem:s17+$0x64C0];
	v12 =	vadd.f32 v50, v12;
	v19 =	vadd.f32 v24, v16  }
0xce: {  	v22 =	vld [tilespmem:s17+$0x6550];
	v10 =	vadd.f32 v58, v10;
	v13 =	vadd.f32 v43, v13  }
0xcf: {  	v16 =	vld [tilespmem:s17+$0x65C0];
	v12 =	vadd.f32 v47, v12;
	v11 =	vadd.f32 v11, v19  }
0xd0: {  	v60 =	vadd.f32 v39, v10;
	v10 =	vadd.f32 v61, v13;
	v13 =	vld [tilespmem:$0x1FFF0]  }
0xd1: {  	v24 =	vld [tilespmem:s17+$0x64D0];
	v11 =	vadd.f32 v26, v11  }
0xd2: {  	v19 =	vld [tilespmem:s17+$0x6540];
	v12 =	vadd.f32 v28, v12  }
0xd3: {  	v28 =	vld [tilespmem:s17+$0x6460];
	v59 =	vadd.f32 v27, v11  }
0xd4: {  	v26 =	vld [tilespmem:s17+$0x6440];
	v11 =	vadd.f32 v62, v12  }
0xd5: {  	s18 =	simm.s32 $0x1000;
	v27 =	vld [tilespmem:s17+$0x6450];
	v12 =	vadd.f32 v63, v59;
	v13 =	vadd.f32 v13, v60  }
.LBB2_5:
0xd6: {  	p1 =	sne.s32 s18, $0x18000;
	v33 =	vld [tilespmem:s17+$0x6470];
	v10 =	vadd.f32 v30, v10;
	v11 =	vadd.f32 v32, v11  }
0xd7: {  	v30 =	vld [tilespmem:s17+$0x64E0];
	v12 =	vadd.f32 v29, v12;
	v13 =	vadd.f32 v31, v13  }
0xd8: {  	v29 =	vld [tilespmem:s17+$0x64F0];
	v10 =	vadd.f32 v17, v10;
	v11 =	vadd.f32 v20, v11  }
0xd9: {  	v17 =	vld [tilespmem:s17+$0x6560];
	v12 =	vadd.f32 v21, v12;
	v13 =	vadd.f32 v25, v13  }
0xda: {  	v0 =	vadd.f32 v26, v0;
	v1 =	vadd.f32 v27, v1;
	v20 =	vld [tilespmem:s17+$0x6570]  }
0xdb: {  	v4 =	vadd.f32 v28, v4;
	v5 =	vadd.f32 v33, v5;
	v21 =	vld [tilespmem:s17+$0x65E0]  }
0xdc: {  	v0 =	vadd.f32 v23, v0;
	v1 =	vadd.f32 v24, v1;
	v23 =	vld [tilespmem:s17+$0x65F0]  }
0xdd: {  	v4 =	vadd.f32 v30, v4;
	v5 =	vadd.f32 v29, v5;
	v24 =	vld [tilespmem:s17+$0x6660]  }
0xde: {  	v0 =	vadd.f32 v19, v0;
	v1 =	vadd.f32 v22, v1;
	v19 =	vld [tilespmem:s17+$0x6670]  }
0xdf: {  	v4 =	vadd.f32 v17, v4;
	v5 =	vadd.f32 v20, v5;
	v20 =	vld [tilespmem:s17+$0x66E0]  }
0xe0: {  	v0 =	vadd.f32 v16, v0;
	v1 =	vadd.f32 v18, v1;
	v16 =	vld [tilespmem:s17+$0x66F0]  }
0xe1: {  	v4 =	vadd.f32 v21, v4;
	v5 =	vadd.f32 v23, v5;
	v18 =	vld [tilespmem:s17+$0x6760]  }
0xe2: {  	v0 =	vadd.f32 v8, v0;
	v1 =	vadd.f32 v9, v1;
	v8 =	vld [tilespmem:s17+$0x6770]  }
0xe3: {  	v4 =	vadd.f32 v24, v4;
	v5 =	vadd.f32 v19, v5;
	v9 =	vld [tilespmem:s17+$0x67E0]  }
0xe4: {  	v0 =	vadd.f32 v14, v0;
	v1 =	vadd.f32 v15, v1;
	v14 =	vld [tilespmem:s17+$0x67F0];
	s17 =	sshra.s32 s18, $0x2  }
0xe5: {  	v4 =	vadd.f32 v20, v4;
	v17 =	vld [tilespmem:s17+$0x6780];
	v5 =	vadd.f32 v16, v5  }
0xe6: {  	v0 =	vadd.f32 v6, v0;
	v1 =	vadd.f32 v7, v1;
	v20 =	vld [tilespmem:s17+$0x6790]  }
0xe7: {  	v4 =	vadd.f32 v18, v4;
	v21 =	vld [tilespmem:s17+$0x67A0];
	v5 =	vadd.f32 v8, v5  }
0xe8: {  	v0 =	vadd.f32 v2, v0;
	v1 =	vadd.f32 v3, v1;
	v25 =	vld [tilespmem:s17+$0x67B0]  }
0xe9: {  	v4 =	vadd.f32 v9, v4;
	v2 =	vld [tilespmem:s17+$0x67C0];
	v5 =	vadd.f32 v14, v5  }
0xea: {  	v3 =	vld [tilespmem:s17+$0x67D0]  }
0xeb: {  	v30 =	vld [tilespmem:s17+$0x6700]  }
0xec: {  	v32 =	vld [tilespmem:s17+$0x6710]  }
0xed: {  	v29 =	vld [tilespmem:s17+$0x6720]  }
0xee: {  	v31 =	vld [tilespmem:s17+$0x6730]  }
0xef: {  	v6 =	vld [tilespmem:s17+$0x6740]  }
0xf0: {  	v7 =	vld [tilespmem:s17+$0x6750]  }
0xf1: {  	v28 =	vld [tilespmem:s17+$0x6680]  }
0xf2: {  	v33 =	vld [tilespmem:s17+$0x6690]  }
0xf3: {  	v34 =	vld [tilespmem:s17+$0x66A0]  }
0xf4: {  	v35 =	vld [tilespmem:s17+$0x66B0]  }
0xf5: {  	v14 =	vld [tilespmem:s17+$0x66C0]  }
0xf6: {  	v15 =	vld [tilespmem:s17+$0x66D0]  }
0xf7: {  	v26 =	vld [tilespmem:s17+$0x6600]  }
0xf8: {  	v27 =	vld [tilespmem:s17+$0x6610]  }
0xf9: {  	v36 =	vld [tilespmem:s17+$0x6620]  }
0xfa: {  	v37 =	vld [tilespmem:s17+$0x6630]  }
0xfb: {  	v8 =	vld [tilespmem:s17+$0x6640]  }
0xfc: {  	v9 =	vld [tilespmem:s17+$0x6650]  }
0xfd: {  	v23 =	vld [tilespmem:s17+$0x6580]  }
0xfe: {  	v24 =	vld [tilespmem:s17+$0x6590]  }
0xff: {  	v18 =	vld [tilespmem:s17+$0x6500]  }
0x100: {  	v19 =	vld [tilespmem:s17+$0x6510]  }
0x101: {  	v16 =	vld [tilespmem:s17+$0x6480]  }
0x102: {  	v22 =	vld [tilespmem:s17+$0x6490]  }
0x103: {  	v38 =	vld [tilespmem:s17+$0x6400]  }
0x104: {  	v39 =	vld [tilespmem:s17+$0x6410]  }
0x105: {  	v40 =	vld [tilespmem:s17+$0x6420]  }
0x106: {  	v41 =	vld [tilespmem:s17+$0x6430]  }
0x107: {  	v42 =	vld [tilespmem:s17+$0x64A0]  }
0x108: {  	v43 =	vld [tilespmem:s17+$0x64B0]  }
0x109: {  	v44 =	vld [tilespmem:s17+$0x6520]  }
0x10a: {  	v10 =	vadd.f32 v38, v10;
	v11 =	vadd.f32 v39, v11;
	v38 =	vld [tilespmem:s17+$0x6530]  }
0x10b: {  	v12 =	vadd.f32 v40, v12;
	v13 =	vadd.f32 v41, v13;
	v39 =	vld [tilespmem:s17+$0x65A0]  }
0x10c: {  	v10 =	vadd.f32 v16, v10;
	v11 =	vadd.f32 v22, v11;
	v40 =	vld [tilespmem:s17+$0x65B0]  }
0x10d: {  	v12 =	vadd.f32 v42, v12;
	v13 =	vadd.f32 v43, v13;
	v16 =	vld [tilespmem:s17+$0x65C0]  }
0x10e: {  	v10 =	vadd.f32 v18, v10;
	v11 =	vadd.f32 v19, v11;
	v18 =	vld [tilespmem:s17+$0x65D0]  }
0x10f: {  	v12 =	vadd.f32 v44, v12;
	v13 =	vadd.f32 v38, v13;
	v19 =	vld [tilespmem:s17+$0x6540]  }
0x110: {  	v10 =	vadd.f32 v23, v10;
	v11 =	vadd.f32 v24, v11;
	v22 =	vld [tilespmem:s17+$0x6550]  }
.Ltmp3:
0x111: {  	v12 =	vadd.f32 v39, v12;
	v23 =	vld [tilespmem:s17+$0x64C0];
	v13 =	vadd.f32 v40, v13;
	(pc) =	sbr.rel @p1 .LBB2_5-.Ltmp3, $4  }
0x112: {  	v10 =	vadd.f32 v26, v10;
	v11 =	vadd.f32 v27, v11;
	v24 =	vld [tilespmem:s17+$0x64D0]  }
0x113: {  	v12 =	vadd.f32 v36, v12;
	v26 =	vld [tilespmem:s17+$0x6440];
	v13 =	vadd.f32 v37, v13  }
0x114: {  	v10 =	vadd.f32 v28, v10;
	v11 =	vadd.f32 v33, v11;
	v27 =	vld [tilespmem:s17+$0x6450]  }
0x115: {  	s18 =	sadd.s32 $0x1000, s18;
	v12 =	vadd.f32 v34, v12;
	v28 =	vld [tilespmem:s17+$0x6460];
	v13 =	vadd.f32 v35, v13  }
0x116: {  	v33 =	vld [tilespmem:s17+$0x6470];
	v10 =	vadd.f32 v30, v10;
	v11 =	vadd.f32 v32, v11  }
0x117: {  	v59 =	vld [tilespmem:s17+$0x64E0];
	v12 =	vadd.f32 v29, v12;
	v13 =	vadd.f32 v31, v13  }
0x118: {  	v31 =	vld [tilespmem:s17+$0x64F0];
	v30 =	vadd.f32 v17, v10;
	v29 =	vadd.f32 v20, v11  }
0x119: {  	v10 =	vld [tilespmem:s17+$0x6560];
	v0 =	vadd.f32 v26, v0;
	v20 =	vadd.f32 v21, v12  }
0x11a: {  	v11 =	vld [tilespmem:s17+$0x6570];
	v17 =	vadd.f32 v25, v13;
	v1 =	vadd.f32 v27, v1  }
0x11b: {  	v60 =	vld [tilespmem:s17+$0x65E0];
	v4 =	vadd.f32 v28, v4;
	v5 =	vadd.f32 v33, v5  }
0x11c: {  	v61 =	vld [tilespmem:s17+$0x65F0];
	v0 =	vadd.f32 v23, v0;
	v1 =	vadd.f32 v24, v1  }
0x11d: {  	v21 =	vld [tilespmem:s17+$0x6660];
	v4 =	vadd.f32 v59, v4;
	v5 =	vadd.f32 v31, v5  }
0x11e: {  	v0 =	vadd.f32 v19, v0;
	v19 =	vld [tilespmem:s17+$0x6670];
	v1 =	vadd.f32 v22, v1  }
0x11f: {  	v4 =	vadd.f32 v10, v4;
	v10 =	vld [tilespmem:s17+$0x66E0];
	v5 =	vadd.f32 v11, v5  }
0x120: {  	v0 =	vadd.f32 v16, v0;
	v1 =	vadd.f32 v18, v1;
	v11 =	vld [tilespmem:s17+$0x66F0]  }
0x121: {  	v62 =	vld [tilespmem:s17+$0x6760];
	v4 =	vadd.f32 v60, v4;
	v5 =	vadd.f32 v61, v5  }
0x122: {  	v0 =	vadd.f32 v8, v0;
	v8 =	vld [tilespmem:s17+$0x6770];
	v1 =	vadd.f32 v9, v1  }
0x123: {  	v63 =	vld [tilespmem:s17+$0x67F0];
	v4 =	vadd.f32 v21, v4;
	v5 =	vadd.f32 v19, v5  }
0x124: {  	v9 =	vld [tilespmem:s17+$0x67E0];
	v0 =	vadd.f32 v14, v0;
	v1 =	vadd.f32 v15, v1  }
.Ltmp4:
0x125: {  	v4 =	vadd.f32 v10, v4;
	v5 =	vadd.f32 v11, v5;
	(pc) =	sbr.rel @p0 .LBB2_8-.Ltmp4, $4  }
0x126: {  	v0 =	vadd.f32 v6, v0;
	v1 =	vadd.f32 v7, v1  }
0x127: {  	v4 =	vadd.f32 v62, v4;
	v5 =	vadd.f32 v8, v5  }
0x128: {  	v11 =	vadd.f32 v2, v0;
	v10 =	vadd.f32 v3, v1  }
0x129: {  	v9 =	vadd.f32 v9, v4;
	v8 =	vadd.f32 v63, v5  }
0x12a: {  	s17 =	smul.u32 $0x190, s16  }
.Ltmp5:
0x12b: {  	_ = 	snop;
	(pc) =	sbr.rel .LBB2_2-.Ltmp5, $4  }
0x12c: {  	s17 =	sadd.s32 s17, s7  }
0x12d: {  	s17 =	sshll.u32 s17, $0x4  }
0x12e: {  	s16 =	sadd.s32 $0x1, s16;
	s17 =	sadd.s32 s2, s17  }
0x12f: {  	[tilespmem:s10], [sflag:$0x2] =	stream.linear.gather [hbm4b:s17+s3], $0x6400, $0x38;
	[tilespmem:$0xC880] =	vst v63  }
.LBB2_9:
0x130: {  	_ =	sfence.sel $0x180000  }
0x131: {  	[bflag:$0x0] =	sbarrier.arrive $0xFFFF  }
0x132: {  	p0 =	sne.s32 s1, $0x0;
	_ =	strace $0x90000047  }
0x133: {  	s0 =	sadd.s32 @!p0 $0x100000, s0;
	[bflag:$0x2] =	sbarrier.arrive $0xFFFF  }
0x134: {  	[sflag:s0] =	ssyncadd.tile.s32 @!p0 $0x1;
	_ =	shalt  }
.Lfunc_end2:
_tile_overlayer_lowered:
.L_overlay_start_2:
0x135: {  	(tag) =	ssettag $0x2  }
0x136: {  	s0 =	rddreg [dreg:$0x0];
	s2 =	stileid.u32  }
0x137: {  	s1 =	rddreg [dreg:$0x1];
	p0 =	sne.s32 s2, $0x0  }
0x138: {  	s3 =	rddreg [dreg:$0x2];
	[bflag:$0x3] =	sbarrier.arrive $0xFFFF;
	s2 =	simm.s32 @!p0 $0x1C03  }
0x139: {  	[timem:s3], [sflag:s2] =	dma.local @!p0 [hbm:s0], s1  }
0x13a: {  	s0 =	simm.s32 @!p0 $0x3  }
0x13b: {  	_ =	swait.ge @!p0 [sflag:s0], s1  }
0x13c: {  	s1 =	ssub.s32 @!p0 $0x0, s1;
	[sflag:s0] =	ssyncset.done @!p0 $0x0  }
0x13d: {  	[sflag:s0] =	ssyncadd.s32 @!p0 s1  }
0x13e: {  	[bflag:$0x3] =	sbarrier.arrive $0xFFFF  }
0x13f: {  	_ =	shalt  }

</sc_bundles>
